<compile_context>
chip_gen: v7x
topology: tpu7x:2x2x1
jax: 0.10.2.dev20260603
libtpu: 0.0.44.dev20260713+nightly
codegen_flags: <defaults>
</compile_context>

<pallas_src>
import math

import jax
import jax.numpy as jnp
from jax import lax
from jax.experimental import pallas as pl
from jax.experimental.pallas import tpu as pltpu
from jax.experimental.pallas import tpu_sc as plsc

_N = 100000
_E = 1600000
_C = 128
_NCHUNKS = _E // _C
_NSUB = 16
_CHUNKS_PER_TILE = -(-_NCHUNKS // _NSUB)
_NODES_PER_TILE = _N // _NSUB
_NB = 50
_NW = _N // 8
_NWPAD = 12512
_WPT = _NWPAD // _NSUB
_INV_DIV = 1.0 / math.sqrt(8.0)


def _body(qtab, kvv, kss, vvv, vss, dst,
          ovec, oscal,
          accv_sh, accw_sh, dsti, qidx, widx, q_v, kv_v, ks_v, vv_v, vs_v,
          rows_v, wrows_v, nacc, naccw, onv, ons,
          sem_d, sem_g, sem_l, sem_s):
  cid = lax.axis_index("c")
  sid = lax.axis_index("s")
  iota = lax.iota(jnp.int32, 16)
  zf = jnp.zeros((16,), jnp.float32)

  def full(c):
    return jnp.full((16,), c, jnp.int32)

  @pl.loop(0, _C // 16)
  def _zero_rows(z):
    r = z * 16 + iota
    for c in range(16):
      plsc.store_scatter(rows_v, [r, full(c)], zf)

  nbase = sid * _NODES_PER_TILE

  @pl.loop(0, _NODES_PER_TILE // _C)
  def _zero_copy(t):
    pltpu.sync_copy(rows_v.at[pl.ds(0, _C)],
                    accv_sh.at[pl.ds(nbase + t * _C, _C)])

  _tail = _NODES_PER_TILE - (_NODES_PER_TILE // _C) * _C
  pltpu.sync_copy(rows_v.at[pl.ds(0, _tail)],
                  accv_sh.at[pl.ds(nbase + (_NODES_PER_TILE // _C) * _C,
                                   _tail)])

  wbase = sid * _WPT

  @pl.loop(0, _WPT // _C)
  def _zero_wcopy(t):
    pltpu.sync_copy(rows_v.at[pl.ds(0, _C)],
                    accw_sh.at[pl.ds(wbase + t * _C, _C)])

  _wtail = _WPT - (_WPT // _C) * _C
  pltpu.sync_copy(rows_v.at[pl.ds(0, _wtail)],
                  accw_sh.at[pl.ds(wbase + (_WPT // _C) * _C, _wtail)])
  plsc.subcore_barrier()

  plsc.subcore_barrier()

  @pl.loop(0, _NODES_PER_TILE // _NB)
  def _norm(t):
    n0 = nbase + t * _NB
    r0 = n0 // 8
    pltpu.sync_copy(accv_sh.at[pl.ds(n0, _NB)], nacc.at[pl.ds(0, _NB)])
    pltpu.sync_copy(accw_sh.at[pl.ds(r0, 8)], naccw.at[pl.ds(0, 8)])

    @pl.loop(0, -(-_NB // 16))
    def _ngroup(g):
      li = g * 16 + iota
      m = li < _NB
      gn = n0 + li
      lr = lax.shift_right_logical(gn, 3) - r0
      lc = (gn & 7) * 2
      w0 = plsc.load_gather(naccw, [lr, lc], mask=m)
      w1 = plsc.load_gather(naccw, [lr, lc + 1], mask=m)
      r0v = jnp.where(w0 != 0.0, 1.0 / w0, 0.0)
      r1v = jnp.where(w1 != 0.0, 1.0 / w1, 0.0)
      for c in range(12):
        r = r0v if c < 6 else r1v
        v = plsc.load_gather(nacc, [li, full(c)], mask=m)
        plsc.store_scatter(onv, [li, full(c)], v * r, mask=m)
      for c in range(4):
        r = r0v if c < 2 else r1v
        v = plsc.load_gather(nacc, [li, full(12 + c)], mask=m)
        plsc.store_scatter(ons, [li, full(c)], v * r, mask=m)

    pltpu.sync_copy(onv.at[pl.ds(0, _NB)], ovec.at[pl.ds(n0, _NB), cid])
    pltpu.sync_copy(ons.at[pl.ds(0, _NB)], oscal.at[pl.ds(n0, _NB), cid])


def kernel(q_vec, q_scalar, k_vec, k_scalar, v_vec, v_scalar, edge_index):
  N = q_vec.shape[0]
  E = k_vec.shape[0]
  dst = edge_index[1].astype(jnp.int32)

  qv = q_vec.reshape(N, 24)
  qs = q_scalar.reshape(N, 8)
  qtab = jnp.concatenate(
      [jnp.concatenate([qv[:, :12], qs[:, :4]], axis=1),
       jnp.concatenate([qv[:, 12:], qs[:, 4:]], axis=1)], axis=0)

  kvv = k_vec.reshape(E, 2, 12)
  kss = k_scalar.reshape(E, 2, 4)
  vvv = v_vec.reshape(E, 2, 12)
  vss = v_scalar.reshape(E, 2, 4)

  mesh = plsc.VectorSubcoreMesh(core_axis_name="c", subcore_axis_name="s")
  f32 = jnp.float32
  call = pl.kernel(
      _body,
      out_type=(jax.ShapeDtypeStruct((N, 2, 12), f32),
                jax.ShapeDtypeStruct((N, 2, 4), f32)),
      mesh=mesh,
      compiler_params=pltpu.CompilerParams(needs_layout_passes=False,
                                           use_tc_tiling_on_sc=False),
      scratch_types=[
          pltpu.VMEM_SHARED((_N, 16), f32),
          pltpu.VMEM_SHARED((_NWPAD, 16), f32),
          pltpu.VMEM((4, 128), jnp.int32),
          pltpu.VMEM((4, 128), jnp.int32),
          pltpu.VMEM((4, 128), jnp.int32),
          pltpu.VMEM((2 * _C, 16), f32),
          pltpu.VMEM((2 * _C, 12), f32),
          pltpu.VMEM((2 * _C, 4), f32),
          pltpu.VMEM((2 * _C, 12), f32),
          pltpu.VMEM((2 * _C, 4), f32),
          pltpu.VMEM((2 * _C, 16), f32),
          pltpu.VMEM((2 * _C, 16), f32),
          pltpu.VMEM((64, 16), f32),
          pltpu.VMEM((8, 16), f32),
          pltpu.VMEM((64, 12), f32),
          pltpu.VMEM((64, 4), f32),
          pltpu.SemaphoreType.DMA,
          pltpu.SemaphoreType.DMA,
          pltpu.SemaphoreType.DMA((2,)),
          pltpu.SemaphoreType.DMA((2,)),
      ],
  )
  ovec, oscal = call(qtab, kvv, kss, vvv, vss, dst)
  return ovec.reshape(N, 8, 3), oscal.reshape(N, 8, 1)

# --- scband reference (transcript-rebuilt; emitter-appended) ---
"""Pipeline reference for scband-attention-module-9088150798574 (READ-ONLY COPY).

The authoritative reference and input builder live on the scoring server;
editing this copy changes nothing except your own understanding.
"""

import jax, jax.numpy as jnp
import numpy as np
import math

HEADS = 4
N_NODES = 100000
N_EDGES = 1600000


def setup_inputs(seed: int = 0) -> dict:
    key = jax.random.key(seed)
    ks = jax.random.split(key, 7)
    N, E = N_NODES, N_EDGES
    return {
        "q_vec": jax.random.normal(ks[0], (N, 8, 3), dtype=jnp.float32),
        "q_scalar": jax.random.normal(ks[1], (N, 8, 1), dtype=jnp.float32),
        "k_vec": jax.random.normal(ks[2], (E, 8, 3), dtype=jnp.float32),
        "k_scalar": jax.random.normal(ks[3], (E, 8, 1), dtype=jnp.float32),
        "v_vec": jax.random.normal(ks[4], (E, 8, 3), dtype=jnp.float32),
        "v_scalar": jax.random.normal(ks[5], (E, 8, 1), dtype=jnp.float32),
        "edge_index": jax.random.randint(ks[6], (2, E), 0, N).astype(jnp.int64),
    }


def reference(q_vec, q_scalar, k_vec, k_scalar, v_vec, v_scalar, edge_index):
    heads = HEADS
    N = q_vec.shape[0]
    E = k_vec.shape[0]
    dst = edge_index[1]

    # vectorize_dict: reshape each entry to (B, heads, -1) and concat on last dim
    query = jnp.concatenate(
        [q_vec.reshape(N, heads, -1), q_scalar.reshape(N, heads, -1)], axis=-1
    )  # [N, heads, d]
    key_e = jnp.concatenate(
        [k_vec.reshape(E, heads, -1), k_scalar.reshape(E, heads, -1)], axis=-1
    )  # [E, heads, d]

    div_term = math.sqrt(query.shape[-1])

    # fn.e_dot_v('key', 'query', 'attn'): per-edge dot of edge key with dst-node query
    attn = jnp.sum(key_e * query[dst], axis=-1, keepdims=True) / div_term  # [E, heads, 1]

    # edge_softmax over incoming edges of each dst node (per head)
    amax = jax.ops.segment_max(attn, dst, num_segments=N)
    ex = jnp.exp(attn - amax[dst])
    denom = jax.ops.segment_sum(ex, dst, num_segments=N)
    attn = ex / denom[dst]  # [E, heads, 1]

    # dropout p=0.0 is identity
    outs = []
    for val in (v_vec, v_scalar):
        m_in, dim = val.shape[1], val.shape[2]
        msg = val.reshape(E, heads, -1, dim) * attn[..., None]  # [E, heads, m/h, dim]
        agg = jax.ops.segment_sum(msg, dst, num_segments=N)  # [N, heads, m/h, dim]
        outs.append(agg.reshape(N, m_in, dim))
    return (outs[0], outs[1])

if __name__ == "__main__":
    import jax
    _d = setup_inputs()
    print(jax.jit(kernel)(*tuple(_d.values())))

</pallas_src>

<mosaic_0001>
#map = affine_map<(d0, d1) -> (0, 0)>
#map1 = affine_map<(d0, d1) -> (0, 0, 0)>
#map2 = affine_map<(d0, d1) -> (0)>
module attributes {stable_mosaic.version = 14 : i64} {
  func.func @_body(%arg0: i32, %arg1: i32, %arg2: memref<200000x16xf32, #tpu.memory_space<hbm>>, %arg3: memref<1600000x2x12xf32, #tpu.memory_space<hbm>>, %arg4: memref<1600000x2x4xf32, #tpu.memory_space<hbm>>, %arg5: memref<1600000x2x12xf32, #tpu.memory_space<hbm>>, %arg6: memref<1600000x2x4xf32, #tpu.memory_space<hbm>>, %arg7: memref<1600000xi32, #tpu.memory_space<hbm>>, %arg8: memref<100000x2x12xf32, #tpu.memory_space<hbm>>, %arg9: memref<100000x2x4xf32, #tpu.memory_space<hbm>>, %arg10: memref<100000x16xf32, #tpu.memory_space<vmem_shared>>, %arg11: memref<12512x16xf32, #tpu.memory_space<vmem_shared>>, %arg12: memref<4x128xi32, #tpu.memory_space<vmem>>, %arg13: memref<4x128xi32, #tpu.memory_space<vmem>>, %arg14: memref<4x128xi32, #tpu.memory_space<vmem>>, %arg15: memref<256x16xf32, #tpu.memory_space<vmem>>, %arg16: memref<256x12xf32, #tpu.memory_space<vmem>>, %arg17: memref<256x4xf32, #tpu.memory_space<vmem>>, %arg18: memref<256x12xf32, #tpu.memory_space<vmem>>, %arg19: memref<256x4xf32, #tpu.memory_space<vmem>>, %arg20: memref<256x16xf32, #tpu.memory_space<vmem>>, %arg21: memref<256x16xf32, #tpu.memory_space<vmem>>, %arg22: memref<64x16xf32, #tpu.memory_space<vmem>>, %arg23: memref<8x16xf32, #tpu.memory_space<vmem>>, %arg24: memref<64x12xf32, #tpu.memory_space<vmem>>, %arg25: memref<64x4xf32, #tpu.memory_space<vmem>>, %arg26: memref<!tpu.dma_semaphore, #tpu.memory_space<semaphore_mem>>, %arg27: memref<!tpu.dma_semaphore, #tpu.memory_space<semaphore_mem>>, %arg28: memref<2x!tpu.dma_semaphore, #tpu.memory_space<semaphore_mem>>, %arg29: memref<2x!tpu.dma_semaphore, #tpu.memory_space<semaphore_mem>>) attributes {dimension_semantics = [#tpu.dimension_semantics<core_parallel>, #tpu.dimension_semantics<subcore_parallel>], iteration_bounds = array<i64: 2, 16>, scalar_prefetch = 0 : i64, scratch_operands = 20 : i64, tpu.core_type = #tpu.core_type<sc_vector_subcore>, window_params = [{transform_indices = #map}, {transform_indices = #map1}, {transform_indices = #map1}, {transform_indices = #map1}, {transform_indices = #map1}, {transform_indices = #map2}, {transform_indices = #map1}, {transform_indices = #map1}]} {
    %iota3A = tpu.iota {dimensions = array<i32: 0>} : vector<16xi32>
    %broadcast_in_dim3A = arith.constant 0.000000e+00 : f32
    %broadcast_in_dim3A_0 = vector.broadcast %broadcast_in_dim3A : f32 to vector<16xf32>
    %scan3A = arith.constant 0 : i32
    %scan3A_1 = arith.constant 8 : i32
    %scan3A_2 = arith.addi %scan3A, %scan3A_1 : i32
    %scan3A_3 = arith.constant 1 : i32
    scf.for %scan3A_27 = %scan3A to %scan3A_2 step %scan3A_3  : i32 {
      %mul3A_28 = arith.constant 1 : i32
      %mul3A_29 = arith.muli %scan3A_27, %mul3A_28 : i32
      %add3A_30 = arith.constant 0 : i32
      %add3A_31 = arith.addi %add3A_30, %mul3A_29 : i32
      %mul3A_32 = arith.constant 16 : i32
      %mul3A_33 = arith.muli %add3A_31, %mul3A_32 : i32
      %add3A_34 = vector.broadcast %mul3A_33 : i32 to vector<16xi32>
      %add3A_35 = arith.addi %add3A_34, %iota3A : vector<16xi32>
      %broadcast_in_dim3A_36 = arith.constant 0 : i32
      %broadcast_in_dim3A_37 = vector.broadcast %broadcast_in_dim3A_36 : i32 to vector<16xi32>
      tpu.vector_store_idx %arg20[%add3A_35, %broadcast_in_dim3A_37], %broadcast_in_dim3A_0 : memref<256x16xf32, #tpu.memory_space<vmem>>[vector<16xi32>, vector<16xi32>], vector<16xf32>,
      %broadcast_in_dim3A_38 = arith.constant 1 : i32
      %broadcast_in_dim3A_39 = vector.broadcast %broadcast_in_dim3A_38 : i32 to vector<16xi32>
      tpu.vector_store_idx %arg20[%add3A_35, %broadcast_in_dim3A_39], %broadcast_in_dim3A_0 : memref<256x16xf32, #tpu.memory_space<vmem>>[vector<16xi32>, vector<16xi32>], vector<16xf32>,
      %broadcast_in_dim3A_40 = arith.constant 2 : i32
      %broadcast_in_dim3A_41 = vector.broadcast %broadcast_in_dim3A_40 : i32 to vector<16xi32>
      tpu.vector_store_idx %arg20[%add3A_35, %broadcast_in_dim3A_41], %broadcast_in_dim3A_0 : memref<256x16xf32, #tpu.memory_space<vmem>>[vector<16xi32>, vector<16xi32>], vector<16xf32>,
      %broadcast_in_dim3A_42 = arith.constant 3 : i32
      %broadcast_in_dim3A_43 = vector.broadcast %broadcast_in_dim3A_42 : i32 to vector<16xi32>
      tpu.vector_store_idx %arg20[%add3A_35, %broadcast_in_dim3A_43], %broadcast_in_dim3A_0 : memref<256x16xf32, #tpu.memory_space<vmem>>[vector<16xi32>, vector<16xi32>], vector<16xf32>,
      %broadcast_in_dim3A_44 = arith.constant 4 : i32
      %broadcast_in_dim3A_45 = vector.broadcast %broadcast_in_dim3A_44 : i32 to vector<16xi32>
      tpu.vector_store_idx %arg20[%add3A_35, %broadcast_in_dim3A_45], %broadcast_in_dim3A_0 : memref<256x16xf32, #tpu.memory_space<vmem>>[vector<16xi32>, vector<16xi32>], vector<16xf32>,
      %broadcast_in_dim3A_46 = arith.constant 5 : i32
      %broadcast_in_dim3A_47 = vector.broadcast %broadcast_in_dim3A_46 : i32 to vector<16xi32>
      tpu.vector_store_idx %arg20[%add3A_35, %broadcast_in_dim3A_47], %broadcast_in_dim3A_0 : memref<256x16xf32, #tpu.memory_space<vmem>>[vector<16xi32>, vector<16xi32>], vector<16xf32>,
      %broadcast_in_dim3A_48 = arith.constant 6 : i32
      %broadcast_in_dim3A_49 = vector.broadcast %broadcast_in_dim3A_48 : i32 to vector<16xi32>
      tpu.vector_store_idx %arg20[%add3A_35, %broadcast_in_dim3A_49], %broadcast_in_dim3A_0 : memref<256x16xf32, #tpu.memory_space<vmem>>[vector<16xi32>, vector<16xi32>], vector<16xf32>,
      %broadcast_in_dim3A_50 = arith.constant 7 : i32
      %broadcast_in_dim3A_51 = vector.broadcast %broadcast_in_dim3A_50 : i32 to vector<16xi32>
      tpu.vector_store_idx %arg20[%add3A_35, %broadcast_in_dim3A_51], %broadcast_in_dim3A_0 : memref<256x16xf32, #tpu.memory_space<vmem>>[vector<16xi32>, vector<16xi32>], vector<16xf32>,
      %broadcast_in_dim3A_52 = arith.constant 8 : i32
      %broadcast_in_dim3A_53 = vector.broadcast %broadcast_in_dim3A_52 : i32 to vector<16xi32>
      tpu.vector_store_idx %arg20[%add3A_35, %broadcast_in_dim3A_53], %broadcast_in_dim3A_0 : memref<256x16xf32, #tpu.memory_space<vmem>>[vector<16xi32>, vector<16xi32>], vector<16xf32>,
      %broadcast_in_dim3A_54 = arith.constant 9 : i32
      %broadcast_in_dim3A_55 = vector.broadcast %broadcast_in_dim3A_54 : i32 to vector<16xi32>
      tpu.vector_store_idx %arg20[%add3A_35, %broadcast_in_dim3A_55], %broadcast_in_dim3A_0 : memref<256x16xf32, #tpu.memory_space<vmem>>[vector<16xi32>, vector<16xi32>], vector<16xf32>,
      %broadcast_in_dim3A_56 = arith.constant 10 : i32
      %broadcast_in_dim3A_57 = vector.broadcast %broadcast_in_dim3A_56 : i32 to vector<16xi32>
      tpu.vector_store_idx %arg20[%add3A_35, %broadcast_in_dim3A_57], %broadcast_in_dim3A_0 : memref<256x16xf32, #tpu.memory_space<vmem>>[vector<16xi32>, vector<16xi32>], vector<16xf32>,
      %broadcast_in_dim3A_58 = arith.constant 11 : i32
      %broadcast_in_dim3A_59 = vector.broadcast %broadcast_in_dim3A_58 : i32 to vector<16xi32>
      tpu.vector_store_idx %arg20[%add3A_35, %broadcast_in_dim3A_59], %broadcast_in_dim3A_0 : memref<256x16xf32, #tpu.memory_space<vmem>>[vector<16xi32>, vector<16xi32>], vector<16xf32>,
      %broadcast_in_dim3A_60 = arith.constant 12 : i32
      %broadcast_in_dim3A_61 = vector.broadcast %broadcast_in_dim3A_60 : i32 to vector<16xi32>
      tpu.vector_store_idx %arg20[%add3A_35, %broadcast_in_dim3A_61], %broadcast_in_dim3A_0 : memref<256x16xf32, #tpu.memory_space<vmem>>[vector<16xi32>, vector<16xi32>], vector<16xf32>,
      %broadcast_in_dim3A_62 = arith.constant 13 : i32
      %broadcast_in_dim3A_63 = vector.broadcast %broadcast_in_dim3A_62 : i32 to vector<16xi32>
      tpu.vector_store_idx %arg20[%add3A_35, %broadcast_in_dim3A_63], %broadcast_in_dim3A_0 : memref<256x16xf32, #tpu.memory_space<vmem>>[vector<16xi32>, vector<16xi32>], vector<16xf32>,
      %broadcast_in_dim3A_64 = arith.constant 14 : i32
      %broadcast_in_dim3A_65 = vector.broadcast %broadcast_in_dim3A_64 : i32 to vector<16xi32>
      tpu.vector_store_idx %arg20[%add3A_35, %broadcast_in_dim3A_65], %broadcast_in_dim3A_0 : memref<256x16xf32, #tpu.memory_space<vmem>>[vector<16xi32>, vector<16xi32>], vector<16xf32>,
      %broadcast_in_dim3A_66 = arith.constant 15 : i32
      %broadcast_in_dim3A_67 = vector.broadcast %broadcast_in_dim3A_66 : i32 to vector<16xi32>
      tpu.vector_store_idx %arg20[%add3A_35, %broadcast_in_dim3A_67], %broadcast_in_dim3A_0 : memref<256x16xf32, #tpu.memory_space<vmem>>[vector<16xi32>, vector<16xi32>], vector<16xf32>,
    }
    %scan3A_4 = arith.constant 8 : i32
    %mul3A = arith.constant 6250 : i32
    %mul3A_5 = arith.muli %arg1, %mul3A : i32
    %scan3A_6 = arith.constant 0 : i32
    %scan3A_7 = arith.constant 48 : i32
    %scan3A_8 = arith.addi %scan3A_6, %scan3A_7 : i32
    %scan3A_9 = arith.constant 1 : i32
    scf.for %scan3A_27 = %scan3A_6 to %scan3A_8 step %scan3A_9  : i32 {
      %mul3A_28 = arith.constant 1 : i32
      %mul3A_29 = arith.muli %scan3A_27, %mul3A_28 : i32
      %add3A_30 = arith.constant 0 : i32
      %add3A_31 = arith.addi %add3A_30, %mul3A_29 : i32
      %mul3A_32 = arith.constant 128 : i32
      %mul3A_33 = arith.muli %add3A_31, %mul3A_32 : i32
      %add3A_34 = arith.addi %mul3A_5, %mul3A_33 : i32
      "tpu.region"() ({
        %run_scoped3A = tpu.sem_alloc : memref<!tpu.dma_semaphore, #tpu.memory_space<semaphore_mem>>
        %dma_start3A = arith.constant 0 : i32
        %dma_start3A_35 = arith.constant 0 : i32
        %dma_start3A_36 = tpu.memref_slice %arg20[%dma_start3A, %dma_start3A_35] : memref<256x16xf32, #tpu.memory_space<vmem>> -> memref<128x16xf32, #tpu.memory_space<vmem>>
        %dma_start3A_37 = arith.constant 0 : i32
        %dma_start3A_38 = tpu.memref_slice %arg10[%add3A_34, %dma_start3A_37] : memref<100000x16xf32, #tpu.memory_space<vmem_shared>> -> memref<128x16xf32, #tpu.memory_space<vmem_shared>>
        %dma_start3A_39 = arith.constant 0 : i32
        %dma_start3A_40 = tpu.memref_slice %arg10[%add3A_34, %dma_start3A_39] : memref<100000x16xf32, #tpu.memory_space<vmem_shared>> -> memref<128x16xf32, #tpu.memory_space<vmem_shared>>
        %dma_start3A_41 = arith.constant 0 : i32
        %dma_start3A_42 = arith.constant 0 : i32
        %dma_start3A_43 = tpu.memref_slice %arg20[%dma_start3A_41, %dma_start3A_42] : memref<256x16xf32, #tpu.memory_space<vmem>> -> memref<128x16xf32, #tpu.memory_space<vmem>>
        tpu.enqueue_dma source(%dma_start3A_43 : memref<128x16xf32, #tpu.memory_space<vmem>>) target(%dma_start3A_40 : memref<128x16xf32, #tpu.memory_space<vmem_shared>>) target_semaphore(%run_scoped3A : memref<!tpu.dma_semaphore, #tpu.memory_space<semaphore_mem>>)
        %dma_wait3A = arith.constant 0 : i32
        %dma_wait3A_44 = arith.constant 0 : i32
        %dma_wait3A_45 = tpu.memref_slice %arg20[%dma_wait3A, %dma_wait3A_44] : memref<256x16xf32, #tpu.memory_space<vmem>> -> memref<128x16xf32, #tpu.memory_space<vmem>>
        %dma_wait3A_46 = arith.constant 0 : i32
        %dma_wait3A_47 = tpu.memref_slice %arg10[%add3A_34, %dma_wait3A_46] : memref<100000x16xf32, #tpu.memory_space<vmem_shared>> -> memref<128x16xf32, #tpu.memory_space<vmem_shared>>
        %dma_wait3A_48 = arith.constant 0 : i32
        %dma_wait3A_49 = tpu.memref_slice %arg10[%add3A_34, %dma_wait3A_48] : memref<100000x16xf32, #tpu.memory_space<vmem_shared>> -> memref<128x16xf32, #tpu.memory_space<vmem_shared>>
        %dma_wait3A_50 = arith.constant 0 : i32
        %dma_wait3A_51 = arith.constant 0 : i32
        %dma_wait3A_52 = tpu.memref_slice %arg20[%dma_wait3A_50, %dma_wait3A_51] : memref<256x16xf32, #tpu.memory_space<vmem>> -> memref<128x16xf32, #tpu.memory_space<vmem>>
        tpu.wait_dma2 semaphore(%run_scoped3A : memref<!tpu.dma_semaphore, #tpu.memory_space<semaphore_mem>>) src(%dma_wait3A_52 : memref<128x16xf32, #tpu.memory_space<vmem>>) dst(%dma_wait3A_49 : memref<128x16xf32, #tpu.memory_space<vmem_shared>>)
        tpu.yield
      }) : () -> ()
    }
    %scan3A_10 = arith.constant 48 : i32
    %add3A = arith.constant 6144 : i32
    %add3A_11 = arith.addi %mul3A_5, %add3A : i32
    "tpu.region"() ({
      %run_scoped3A = tpu.sem_alloc : memref<!tpu.dma_semaphore, #tpu.memory_space<semaphore_mem>>
      %dma_start3A = arith.constant 0 : i32
      %dma_start3A_27 = arith.constant 0 : i32
      %dma_start3A_28 = tpu.memref_slice %arg20[%dma_start3A, %dma_start3A_27] : memref<256x16xf32, #tpu.memory_space<vmem>> -> memref<106x16xf32, #tpu.memory_space<vmem>>
      %dma_start3A_29 = arith.constant 0 : i32
      %dma_start3A_30 = tpu.memref_slice %arg10[%add3A_11, %dma_start3A_29] : memref<100000x16xf32, #tpu.memory_space<vmem_shared>> -> memref<106x16xf32, #tpu.memory_space<vmem_shared>>
      %dma_start3A_31 = arith.constant 0 : i32
      %dma_start3A_32 = tpu.memref_slice %arg10[%add3A_11, %dma_start3A_31] : memref<100000x16xf32, #tpu.memory_space<vmem_shared>> -> memref<106x16xf32, #tpu.memory_space<vmem_shared>>
      %dma_start3A_33 = arith.constant 0 : i32
      %dma_start3A_34 = arith.constant 0 : i32
      %dma_start3A_35 = tpu.memref_slice %arg20[%dma_start3A_33, %dma_start3A_34] : memref<256x16xf32, #tpu.memory_space<vmem>> -> memref<106x16xf32, #tpu.memory_space<vmem>>
      tpu.enqueue_dma source(%dma_start3A_35 : memref<106x16xf32, #tpu.memory_space<vmem>>) target(%dma_start3A_32 : memref<106x16xf32, #tpu.memory_space<vmem_shared>>) target_semaphore(%run_scoped3A : memref<!tpu.dma_semaphore, #tpu.memory_space<semaphore_mem>>)
      %dma_wait3A = arith.constant 0 : i32
      %dma_wait3A_36 = arith.constant 0 : i32
      %dma_wait3A_37 = tpu.memref_slice %arg20[%dma_wait3A, %dma_wait3A_36] : memref<256x16xf32, #tpu.memory_space<vmem>> -> memref<106x16xf32, #tpu.memory_space<vmem>>
      %dma_wait3A_38 = arith.constant 0 : i32
      %dma_wait3A_39 = tpu.memref_slice %arg10[%add3A_11, %dma_wait3A_38] : memref<100000x16xf32, #tpu.memory_space<vmem_shared>> -> memref<106x16xf32, #tpu.memory_space<vmem_shared>>
      %dma_wait3A_40 = arith.constant 0 : i32
      %dma_wait3A_41 = tpu.memref_slice %arg10[%add3A_11, %dma_wait3A_40] : memref<100000x16xf32, #tpu.memory_space<vmem_shared>> -> memref<106x16xf32, #tpu.memory_space<vmem_shared>>
      %dma_wait3A_42 = arith.constant 0 : i32
      %dma_wait3A_43 = arith.constant 0 : i32
      %dma_wait3A_44 = tpu.memref_slice %arg20[%dma_wait3A_42, %dma_wait3A_43] : memref<256x16xf32, #tpu.memory_space<vmem>> -> memref<106x16xf32, #tpu.memory_space<vmem>>
      tpu.wait_dma2 semaphore(%run_scoped3A : memref<!tpu.dma_semaphore, #tpu.memory_space<semaphore_mem>>) src(%dma_wait3A_44 : memref<106x16xf32, #tpu.memory_space<vmem>>) dst(%dma_wait3A_41 : memref<106x16xf32, #tpu.memory_space<vmem_shared>>)
      tpu.yield
    }) : () -> ()
    %mul3A_12 = arith.constant 782 : i32
    %mul3A_13 = arith.muli %arg1, %mul3A_12 : i32
    %scan3A_14 = arith.constant 0 : i32
    %scan3A_15 = arith.constant 6 : i32
    %scan3A_16 = arith.addi %scan3A_14, %scan3A_15 : i32
    %scan3A_17 = arith.constant 1 : i32
    scf.for %scan3A_27 = %scan3A_14 to %scan3A_16 step %scan3A_17  : i32 {
      %mul3A_28 = arith.constant 1 : i32
      %mul3A_29 = arith.muli %scan3A_27, %mul3A_28 : i32
      %add3A_30 = arith.constant 0 : i32
      %add3A_31 = arith.addi %add3A_30, %mul3A_29 : i32
      %mul3A_32 = arith.constant 128 : i32
      %mul3A_33 = arith.muli %add3A_31, %mul3A_32 : i32
      %add3A_34 = arith.addi %mul3A_13, %mul3A_33 : i32
      "tpu.region"() ({
        %run_scoped3A = tpu.sem_alloc : memref<!tpu.dma_semaphore, #tpu.memory_space<semaphore_mem>>
        %dma_start3A = arith.constant 0 : i32
        %dma_start3A_35 = arith.constant 0 : i32
        %dma_start3A_36 = tpu.memref_slice %arg20[%dma_start3A, %dma_start3A_35] : memref<256x16xf32, #tpu.memory_space<vmem>> -> memref<128x16xf32, #tpu.memory_space<vmem>>
        %dma_start3A_37 = arith.constant 0 : i32
        %dma_start3A_38 = tpu.memref_slice %arg11[%add3A_34, %dma_start3A_37] : memref<12512x16xf32, #tpu.memory_space<vmem_shared>> -> memref<128x16xf32, #tpu.memory_space<vmem_shared>>
        %dma_start3A_39 = arith.constant 0 : i32
        %dma_start3A_40 = tpu.memref_slice %arg11[%add3A_34, %dma_start3A_39] : memref<12512x16xf32, #tpu.memory_space<vmem_shared>> -> memref<128x16xf32, #tpu.memory_space<vmem_shared>>
        %dma_start3A_41 = arith.constant 0 : i32
        %dma_start3A_42 = arith.constant 0 : i32
        %dma_start3A_43 = tpu.memref_slice %arg20[%dma_start3A_41, %dma_start3A_42] : memref<256x16xf32, #tpu.memory_space<vmem>> -> memref<128x16xf32, #tpu.memory_space<vmem>>
        tpu.enqueue_dma source(%dma_start3A_43 : memref<128x16xf32, #tpu.memory_space<vmem>>) target(%dma_start3A_40 : memref<128x16xf32, #tpu.memory_space<vmem_shared>>) target_semaphore(%run_scoped3A : memref<!tpu.dma_semaphore, #tpu.memory_space<semaphore_mem>>)
        %dma_wait3A = arith.constant 0 : i32
        %dma_wait3A_44 = arith.constant 0 : i32
        %dma_wait3A_45 = tpu.memref_slice %arg20[%dma_wait3A, %dma_wait3A_44] : memref<256x16xf32, #tpu.memory_space<vmem>> -> memref<128x16xf32, #tpu.memory_space<vmem>>
        %dma_wait3A_46 = arith.constant 0 : i32
        %dma_wait3A_47 = tpu.memref_slice %arg11[%add3A_34, %dma_wait3A_46] : memref<12512x16xf32, #tpu.memory_space<vmem_shared>> -> memref<128x16xf32, #tpu.memory_space<vmem_shared>>
        %dma_wait3A_48 = arith.constant 0 : i32
        %dma_wait3A_49 = tpu.memref_slice %arg11[%add3A_34, %dma_wait3A_48] : memref<12512x16xf32, #tpu.memory_space<vmem_shared>> -> memref<128x16xf32, #tpu.memory_space<vmem_shared>>
        %dma_wait3A_50 = arith.constant 0 : i32
        %dma_wait3A_51 = arith.constant 0 : i32
        %dma_wait3A_52 = tpu.memref_slice %arg20[%dma_wait3A_50, %dma_wait3A_51] : memref<256x16xf32, #tpu.memory_space<vmem>> -> memref<128x16xf32, #tpu.memory_space<vmem>>
        tpu.wait_dma2 semaphore(%run_scoped3A : memref<!tpu.dma_semaphore, #tpu.memory_space<semaphore_mem>>) src(%dma_wait3A_52 : memref<128x16xf32, #tpu.memory_space<vmem>>) dst(%dma_wait3A_49 : memref<128x16xf32, #tpu.memory_space<vmem_shared>>)
        tpu.yield
      }) : () -> ()
    }
    %scan3A_18 = arith.constant 6 : i32
    %add3A_19 = arith.constant 768 : i32
    %add3A_20 = arith.addi %mul3A_13, %add3A_19 : i32
    "tpu.region"() ({
      %run_scoped3A = tpu.sem_alloc : memref<!tpu.dma_semaphore, #tpu.memory_space<semaphore_mem>>
      %dma_start3A = arith.constant 0 : i32
      %dma_start3A_27 = arith.constant 0 : i32
      %dma_start3A_28 = tpu.memref_slice %arg20[%dma_start3A, %dma_start3A_27] : memref<256x16xf32, #tpu.memory_space<vmem>> -> memref<14x16xf32, #tpu.memory_space<vmem>>
      %dma_start3A_29 = arith.constant 0 : i32
      %dma_start3A_30 = tpu.memref_slice %arg11[%add3A_20, %dma_start3A_29] : memref<12512x16xf32, #tpu.memory_space<vmem_shared>> -> memref<14x16xf32, #tpu.memory_space<vmem_shared>>
      %dma_start3A_31 = arith.constant 0 : i32
      %dma_start3A_32 = tpu.memref_slice %arg11[%add3A_20, %dma_start3A_31] : memref<12512x16xf32, #tpu.memory_space<vmem_shared>> -> memref<14x16xf32, #tpu.memory_space<vmem_shared>>
      %dma_start3A_33 = arith.constant 0 : i32
      %dma_start3A_34 = arith.constant 0 : i32
      %dma_start3A_35 = tpu.memref_slice %arg20[%dma_start3A_33, %dma_start3A_34] : memref<256x16xf32, #tpu.memory_space<vmem>> -> memref<14x16xf32, #tpu.memory_space<vmem>>
      tpu.enqueue_dma source(%dma_start3A_35 : memref<14x16xf32, #tpu.memory_space<vmem>>) target(%dma_start3A_32 : memref<14x16xf32, #tpu.memory_space<vmem_shared>>) target_semaphore(%run_scoped3A : memref<!tpu.dma_semaphore, #tpu.memory_space<semaphore_mem>>)
      %dma_wait3A = arith.constant 0 : i32
      %dma_wait3A_36 = arith.constant 0 : i32
      %dma_wait3A_37 = tpu.memref_slice %arg20[%dma_wait3A, %dma_wait3A_36] : memref<256x16xf32, #tpu.memory_space<vmem>> -> memref<14x16xf32, #tpu.memory_space<vmem>>
      %dma_wait3A_38 = arith.constant 0 : i32
      %dma_wait3A_39 = tpu.memref_slice %arg11[%add3A_20, %dma_wait3A_38] : memref<12512x16xf32, #tpu.memory_space<vmem_shared>> -> memref<14x16xf32, #tpu.memory_space<vmem_shared>>
      %dma_wait3A_40 = arith.constant 0 : i32
      %dma_wait3A_41 = tpu.memref_slice %arg11[%add3A_20, %dma_wait3A_40] : memref<12512x16xf32, #tpu.memory_space<vmem_shared>> -> memref<14x16xf32, #tpu.memory_space<vmem_shared>>
      %dma_wait3A_42 = arith.constant 0 : i32
      %dma_wait3A_43 = arith.constant 0 : i32
      %dma_wait3A_44 = tpu.memref_slice %arg20[%dma_wait3A_42, %dma_wait3A_43] : memref<256x16xf32, #tpu.memory_space<vmem>> -> memref<14x16xf32, #tpu.memory_space<vmem>>
      tpu.wait_dma2 semaphore(%run_scoped3A : memref<!tpu.dma_semaphore, #tpu.memory_space<semaphore_mem>>) src(%dma_wait3A_44 : memref<14x16xf32, #tpu.memory_space<vmem>>) dst(%dma_wait3A_41 : memref<14x16xf32, #tpu.memory_space<vmem_shared>>)
      tpu.yield
    }) : () -> ()
    %barrier3A = arith.constant 0 : index
    tpu.barrier barrier_id(%barrier3A)
    %barrier3A_21 = arith.constant 0 : index
    tpu.barrier barrier_id(%barrier3A_21)
    %scan3A_22 = arith.constant 0 : i32
    %scan3A_23 = arith.constant 125 : i32
    %scan3A_24 = arith.addi %scan3A_22, %scan3A_23 : i32
    %scan3A_25 = arith.constant 1 : i32
    scf.for %scan3A_27 = %scan3A_22 to %scan3A_24 step %scan3A_25  : i32 {
      %mul3A_28 = arith.constant 1 : i32
      %mul3A_29 = arith.muli %scan3A_27, %mul3A_28 : i32
      %add3A_30 = arith.constant 0 : i32
      %add3A_31 = arith.addi %add3A_30, %mul3A_29 : i32
      %mul3A_32 = arith.constant 50 : i32
      %mul3A_33 = arith.muli %add3A_31, %mul3A_32 : i32
      %add3A_34 = arith.addi %mul3A_5, %mul3A_33 : i32
      %jit3A = arith.constant 8 : i32
      %div3A = arith.divsi %add3A_34, %jit3A : i32
      %sign3A = arith.constant 0 : i32
      %sign3A_35 = arith.cmpi sgt, %add3A_34, %sign3A : i32
      %sign3A_36 = arith.extui %sign3A_35 : i1 to i32
      %sign3A_37 = arith.constant 0 : i32
      %sign3A_38 = arith.cmpi slt, %add3A_34, %sign3A_37 : i32
      %sign3A_39 = arith.extui %sign3A_38 : i1 to i32
      %sign3A_40 = arith.subi %sign3A_36, %sign3A_39 : i32
      %sign3A_41 = arith.constant 0 : i32
      %sign3A_42 = arith.cmpi sgt, %jit3A, %sign3A_41 : i32
      %sign3A_43 = arith.extui %sign3A_42 : i1 to i32
      %sign3A_44 = arith.constant 0 : i32
      %sign3A_45 = arith.cmpi slt, %jit3A, %sign3A_44 : i32
      %sign3A_46 = arith.extui %sign3A_45 : i1 to i32
      %sign3A_47 = arith.subi %sign3A_43, %sign3A_46 : i32
      %ne3A = arith.cmpi ne, %sign3A_40, %sign3A_47 : i32
      %rem3A = arith.remsi %add3A_34, %jit3A : i32
      %ne3A_48 = arith.constant 0 : i32
      %ne3A_49 = arith.cmpi ne, %rem3A, %ne3A_48 : i32
      %and3A = arith.andi %ne3A, %ne3A_49 : i1
      %sub3A = arith.constant 1 : i32
      %sub3A_50 = arith.subi %div3A, %sub3A : i32
      %select_n3A = arith.select %and3A, %sub3A_50, %div3A : i32
      "tpu.region"() ({
        %run_scoped3A = tpu.sem_alloc : memref<!tpu.dma_semaphore, #tpu.memory_space<semaphore_mem>>
        %dma_start3A = arith.constant 0 : i32
        %dma_start3A_56 = arith.constant 0 : i32
        %dma_start3A_57 = tpu.memref_slice %arg22[%dma_start3A, %dma_start3A_56] : memref<64x16xf32, #tpu.memory_space<vmem>> -> memref<50x16xf32, #tpu.memory_space<vmem>>
        %dma_start3A_58 = arith.constant 0 : i32
        %dma_start3A_59 = tpu.memref_slice %arg10[%add3A_34, %dma_start3A_58] : memref<100000x16xf32, #tpu.memory_space<vmem_shared>> -> memref<50x16xf32, #tpu.memory_space<vmem_shared>>
        %dma_start3A_60 = arith.constant 0 : i32
        %dma_start3A_61 = arith.constant 0 : i32
        %dma_start3A_62 = tpu.memref_slice %arg22[%dma_start3A_60, %dma_start3A_61] : memref<64x16xf32, #tpu.memory_space<vmem>> -> memref<50x16xf32, #tpu.memory_space<vmem>>
        %dma_start3A_63 = arith.constant 0 : i32
        %dma_start3A_64 = tpu.memref_slice %arg10[%add3A_34, %dma_start3A_63] : memref<100000x16xf32, #tpu.memory_space<vmem_shared>> -> memref<50x16xf32, #tpu.memory_space<vmem_shared>>
        tpu.enqueue_dma source(%dma_start3A_64 : memref<50x16xf32, #tpu.memory_space<vmem_shared>>) target(%dma_start3A_62 : memref<50x16xf32, #tpu.memory_space<vmem>>) target_semaphore(%run_scoped3A : memref<!tpu.dma_semaphore, #tpu.memory_space<semaphore_mem>>)
        %dma_wait3A = arith.constant 0 : i32
        %dma_wait3A_65 = arith.constant 0 : i32
        %dma_wait3A_66 = tpu.memref_slice %arg22[%dma_wait3A, %dma_wait3A_65] : memref<64x16xf32, #tpu.memory_space<vmem>> -> memref<50x16xf32, #tpu.memory_space<vmem>>
        %dma_wait3A_67 = arith.constant 0 : i32
        %dma_wait3A_68 = tpu.memref_slice %arg10[%add3A_34, %dma_wait3A_67] : memref<100000x16xf32, #tpu.memory_space<vmem_shared>> -> memref<50x16xf32, #tpu.memory_space<vmem_shared>>
        %dma_wait3A_69 = arith.constant 0 : i32
        %dma_wait3A_70 = arith.constant 0 : i32
        %dma_wait3A_71 = tpu.memref_slice %arg22[%dma_wait3A_69, %dma_wait3A_70] : memref<64x16xf32, #tpu.memory_space<vmem>> -> memref<50x16xf32, #tpu.memory_space<vmem>>
        %dma_wait3A_72 = arith.constant 0 : i32
        %dma_wait3A_73 = tpu.memref_slice %arg10[%add3A_34, %dma_wait3A_72] : memref<100000x16xf32, #tpu.memory_space<vmem_shared>> -> memref<50x16xf32, #tpu.memory_space<vmem_shared>>
        tpu.wait_dma2 semaphore(%run_scoped3A : memref<!tpu.dma_semaphore, #tpu.memory_space<semaphore_mem>>) src(%dma_wait3A_73 : memref<50x16xf32, #tpu.memory_space<vmem_shared>>) dst(%dma_wait3A_71 : memref<50x16xf32, #tpu.memory_space<vmem>>)
        tpu.yield
      }) : () -> ()
      "tpu.region"() ({
        %run_scoped3A = tpu.sem_alloc : memref<!tpu.dma_semaphore, #tpu.memory_space<semaphore_mem>>
        %dma_start3A = arith.constant 0 : i32
        %dma_start3A_56 = arith.constant 0 : i32
        %dma_start3A_57 = tpu.memref_slice %arg23[%dma_start3A, %dma_start3A_56] : memref<8x16xf32, #tpu.memory_space<vmem>> -> memref<8x16xf32, #tpu.memory_space<vmem>>
        %dma_start3A_58 = arith.constant 0 : i32
        %dma_start3A_59 = tpu.memref_slice %arg11[%select_n3A, %dma_start3A_58] : memref<12512x16xf32, #tpu.memory_space<vmem_shared>> -> memref<8x16xf32, #tpu.memory_space<vmem_shared>>
        %dma_start3A_60 = arith.constant 0 : i32
        %dma_start3A_61 = arith.constant 0 : i32
        %dma_start3A_62 = tpu.memref_slice %arg23[%dma_start3A_60, %dma_start3A_61] : memref<8x16xf32, #tpu.memory_space<vmem>> -> memref<8x16xf32, #tpu.memory_space<vmem>>
        %dma_start3A_63 = arith.constant 0 : i32
        %dma_start3A_64 = tpu.memref_slice %arg11[%select_n3A, %dma_start3A_63] : memref<12512x16xf32, #tpu.memory_space<vmem_shared>> -> memref<8x16xf32, #tpu.memory_space<vmem_shared>>
        tpu.enqueue_dma source(%dma_start3A_64 : memref<8x16xf32, #tpu.memory_space<vmem_shared>>) target(%dma_start3A_62 : memref<8x16xf32, #tpu.memory_space<vmem>>) target_semaphore(%run_scoped3A : memref<!tpu.dma_semaphore, #tpu.memory_space<semaphore_mem>>)
        %dma_wait3A = arith.constant 0 : i32
        %dma_wait3A_65 = arith.constant 0 : i32
        %dma_wait3A_66 = tpu.memref_slice %arg23[%dma_wait3A, %dma_wait3A_65] : memref<8x16xf32, #tpu.memory_space<vmem>> -> memref<8x16xf32, #tpu.memory_space<vmem>>
        %dma_wait3A_67 = arith.constant 0 : i32
        %dma_wait3A_68 = tpu.memref_slice %arg11[%select_n3A, %dma_wait3A_67] : memref<12512x16xf32, #tpu.memory_space<vmem_shared>> -> memref<8x16xf32, #tpu.memory_space<vmem_shared>>
        %dma_wait3A_69 = arith.constant 0 : i32
        %dma_wait3A_70 = arith.constant 0 : i32
        %dma_wait3A_71 = tpu.memref_slice %arg23[%dma_wait3A_69, %dma_wait3A_70] : memref<8x16xf32, #tpu.memory_space<vmem>> -> memref<8x16xf32, #tpu.memory_space<vmem>>
        %dma_wait3A_72 = arith.constant 0 : i32
        %dma_wait3A_73 = tpu.memref_slice %arg11[%select_n3A, %dma_wait3A_72] : memref<12512x16xf32, #tpu.memory_space<vmem_shared>> -> memref<8x16xf32, #tpu.memory_space<vmem_shared>>
        tpu.wait_dma2 semaphore(%run_scoped3A : memref<!tpu.dma_semaphore, #tpu.memory_space<semaphore_mem>>) src(%dma_wait3A_73 : memref<8x16xf32, #tpu.memory_space<vmem_shared>>) dst(%dma_wait3A_71 : memref<8x16xf32, #tpu.memory_space<vmem>>)
        tpu.yield
      }) : () -> ()
      %scan3A_51 = arith.constant 0 : i32
      %scan3A_52 = arith.constant 4 : i32
      %scan3A_53 = arith.addi %scan3A_51, %scan3A_52 : i32
      %scan3A_54 = arith.constant 1 : i32
      scf.for %scan3A_56 = %scan3A_51 to %scan3A_53 step %scan3A_54  : i32 {
        %mul3A_57 = arith.constant 1 : i32
        %mul3A_58 = arith.muli %scan3A_56, %mul3A_57 : i32
        %add3A_59 = arith.constant 0 : i32
        %add3A_60 = arith.addi %add3A_59, %mul3A_58 : i32
        %mul3A_61 = arith.constant 16 : i32
        %mul3A_62 = arith.muli %add3A_60, %mul3A_61 : i32
        %add3A_63 = vector.broadcast %mul3A_62 : i32 to vector<16xi32>
        %add3A_64 = arith.addi %add3A_63, %iota3A : vector<16xi32>
        %lt3A = arith.constant 50 : i32
        %lt3A_65 = vector.broadcast %lt3A : i32 to vector<16xi32>
        %lt3A_66 = arith.cmpi slt, %add3A_64, %lt3A_65 : vector<16xi32>
        %add3A_67 = vector.broadcast %add3A_34 : i32 to vector<16xi32>
        %add3A_68 = arith.addi %add3A_67, %add3A_64 : vector<16xi32>
        %shift_right_logical3A = arith.constant 3 : i32
        %shift_right_logical3A_69 = vector.broadcast %shift_right_logical3A : i32 to vector<16xi32>
        %shift_right_logical3A_70 = arith.shrui %add3A_68, %shift_right_logical3A_69 : vector<16xi32>
        %sub3A_71 = vector.broadcast %select_n3A : i32 to vector<16xi32>
        %sub3A_72 = arith.subi %shift_right_logical3A_70, %sub3A_71 : vector<16xi32>
        %and3A_73 = arith.constant 7 : i32
        %and3A_74 = vector.broadcast %and3A_73 : i32 to vector<16xi32>
        %and3A_75 = arith.andi %add3A_68, %and3A_74 : vector<16xi32>
        %mul3A_76 = arith.constant 2 : i32
        %mul3A_77 = vector.broadcast %mul3A_76 : i32 to vector<16xi32>
        %mul3A_78 = arith.muli %and3A_75, %mul3A_77 : vector<16xi32>
        %gather3A = tpu.vector_load_idx %arg23[%sub3A_72, %mul3A_78] masked %lt3A_66 : memref<8x16xf32, #tpu.memory_space<vmem>>[vector<16xi32>, vector<16xi32>], vector<16xf32>, vector<16xi1>
        %add3A_79 = arith.constant 1 : i32
        %add3A_80 = vector.broadcast %add3A_79 : i32 to vector<16xi32>
        %add3A_81 = arith.addi %mul3A_78, %add3A_80 : vector<16xi32>
        %gather3A_82 = tpu.vector_load_idx %arg23[%sub3A_72, %add3A_81] masked %lt3A_66 : memref<8x16xf32, #tpu.memory_space<vmem>>[vector<16xi32>, vector<16xi32>], vector<16xf32>, vector<16xi1>
        %ne3A_83 = arith.constant 0.000000e+00 : f32
        %ne3A_84 = vector.broadcast %ne3A_83 : f32 to vector<16xf32>
        %ne3A_85 = arith.cmpf one, %gather3A, %ne3A_84 : vector<16xf32>
        %div3A_86 = arith.constant 1.000000e+00 : f32
        %div3A_87 = vector.broadcast %div3A_86 : f32 to vector<16xf32>
        %div3A_88 = arith.divf %div3A_87, %gather3A : vector<16xf32>
        %jit3A_89 = arith.constant 0.000000e+00 : f32
        %broadcast_in_dim3A_90 = vector.broadcast %jit3A_89 : f32 to vector<16xf32>
        %select_n3A_91 = arith.select %ne3A_85, %div3A_88, %broadcast_in_dim3A_90 : vector<16xi1>, vector<16xf32>
        %ne3A_92 = arith.constant 0.000000e+00 : f32
        %ne3A_93 = vector.broadcast %ne3A_92 : f32 to vector<16xf32>
        %ne3A_94 = arith.cmpf one, %gather3A_82, %ne3A_93 : vector<16xf32>
        %div3A_95 = arith.constant 1.000000e+00 : f32
        %div3A_96 = vector.broadcast %div3A_95 : f32 to vector<16xf32>
        %div3A_97 = arith.divf %div3A_96, %gather3A_82 : vector<16xf32>
        %jit3A_98 = arith.constant 0.000000e+00 : f32
        %broadcast_in_dim3A_99 = vector.broadcast %jit3A_98 : f32 to vector<16xf32>
        %select_n3A_100 = arith.select %ne3A_94, %div3A_97, %broadcast_in_dim3A_99 : vector<16xi1>, vector<16xf32>
        %broadcast_in_dim3A_101 = arith.constant 0 : i32
        %broadcast_in_dim3A_102 = vector.broadcast %broadcast_in_dim3A_101 : i32 to vector<16xi32>
        %gather3A_103 = tpu.vector_load_idx %arg22[%add3A_64, %broadcast_in_dim3A_102] masked %lt3A_66 : memref<64x16xf32, #tpu.memory_space<vmem>>[vector<16xi32>, vector<16xi32>], vector<16xf32>, vector<16xi1>
        %broadcast_in_dim3A_104 = arith.constant 0 : i32
        %broadcast_in_dim3A_105 = vector.broadcast %broadcast_in_dim3A_104 : i32 to vector<16xi32>
        %mul3A_106 = arith.mulf %gather3A_103, %select_n3A_91 : vector<16xf32>
        tpu.vector_store_idx %arg24[%add3A_64, %broadcast_in_dim3A_105], %mul3A_106 masked %lt3A_66 : memref<64x12xf32, #tpu.memory_space<vmem>>[vector<16xi32>, vector<16xi32>], vector<16xf32>, vector<16xi1>
        %broadcast_in_dim3A_107 = arith.constant 1 : i32
        %broadcast_in_dim3A_108 = vector.broadcast %broadcast_in_dim3A_107 : i32 to vector<16xi32>
        %gather3A_109 = tpu.vector_load_idx %arg22[%add3A_64, %broadcast_in_dim3A_108] masked %lt3A_66 : memref<64x16xf32, #tpu.memory_space<vmem>>[vector<16xi32>, vector<16xi32>], vector<16xf32>, vector<16xi1>
        %broadcast_in_dim3A_110 = arith.constant 1 : i32
        %broadcast_in_dim3A_111 = vector.broadcast %broadcast_in_dim3A_110 : i32 to vector<16xi32>
        %mul3A_112 = arith.mulf %gather3A_109, %select_n3A_91 : vector<16xf32>
        tpu.vector_store_idx %arg24[%add3A_64, %broadcast_in_dim3A_111], %mul3A_112 masked %lt3A_66 : memref<64x12xf32, #tpu.memory_space<vmem>>[vector<16xi32>, vector<16xi32>], vector<16xf32>, vector<16xi1>
        %broadcast_in_dim3A_113 = arith.constant 2 : i32
        %broadcast_in_dim3A_114 = vector.broadcast %broadcast_in_dim3A_113 : i32 to vector<16xi32>
        %gather3A_115 = tpu.vector_load_idx %arg22[%add3A_64, %broadcast_in_dim3A_114] masked %lt3A_66 : memref<64x16xf32, #tpu.memory_space<vmem>>[vector<16xi32>, vector<16xi32>], vector<16xf32>, vector<16xi1>
        %broadcast_in_dim3A_116 = arith.constant 2 : i32
        %broadcast_in_dim3A_117 = vector.broadcast %broadcast_in_dim3A_116 : i32 to vector<16xi32>
        %mul3A_118 = arith.mulf %gather3A_115, %select_n3A_91 : vector<16xf32>
        tpu.vector_store_idx %arg24[%add3A_64, %broadcast_in_dim3A_117], %mul3A_118 masked %lt3A_66 : memref<64x12xf32, #tpu.memory_space<vmem>>[vector<16xi32>, vector<16xi32>], vector<16xf32>, vector<16xi1>
        %broadcast_in_dim3A_119 = arith.constant 3 : i32
        %broadcast_in_dim3A_120 = vector.broadcast %broadcast_in_dim3A_119 : i32 to vector<16xi32>
        %gather3A_121 = tpu.vector_load_idx %arg22[%add3A_64, %broadcast_in_dim3A_120] masked %lt3A_66 : memref<64x16xf32, #tpu.memory_space<vmem>>[vector<16xi32>, vector<16xi32>], vector<16xf32>, vector<16xi1>
        %broadcast_in_dim3A_122 = arith.constant 3 : i32
        %broadcast_in_dim3A_123 = vector.broadcast %broadcast_in_dim3A_122 : i32 to vector<16xi32>
        %mul3A_124 = arith.mulf %gather3A_121, %select_n3A_91 : vector<16xf32>
        tpu.vector_store_idx %arg24[%add3A_64, %broadcast_in_dim3A_123], %mul3A_124 masked %lt3A_66 : memref<64x12xf32, #tpu.memory_space<vmem>>[vector<16xi32>, vector<16xi32>], vector<16xf32>, vector<16xi1>
        %broadcast_in_dim3A_125 = arith.constant 4 : i32
        %broadcast_in_dim3A_126 = vector.broadcast %broadcast_in_dim3A_125 : i32 to vector<16xi32>
        %gather3A_127 = tpu.vector_load_idx %arg22[%add3A_64, %broadcast_in_dim3A_126] masked %lt3A_66 : memref<64x16xf32, #tpu.memory_space<vmem>>[vector<16xi32>, vector<16xi32>], vector<16xf32>, vector<16xi1>
        %broadcast_in_dim3A_128 = arith.constant 4 : i32
        %broadcast_in_dim3A_129 = vector.broadcast %broadcast_in_dim3A_128 : i32 to vector<16xi32>
        %mul3A_130 = arith.mulf %gather3A_127, %select_n3A_91 : vector<16xf32>
        tpu.vector_store_idx %arg24[%add3A_64, %broadcast_in_dim3A_129], %mul3A_130 masked %lt3A_66 : memref<64x12xf32, #tpu.memory_space<vmem>>[vector<16xi32>, vector<16xi32>], vector<16xf32>, vector<16xi1>
        %broadcast_in_dim3A_131 = arith.constant 5 : i32
        %broadcast_in_dim3A_132 = vector.broadcast %broadcast_in_dim3A_131 : i32 to vector<16xi32>
        %gather3A_133 = tpu.vector_load_idx %arg22[%add3A_64, %broadcast_in_dim3A_132] masked %lt3A_66 : memref<64x16xf32, #tpu.memory_space<vmem>>[vector<16xi32>, vector<16xi32>], vector<16xf32>, vector<16xi1>
        %broadcast_in_dim3A_134 = arith.constant 5 : i32
        %broadcast_in_dim3A_135 = vector.broadcast %broadcast_in_dim3A_134 : i32 to vector<16xi32>
        %mul3A_136 = arith.mulf %gather3A_133, %select_n3A_91 : vector<16xf32>
        tpu.vector_store_idx %arg24[%add3A_64, %broadcast_in_dim3A_135], %mul3A_136 masked %lt3A_66 : memref<64x12xf32, #tpu.memory_space<vmem>>[vector<16xi32>, vector<16xi32>], vector<16xf32>, vector<16xi1>
        %broadcast_in_dim3A_137 = arith.constant 6 : i32
        %broadcast_in_dim3A_138 = vector.broadcast %broadcast_in_dim3A_137 : i32 to vector<16xi32>
        %gather3A_139 = tpu.vector_load_idx %arg22[%add3A_64, %broadcast_in_dim3A_138] masked %lt3A_66 : memref<64x16xf32, #tpu.memory_space<vmem>>[vector<16xi32>, vector<16xi32>], vector<16xf32>, vector<16xi1>
        %broadcast_in_dim3A_140 = arith.constant 6 : i32
        %broadcast_in_dim3A_141 = vector.broadcast %broadcast_in_dim3A_140 : i32 to vector<16xi32>
        %mul3A_142 = arith.mulf %gather3A_139, %select_n3A_100 : vector<16xf32>
        tpu.vector_store_idx %arg24[%add3A_64, %broadcast_in_dim3A_141], %mul3A_142 masked %lt3A_66 : memref<64x12xf32, #tpu.memory_space<vmem>>[vector<16xi32>, vector<16xi32>], vector<16xf32>, vector<16xi1>
        %broadcast_in_dim3A_143 = arith.constant 7 : i32
        %broadcast_in_dim3A_144 = vector.broadcast %broadcast_in_dim3A_143 : i32 to vector<16xi32>
        %gather3A_145 = tpu.vector_load_idx %arg22[%add3A_64, %broadcast_in_dim3A_144] masked %lt3A_66 : memref<64x16xf32, #tpu.memory_space<vmem>>[vector<16xi32>, vector<16xi32>], vector<16xf32>, vector<16xi1>
        %broadcast_in_dim3A_146 = arith.constant 7 : i32
        %broadcast_in_dim3A_147 = vector.broadcast %broadcast_in_dim3A_146 : i32 to vector<16xi32>
        %mul3A_148 = arith.mulf %gather3A_145, %select_n3A_100 : vector<16xf32>
        tpu.vector_store_idx %arg24[%add3A_64, %broadcast_in_dim3A_147], %mul3A_148 masked %lt3A_66 : memref<64x12xf32, #tpu.memory_space<vmem>>[vector<16xi32>, vector<16xi32>], vector<16xf32>, vector<16xi1>
        %broadcast_in_dim3A_149 = arith.constant 8 : i32
        %broadcast_in_dim3A_150 = vector.broadcast %broadcast_in_dim3A_149 : i32 to vector<16xi32>
        %gather3A_151 = tpu.vector_load_idx %arg22[%add3A_64, %broadcast_in_dim3A_150] masked %lt3A_66 : memref<64x16xf32, #tpu.memory_space<vmem>>[vector<16xi32>, vector<16xi32>], vector<16xf32>, vector<16xi1>
        %broadcast_in_dim3A_152 = arith.constant 8 : i32
        %broadcast_in_dim3A_153 = vector.broadcast %broadcast_in_dim3A_152 : i32 to vector<16xi32>
        %mul3A_154 = arith.mulf %gather3A_151, %select_n3A_100 : vector<16xf32>
        tpu.vector_store_idx %arg24[%add3A_64, %broadcast_in_dim3A_153], %mul3A_154 masked %lt3A_66 : memref<64x12xf32, #tpu.memory_space<vmem>>[vector<16xi32>, vector<16xi32>], vector<16xf32>, vector<16xi1>
        %broadcast_in_dim3A_155 = arith.constant 9 : i32
        %broadcast_in_dim3A_156 = vector.broadcast %broadcast_in_dim3A_155 : i32 to vector<16xi32>
        %gather3A_157 = tpu.vector_load_idx %arg22[%add3A_64, %broadcast_in_dim3A_156] masked %lt3A_66 : memref<64x16xf32, #tpu.memory_space<vmem>>[vector<16xi32>, vector<16xi32>], vector<16xf32>, vector<16xi1>
        %broadcast_in_dim3A_158 = arith.constant 9 : i32
        %broadcast_in_dim3A_159 = vector.broadcast %broadcast_in_dim3A_158 : i32 to vector<16xi32>
        %mul3A_160 = arith.mulf %gather3A_157, %select_n3A_100 : vector<16xf32>
        tpu.vector_store_idx %arg24[%add3A_64, %broadcast_in_dim3A_159], %mul3A_160 masked %lt3A_66 : memref<64x12xf32, #tpu.memory_space<vmem>>[vector<16xi32>, vector<16xi32>], vector<16xf32>, vector<16xi1>
        %broadcast_in_dim3A_161 = arith.constant 10 : i32
        %broadcast_in_dim3A_162 = vector.broadcast %broadcast_in_dim3A_161 : i32 to vector<16xi32>
        %gather3A_163 = tpu.vector_load_idx %arg22[%add3A_64, %broadcast_in_dim3A_162] masked %lt3A_66 : memref<64x16xf32, #tpu.memory_space<vmem>>[vector<16xi32>, vector<16xi32>], vector<16xf32>, vector<16xi1>
        %broadcast_in_dim3A_164 = arith.constant 10 : i32
        %broadcast_in_dim3A_165 = vector.broadcast %broadcast_in_dim3A_164 : i32 to vector<16xi32>
        %mul3A_166 = arith.mulf %gather3A_163, %select_n3A_100 : vector<16xf32>
        tpu.vector_store_idx %arg24[%add3A_64, %broadcast_in_dim3A_165], %mul3A_166 masked %lt3A_66 : memref<64x12xf32, #tpu.memory_space<vmem>>[vector<16xi32>, vector<16xi32>], vector<16xf32>, vector<16xi1>
        %broadcast_in_dim3A_167 = arith.constant 11 : i32
        %broadcast_in_dim3A_168 = vector.broadcast %broadcast_in_dim3A_167 : i32 to vector<16xi32>
        %gather3A_169 = tpu.vector_load_idx %arg22[%add3A_64, %broadcast_in_dim3A_168] masked %lt3A_66 : memref<64x16xf32, #tpu.memory_space<vmem>>[vector<16xi32>, vector<16xi32>], vector<16xf32>, vector<16xi1>
        %broadcast_in_dim3A_170 = arith.constant 11 : i32
        %broadcast_in_dim3A_171 = vector.broadcast %broadcast_in_dim3A_170 : i32 to vector<16xi32>
        %mul3A_172 = arith.mulf %gather3A_169, %select_n3A_100 : vector<16xf32>
        tpu.vector_store_idx %arg24[%add3A_64, %broadcast_in_dim3A_171], %mul3A_172 masked %lt3A_66 : memref<64x12xf32, #tpu.memory_space<vmem>>[vector<16xi32>, vector<16xi32>], vector<16xf32>, vector<16xi1>
        %broadcast_in_dim3A_173 = arith.constant 12 : i32
        %broadcast_in_dim3A_174 = vector.broadcast %broadcast_in_dim3A_173 : i32 to vector<16xi32>
        %gather3A_175 = tpu.vector_load_idx %arg22[%add3A_64, %broadcast_in_dim3A_174] masked %lt3A_66 : memref<64x16xf32, #tpu.memory_space<vmem>>[vector<16xi32>, vector<16xi32>], vector<16xf32>, vector<16xi1>
        %broadcast_in_dim3A_176 = arith.constant 0 : i32
        %broadcast_in_dim3A_177 = vector.broadcast %broadcast_in_dim3A_176 : i32 to vector<16xi32>
        %mul3A_178 = arith.mulf %gather3A_175, %select_n3A_91 : vector<16xf32>
        tpu.vector_store_idx %arg25[%add3A_64, %broadcast_in_dim3A_177], %mul3A_178 masked %lt3A_66 : memref<64x4xf32, #tpu.memory_space<vmem>>[vector<16xi32>, vector<16xi32>], vector<16xf32>, vector<16xi1>
        %broadcast_in_dim3A_179 = arith.constant 13 : i32
        %broadcast_in_dim3A_180 = vector.broadcast %broadcast_in_dim3A_179 : i32 to vector<16xi32>
        %gather3A_181 = tpu.vector_load_idx %arg22[%add3A_64, %broadcast_in_dim3A_180] masked %lt3A_66 : memref<64x16xf32, #tpu.memory_space<vmem>>[vector<16xi32>, vector<16xi32>], vector<16xf32>, vector<16xi1>
        %broadcast_in_dim3A_182 = arith.constant 1 : i32
        %broadcast_in_dim3A_183 = vector.broadcast %broadcast_in_dim3A_182 : i32 to vector<16xi32>
        %mul3A_184 = arith.mulf %gather3A_181, %select_n3A_91 : vector<16xf32>
        tpu.vector_store_idx %arg25[%add3A_64, %broadcast_in_dim3A_183], %mul3A_184 masked %lt3A_66 : memref<64x4xf32, #tpu.memory_space<vmem>>[vector<16xi32>, vector<16xi32>], vector<16xf32>, vector<16xi1>
        %broadcast_in_dim3A_185 = arith.constant 14 : i32
        %broadcast_in_dim3A_186 = vector.broadcast %broadcast_in_dim3A_185 : i32 to vector<16xi32>
        %gather3A_187 = tpu.vector_load_idx %arg22[%add3A_64, %broadcast_in_dim3A_186] masked %lt3A_66 : memref<64x16xf32, #tpu.memory_space<vmem>>[vector<16xi32>, vector<16xi32>], vector<16xf32>, vector<16xi1>
        %broadcast_in_dim3A_188 = arith.constant 2 : i32
        %broadcast_in_dim3A_189 = vector.broadcast %broadcast_in_dim3A_188 : i32 to vector<16xi32>
        %mul3A_190 = arith.mulf %gather3A_187, %select_n3A_100 : vector<16xf32>
        tpu.vector_store_idx %arg25[%add3A_64, %broadcast_in_dim3A_189], %mul3A_190 masked %lt3A_66 : memref<64x4xf32, #tpu.memory_space<vmem>>[vector<16xi32>, vector<16xi32>], vector<16xf32>, vector<16xi1>
        %broadcast_in_dim3A_191 = arith.constant 15 : i32
        %broadcast_in_dim3A_192 = vector.broadcast %broadcast_in_dim3A_191 : i32 to vector<16xi32>
        %gather3A_193 = tpu.vector_load_idx %arg22[%add3A_64, %broadcast_in_dim3A_192] masked %lt3A_66 : memref<64x16xf32, #tpu.memory_space<vmem>>[vector<16xi32>, vector<16xi32>], vector<16xf32>, vector<16xi1>
        %broadcast_in_dim3A_194 = arith.constant 3 : i32
        %broadcast_in_dim3A_195 = vector.broadcast %broadcast_in_dim3A_194 : i32 to vector<16xi32>
        %mul3A_196 = arith.mulf %gather3A_193, %select_n3A_100 : vector<16xf32>
        tpu.vector_store_idx %arg25[%add3A_64, %broadcast_in_dim3A_195], %mul3A_196 masked %lt3A_66 : memref<64x4xf32, #tpu.memory_space<vmem>>[vector<16xi32>, vector<16xi32>], vector<16xf32>, vector<16xi1>
      }
      %scan3A_55 = arith.constant 4 : i32
      "tpu.region"() ({
        %run_scoped3A = tpu.sem_alloc : memref<!tpu.dma_semaphore, #tpu.memory_space<semaphore_mem>>
        %dma_start3A = arith.constant 0 : i32
        %dma_start3A_56 = arith.constant 0 : i32
        %dma_start3A_57 = tpu.memref_slice %arg24[%dma_start3A, %dma_start3A_56] : memref<64x12xf32, #tpu.memory_space<vmem>> -> memref<50x12xf32, #tpu.memory_space<vmem>>
        %dma_start3A_58 = arith.constant 0 : i32
        %dma_start3A_59 = tpu.memref_slice %arg8[%add3A_34, %arg0, %dma_start3A_58] : memref<100000x2x12xf32, #tpu.memory_space<hbm>> -> memref<50x1x12xf32, #tpu.memory_space<hbm>>
        %dma_start3A_60 = tpu.memref_squeeze %dma_start3A_59 : memref<50x1x12xf32, #tpu.memory_space<hbm>> -> memref<50x12xf32, #tpu.memory_space<hbm>>
        %dma_start3A_61 = arith.constant 0 : i32
        %dma_start3A_62 = tpu.memref_slice %arg8[%add3A_34, %arg0, %dma_start3A_61] : memref<100000x2x12xf32, #tpu.memory_space<hbm>> -> memref<50x1x12xf32, #tpu.memory_space<hbm>>
        %dma_start3A_63 = tpu.memref_squeeze %dma_start3A_62 : memref<50x1x12xf32, #tpu.memory_space<hbm>> -> memref<50x12xf32, #tpu.memory_space<hbm>>
        %dma_start3A_64 = arith.constant 0 : i32
        %dma_start3A_65 = arith.constant 0 : i32
        %dma_start3A_66 = tpu.memref_slice %arg24[%dma_start3A_64, %dma_start3A_65] : memref<64x12xf32, #tpu.memory_space<vmem>> -> memref<50x12xf32, #tpu.memory_space<vmem>>
        tpu.enqueue_dma source(%dma_start3A_66 : memref<50x12xf32, #tpu.memory_space<vmem>>) target(%dma_start3A_63 : memref<50x12xf32, #tpu.memory_space<hbm>>) target_semaphore(%run_scoped3A : memref<!tpu.dma_semaphore, #tpu.memory_space<semaphore_mem>>)
        %dma_wait3A = arith.constant 0 : i32
        %dma_wait3A_67 = arith.constant 0 : i32
        %dma_wait3A_68 = tpu.memref_slice %arg24[%dma_wait3A, %dma_wait3A_67] : memref<64x12xf32, #tpu.memory_space<vmem>> -> memref<50x12xf32, #tpu.memory_space<vmem>>
        %dma_wait3A_69 = arith.constant 0 : i32
        %dma_wait3A_70 = tpu.memref_slice %arg8[%add3A_34, %arg0, %dma_wait3A_69] : memref<100000x2x12xf32, #tpu.memory_space<hbm>> -> memref<50x1x12xf32, #tpu.memory_space<hbm>>
        %dma_wait3A_71 = tpu.memref_squeeze %dma_wait3A_70 : memref<50x1x12xf32, #tpu.memory_space<hbm>> -> memref<50x12xf32, #tpu.memory_space<hbm>>
        %dma_wait3A_72 = arith.constant 0 : i32
        %dma_wait3A_73 = tpu.memref_slice %arg8[%add3A_34, %arg0, %dma_wait3A_72] : memref<100000x2x12xf32, #tpu.memory_space<hbm>> -> memref<50x1x12xf32, #tpu.memory_space<hbm>>
        %dma_wait3A_74 = tpu.memref_squeeze %dma_wait3A_73 : memref<50x1x12xf32, #tpu.memory_space<hbm>> -> memref<50x12xf32, #tpu.memory_space<hbm>>
        %dma_wait3A_75 = arith.constant 0 : i32
        %dma_wait3A_76 = arith.constant 0 : i32
        %dma_wait3A_77 = tpu.memref_slice %arg24[%dma_wait3A_75, %dma_wait3A_76] : memref<64x12xf32, #tpu.memory_space<vmem>> -> memref<50x12xf32, #tpu.memory_space<vmem>>
        tpu.wait_dma2 semaphore(%run_scoped3A : memref<!tpu.dma_semaphore, #tpu.memory_space<semaphore_mem>>) src(%dma_wait3A_77 : memref<50x12xf32, #tpu.memory_space<vmem>>) dst(%dma_wait3A_74 : memref<50x12xf32, #tpu.memory_space<hbm>>)
        tpu.yield
      }) : () -> ()
      "tpu.region"() ({
        %run_scoped3A = tpu.sem_alloc : memref<!tpu.dma_semaphore, #tpu.memory_space<semaphore_mem>>
        %dma_start3A = arith.constant 0 : i32
        %dma_start3A_56 = arith.constant 0 : i32
        %dma_start3A_57 = tpu.memref_slice %arg25[%dma_start3A, %dma_start3A_56] : memref<64x4xf32, #tpu.memory_space<vmem>> -> memref<50x4xf32, #tpu.memory_space<vmem>>
        %dma_start3A_58 = arith.constant 0 : i32
        %dma_start3A_59 = tpu.memref_slice %arg9[%add3A_34, %arg0, %dma_start3A_58] : memref<100000x2x4xf32, #tpu.memory_space<hbm>> -> memref<50x1x4xf32, #tpu.memory_space<hbm>>
        %dma_start3A_60 = tpu.memref_squeeze %dma_start3A_59 : memref<50x1x4xf32, #tpu.memory_space<hbm>> -> memref<50x4xf32, #tpu.memory_space<hbm>>
        %dma_start3A_61 = arith.constant 0 : i32
        %dma_start3A_62 = tpu.memref_slice %arg9[%add3A_34, %arg0, %dma_start3A_61] : memref<100000x2x4xf32, #tpu.memory_space<hbm>> -> memref<50x1x4xf32, #tpu.memory_space<hbm>>
        %dma_start3A_63 = tpu.memref_squeeze %dma_start3A_62 : memref<50x1x4xf32, #tpu.memory_space<hbm>> -> memref<50x4xf32, #tpu.memory_space<hbm>>
        %dma_start3A_64 = arith.constant 0 : i32
        %dma_start3A_65 = arith.constant 0 : i32
        %dma_start3A_66 = tpu.memref_slice %arg25[%dma_start3A_64, %dma_start3A_65] : memref<64x4xf32, #tpu.memory_space<vmem>> -> memref<50x4xf32, #tpu.memory_space<vmem>>
        tpu.enqueue_dma source(%dma_start3A_66 : memref<50x4xf32, #tpu.memory_space<vmem>>) target(%dma_start3A_63 : memref<50x4xf32, #tpu.memory_space<hbm>>) target_semaphore(%run_scoped3A : memref<!tpu.dma_semaphore, #tpu.memory_space<semaphore_mem>>)
        %dma_wait3A = arith.constant 0 : i32
        %dma_wait3A_67 = arith.constant 0 : i32
        %dma_wait3A_68 = tpu.memref_slice %arg25[%dma_wait3A, %dma_wait3A_67] : memref<64x4xf32, #tpu.memory_space<vmem>> -> memref<50x4xf32, #tpu.memory_space<vmem>>
        %dma_wait3A_69 = arith.constant 0 : i32
        %dma_wait3A_70 = tpu.memref_slice %arg9[%add3A_34, %arg0, %dma_wait3A_69] : memref<100000x2x4xf32, #tpu.memory_space<hbm>> -> memref<50x1x4xf32, #tpu.memory_space<hbm>>
        %dma_wait3A_71 = tpu.memref_squeeze %dma_wait3A_70 : memref<50x1x4xf32, #tpu.memory_space<hbm>> -> memref<50x4xf32, #tpu.memory_space<hbm>>
        %dma_wait3A_72 = arith.constant 0 : i32
        %dma_wait3A_73 = tpu.memref_slice %arg9[%add3A_34, %arg0, %dma_wait3A_72] : memref<100000x2x4xf32, #tpu.memory_space<hbm>> -> memref<50x1x4xf32, #tpu.memory_space<hbm>>
        %dma_wait3A_74 = tpu.memref_squeeze %dma_wait3A_73 : memref<50x1x4xf32, #tpu.memory_space<hbm>> -> memref<50x4xf32, #tpu.memory_space<hbm>>
        %dma_wait3A_75 = arith.constant 0 : i32
        %dma_wait3A_76 = arith.constant 0 : i32
        %dma_wait3A_77 = tpu.memref_slice %arg25[%dma_wait3A_75, %dma_wait3A_76] : memref<64x4xf32, #tpu.memory_space<vmem>> -> memref<50x4xf32, #tpu.memory_space<vmem>>
        tpu.wait_dma2 semaphore(%run_scoped3A : memref<!tpu.dma_semaphore, #tpu.memory_space<semaphore_mem>>) src(%dma_wait3A_77 : memref<50x4xf32, #tpu.memory_space<vmem>>) dst(%dma_wait3A_74 : memref<50x4xf32, #tpu.memory_space<hbm>>)
        tpu.yield
      }) : () -> ()
    }
    %scan3A_26 = arith.constant 125 : i32
    return
  }
}

</mosaic_0001>

<sc_bundles>
// kernel: kernel.3.cloned.1.call-start
scs
__scs_entry_jumppad:
0x0: {  	(pc) =	sbr.rel $0x88, $3  }
0x1: {  	(tag) =	ssettag $0x0;
	lr =	simm.s32 $0x1  }
0x2: {  	[smem:$0x3F9A] =	sst lr;
	_ =	strace $0xD0000000  }
0x3: {  	_ = 	snop  }
0x4: {  	_ = 	snop  }
0x5: {  	_ = 	snop  }
0x6: {  	_ = 	snop  }
0x7: {  	_ = 	snop  }
__scs_overlays_trampoline_lowered:
0x8: {  	[smem:$0x3FA9] =	sst s0  }
0x9: {  	[smem:$0x3FAA] =	sst s1  }
0xa: {  	[smem:$0x3FAB] =	sst s2  }
0xb: {  	[smem:$0x3FAC] =	sst s3  }
0xc: {  	[smem:$0x3FAD] =	sst s4  }
0xd: {  	[smem:$0x3FAE] =	sst s5  }
0xe: {  	[smem:$0x3FAF] =	sst s6  }
0xf: {  	[smem:$0x3FB0] =	sst s7  }
0x10: {  	[smem:$0x3FB1] =	sst s8  }
0x11: {  	[smem:$0x3FB2] =	sst s9;
	s0 =	simm.s32 @!p0 $0x0  }
0x12: {  	s1 =	sld [smem:$0x3F98];
	s0 =	simm.s32 @p0 $0x1  }
0x13: {  	[smem:$0x3FB3] =	sst s0;
	s0 =	simm.s32 @!p1 $0x0  }
0x14: {  	s2 =	sld [smem:$0x3F97];
	s0 =	simm.s32 @p1 $0x1  }
0x15: {  	[smem:$0x3FB4] =	sst s0;
	s0 =	simm.s32 @!p2 $0x0  }
0x16: {  	s3 =	sld [smem:$0x3FDB];
	s0 =	simm.s32 @p2 $0x1  }
0x17: {  	s4 =	simm.s32 $0x1BF5;
	[smem:$0x3FB6] =	sst s0  }
0x18: {  	s0 =	sld [smem:$0x3F99];
	_ =	swait.ge [sflag:s4], $0x0  }
0x19: {  	s7 =	sld [smem:$0x3F9A]  }
0x1a: {  	s8 =	sadd.s32 $0xFFFFE003, lr  }
0x1b: {  	s9 =	sadd.s32 $0xFFFFFEF7, lr;
	s5 =	simm.s32 $0xFFFFFFFF;
	p2 =	slt.u32 s8, $0xFFFFF086  }
0x1c: {  	p1 =	slt.u32 s9, $0xF7A;
	s5 =	simm.s32 @!p2 $0x0  }
0x1d: {  	s5 =	simm.s32 @p1 $0x1;
	p0 =	seq.s32 s7, s2  }
0x1e: {  	s7 =	smul.u32 @!p0 $0xF7A, s2;
	p2 =	seq.s32 @!p0 s5, $0x0  }
0x1f: {  	s9 =	smul.u32 $0xF7A, s1;
	s8 =	simm.s32 @!p0 $0x1BF5;
	p2 =	por !p2, p0  }
0x20: {  	[sflag:s8] =	ssyncset.s32 @!p0 $0xFFFFF086;
	s6 =	sadd.s32 @!p0 s3, s7;
	s7 =	simm.s32 @!p0 $0x108  }
0x21: {  	s3 =	sadd.s32 s3, s9;
	s6 =	sadd.s32 @!p0 $0x88, s6;
	s7 =	simm.s32 @p2 $0x1082  }
0x22: {  	[simem:s7], [sflag:s8] =	dma.local @!p0 [hbm:s6], $0xF7A  }
0x23: {  	s9 =	sor.u32 $0xD0000000, s2;
	s6 =	simm.s32 $0x108;
	_ =	swait.ge @!p0 [sflag:s8], $0x0  }
0x24: {  	s3 =	sadd.s32 $0x88, s3;
	s6 =	simm.s32 @!p1 $0x1082;
	[sflag:s4] =	ssyncset.s32 $0xFFFFF086  }
0x25: {  	[simem:s6], [sflag:s4] =	dma.local [hbm:s3], $0xF7A  }
0x26: {  	[smem:$0x3F9A] =	sst s1;
	(tag) =	ssettag s2;
	_ =	strace s9  }
0x27: {  	s1 =	sld [smem:$0x3FAA]  }
0x28: {  	s2 =	sld [smem:$0x3FAB]  }
0x29: {  	s4 =	sld [smem:$0x3FAD]  }
0x2a: {  	p0 =	seq.s32 s5, $0x0;
	s5 =	sld [smem:$0x3FAE]  }
0x2b: {  	s6 =	sld [smem:$0x3FAF]  }
0x2c: {  	s7 =	sld [smem:$0x3FB0]  }
0x2d: {  	s3 =	simm.s32 $0x108;
	s8 =	sld [smem:$0x3FB1]  }
0x2e: {  	s3 =	simm.s32 @!p0 $0x1082;
	s9 =	sld [smem:$0x3FB2]  }
0x2f: {  	lr =	sadd.s32 s0, s3;
	s0 =	sld [smem:$0x3FA9]  }
0x30: {  	s3 =	sld [smem:$0x3FAC]  }
0x31: {  	[smem:$0x3FB5] =	sst s10  }
0x32: {  	s10 =	sld [smem:$0x3FB3];
	_ =	sdelay $0x3  }
0x33: {  	p0 =	seq.s32 s10, $0x1;
	s10 =	sld [smem:$0x3FB5];
	_ =	sdelay $0x3  }
0x34: {  	[smem:$0x3FB5] =	sst s10  }
0x35: {  	s10 =	sld [smem:$0x3FB4];
	_ =	sdelay $0x3  }
0x36: {  	p1 =	seq.s32 s10, $0x1;
	s10 =	sld [smem:$0x3FB5];
	_ =	sdelay $0x3  }
0x37: {  	[smem:$0x3FB5] =	sst s10  }
0x38: {  	s10 =	sld [smem:$0x3FB6]  }
0x39: {  	_ = 	snop;
	(pc) =	sbr.ind lr, $3  }
0x3a: {  	_ = 	snop  }
0x3b: {  	_ = 	snop  }
0x3c: {  	p2 =	seq.s32 s10, $0x1;
	s10 =	sld [smem:$0x3FB5]  }
0x3d: {  	_ =	shalt  }
0x3e: {  	_ =	shalt  }
0x3f: {  	_ =	shalt  }
0x40: {  	_ =	shalt  }
0x41: {  	_ =	shalt  }
0x42: {  	_ =	shalt  }
0x43: {  	_ =	shalt  }
0x44: {  	_ =	shalt  }
0x45: {  	_ =	shalt  }
0x46: {  	_ =	shalt  }
0x47: {  	_ =	shalt  }
0x48: {  	_ =	shalt  }
0x49: {  	_ =	shalt  }
0x4a: {  	_ =	shalt  }
0x4b: {  	_ =	shalt  }
0x4c: {  	_ =	shalt  }
0x4d: {  	_ =	shalt  }
0x4e: {  	_ =	shalt  }
0x4f: {  	_ =	shalt  }
0x50: {  	_ =	shalt  }
0x51: {  	_ =	shalt  }
0x52: {  	_ =	shalt  }
0x53: {  	_ =	shalt  }
0x54: {  	_ =	shalt  }
0x55: {  	_ =	shalt  }
0x56: {  	_ =	shalt  }
0x57: {  	_ =	shalt  }
0x58: {  	_ =	shalt  }
0x59: {  	_ =	shalt  }
0x5a: {  	_ =	shalt  }
0x5b: {  	_ =	shalt  }
0x5c: {  	_ =	shalt  }
0x5d: {  	_ =	shalt  }
0x5e: {  	_ =	shalt  }
0x5f: {  	_ =	shalt  }
0x60: {  	_ =	shalt  }
0x61: {  	_ =	shalt  }
0x62: {  	_ =	shalt  }
0x63: {  	_ =	shalt  }
0x64: {  	_ =	shalt  }
0x65: {  	_ =	shalt  }
0x66: {  	_ =	shalt  }
0x67: {  	_ =	shalt  }
0x68: {  	_ =	shalt  }
0x69: {  	_ =	shalt  }
0x6a: {  	_ =	shalt  }
0x6b: {  	_ =	shalt  }
0x6c: {  	_ =	shalt  }
0x6d: {  	_ =	shalt  }
0x6e: {  	_ =	shalt  }
0x6f: {  	_ =	shalt  }
0x70: {  	_ =	shalt  }
0x71: {  	_ =	shalt  }
0x72: {  	_ =	shalt  }
0x73: {  	_ =	shalt  }
0x74: {  	_ =	shalt  }
0x75: {  	_ =	shalt  }
0x76: {  	_ =	shalt  }
0x77: {  	_ =	shalt  }
0x78: {  	_ =	shalt  }
0x79: {  	_ =	shalt  }
0x7a: {  	_ =	shalt  }
0x7b: {  	_ =	shalt  }
0x7c: {  	_ =	shalt  }
0x7d: {  	_ =	shalt  }
0x7e: {  	_ =	shalt  }
0x7f: {  	_ =	shalt  }
0x80: {  	_ =	shalt  }
0x81: {  	_ =	shalt  }
0x82: {  	_ =	shalt  }
0x83: {  	_ =	shalt  }
0x84: {  	_ =	shalt  }
0x85: {  	_ =	shalt  }
0x86: {  	_ =	shalt  }
0x87: {  	_ =	shalt  }
.Lfunc_end0:
.L_simem_size_0:
called_computation.4_lowered:
.L_overlay_start_0:
0x88: {  	s2 =	sld [smem:$0x3FD9]  }
0x89: {  	s3 =	sld [smem:$0x3FFE];
	_ =	sdelay $0x1  }
0x8a: {  	s1 =	srdreg.scid  }
0x8b: {  	s0 =	sand.u32 $0x1, s1  }
0x8c: {  	s16 =	sshll.u32 s0, $0xA;
	s2 =	sadd.s32 s3, s2  }
0x8d: {  	s2 =	sadd.s32 s2, s16  }
0x8e: {  	[smem:$0x3FC1] =	sst s2  }
0x8f: {  	_ = 	snop  }
0x90: {  	(tm) =	ssettm $0x1  }
0x91: {  	s17 =	sld [smem:$0x3FFB];
	_ =	sdelay $0x3  }
0x92: {  	_ =	strace s17  }
0x93: {  	s2 =	sld [smem:$0x3FFC];
	_ =	sdelay $0x3  }
0x94: {  	_ =	strace s2  }
0x95: {  	s2 =	sld [smem:$0x3FFD];
	_ =	sdelay $0x3  }
0x96: {  	_ =	strace s2  }
0x97: {  	_ =	strace $0x8FFFFFFF  }
0x98: {  	s18 =	sld [smem:$0x3FDB];
	_ =	sdelay $0x1  }
0x99: {  	s19 =	simm.s32 $_scs_section_size  }
0x9a: {  	s4 =	simm.s32 $_size__tile_overlayer_lowered;
	s5 =	simm.s32 $_tile_overlayer_lowered  }
0x9b: {  	s22 =	simm.s32 $0x1BFF;
	s21 =	sshll.u32 s5, $0x1;
	s2 =	sadd.s32 s19, s18  }
0x9c: {  	s6 =	simm.s32 $0x0;
	s20 =	sshll.u32 s4, $0x1;
	s4 =	sadd.s32 s21, s2  }
0x9d: {  	[timem:s6], [sflag:s22] =	dma.local [hbm:s4], s20  }
0x9e: {  	_ =	swait.ge [sflag:s22], s20  }
0x9f: {  	s3 =	ssub.s32 $0x0, s20;
	[sflag:s22] =	ssyncset.done $0x0  }
0xa0: {  	[sflag:s22] =	ssyncadd.s32 s3;
	_ =	sdelay $0x1  }
0xa1: {  	s23 =	simm.s32 $0x1B8B  }
0xa2: {  	_ =	swait.ge [sflag:s23], $0x1  }
0xa3: {  	[sflag:s23] =	ssyncset.done $0x0  }
0xa4: {  	s25 =	simm.s32 $0x1B8E;
	s24 =	sld [smem:$0x3FFE];
	[sflag:s23] =	ssyncadd.s32 $0xFFFFFFFF  }
0xa5: {  	s26 =	simm.s32 $execute0_lowered;
	[smem:$0x3FD2] =	sst s25  }
0xa6: {  	s4 =	sshll.u32 s26, $0x1;
	_ =	strace $0x80000052;
	[dreg:$0x1] =	wrdreg $0xFFFFFFFF  }
0xa7: {  	s28 =	simm.s32 $_size_execute0_lowered;
	s2 =	sadd.s32 s2, s4;
	[dreg:$0x0] =	wrdreg $0x0  }
0xa8: {  	s4 =	sshll.u32 s28, $0x1;
	[dreg:$0x2] =	wrdreg s2  }
0xa9: {  	[dreg:$0x3] =	wrdreg s4  }
0xaa: {  	[dreg:$0x4] =	wrdreg $0xC0  }
0xab: {  	_ =	task [dreg:s6], $0x5FFFF  }
0xac: {  	[dreg:$0x1] =	wrdreg $0xFFFFFFFF  }
0xad: {  	[dreg:$0x0] =	wrdreg $0x60  }
0xae: {  	[dreg:$0x2] =	wrdreg s24  }
0xaf: {  	[dreg:$0x3] =	wrdreg $0x0  }
0xb0: {  	[dreg:$0x4] =	wrdreg $0x186A00  }
0xb1: {  	[dreg:$0x5] =	wrdreg $0x9  }
0xb2: {  	_ =	task.clear_ibuf [dreg:s6], $0x6FFFF;
	_ =	strace $0x90000052  }
0xb3: {  	s29 =	simm.s32 $0x9;
	_ =	strace $0x80000054  }
0xb4: {  	_ =	swait.ge [sflag:s29], $0x1  }
0xb5: {  	[sflag:s29] =	ssyncadd.s32 $0xFFFFFFFF  }
0xb6: {  	_ =	strace $0x90000054  }
0xb7: {  	_ =	sfence  }
0xb8: {  	s30 =	sld [smem:$0x0];
	_ =	sdelay $0x2  }
0xb9: {  	s31 =	sshll.u32 s1, $0xD;
	s1 =	sshrl.u32 s1, $0x2  }
0xba: {  	s3 =	sand.u32 $0x4000, s31;
	s1 =	sadd.s32 s1, s30  }
0xbb: {  	s0 =	sor.u32 s3, s0;
	s1 =	sshll.u32 s1, $0x11  }
0xbc: {  	s0 =	sor.u32 s1, s0  }
0xbd: {  	s0 =	sadd.s32 $0x8F2B, s0  }
0xbe: {  	[sflag:s0] =	ssyncadd.remote.s32 $0x1  }
0xbf: {  	_ =	sfence.sel $0xFFFF  }
0xc0: {  	[dreg:$0x0] =	wrdreg $0xFFFFFFFF;
	(pc) =	sbr.abs _section_cstart, $3  }
0xc1: {  	[dreg:$0x1] =	wrdreg $0xFFFFFFFF  }
0xc2: {  	_ =	task.clear_ibuf [dreg:s6], $0x2FFFF;
	_ =	strace $0x9FFFFFFF  }
0xc3: {  	(tm) =	ssettm $0x7FFFFFFF  }
tec
execute0_lowered:
.L_overlay_start_1:
0x0: {  	(tag) =	ssettag $0x1  }
0x1: {  	s0 =	rddreg [dreg:$0x0]  }
0x2: {  	s1 =	rddreg [dreg:$0x1]  }
0x3: {  	s3 =	rddreg [dreg:$0x2];
	s4 =	simm.s32 $0x0  }
0x4: {  	s2 =	srdreg.scid;
	s7 =	stileid.u32;
	s18 =	simm.s32 $0x1B780  }
0x5: {  	s19 =	simm.s32 $0x1;
	s20 =	simm.s32 $0x1C780;
	s21 =	simm.s32 $0x1CB80  }
0x6: {  	s22 =	simm.s32 $0x1CC00;
	s23 =	simm.s32 $0x1D000;
	s24 =	simm.s32 $0x10  }
0x7: {  	s25 =	simm.s32 $0x20;
	s26 =	simm.s32 $0x8;
	s28 =	simm.s32 $0x0  }
0x8: {  	s29 =	simm.s32 $0x0;
	s2 =	sand.u32 $0x1, s2;
	s30 =	smul.u32 $0x61A80, s7  }
0x9: {  	[smem:$0x7FF] =	sst s4;
	s6 =	smul.u32 $0xC380, s7;
	s5 =	sshll.u32 s2, $0x1  }
0xa: {  	s7 =	smul.u32 $0x186A, s7;
	_ =	strace $0x80000053;
	s10 =	sadd.s32 s5, s0  }
0xb: {  	s0 =	sadd.s32 s2, s0;
	s2 =	ssub.s32 $0x2, s2;
	s4 =	sshrl.u32 s30, $0x2  }
0xc: {  	s6 =	sshrl.u32 s6, $0x2;
	s31 =	sshrl.u32 s2, $0x1;
	s5 =	sadd.s32 s4, s1  }
0xd: {  	s6 =	sadd.s32 s6, s3;
	s10 =	sadd.s32 $0x3D6D000, s10;
	s11 =	sadd.s32 $0x3DCEC00, s0  }
0xe: {  	s2 =	ssub.s32 s2, s31;
	s8 =	sadd.s32 $0x18000, s5;
	s9 =	sadd.s32 $0x3000, s6  }
0xf: {  	v0 =	vlaneseq.u32;
	s13 =	sadd.s32 $0x800, s6;
	s14 =	sadd.s32 $0x1000, s6;
	s15 =	sadd.s32 $0x1800, s6  }
0x10: {  	v2 =	vimm.f32 $0.0e+00;
	v1 =	vmul.u32 $0x10, v0;
	s16 =	sadd.s32 $0x2000, s6;
	s17 =	sadd.s32 $0x2800, s6;
	s12 =	smax.u32 s2, $0x1  }
.LBB2_1:
0x11: {  	s0 =	simm.s32 $0x0  }
0x12: {  	v3 =	vmov s0  }
0x13: {  	v3 =	vshll.u32 v3, $0x4  }
0x14: {  	v3 =	vor.u32 v1, v3  }
0x15: {  	v4 =	vor.u32 $0x1, v3  }
0x16: {  	v5 =	vor.u32 $0x2, v3  }
0x17: {  	v6 =	vor.u32 $0x3, v3  }
0x18: {  	v7 =	vor.u32 $0x4, v3  }
0x19: {  	v8 =	vor.u32 $0x5, v3;
	[tilespmem:v3+s18+$0x0] =	vst.idx.msk $0xffff, v2  }
0x1a: {  	[tilespmem:v4+s18+$0x0] =	vst.idx.msk $0xffff, v2;
	v4 =	vor.u32 $0x6, v3  }
0x1b: {  	[tilespmem:v5+s18+$0x0] =	vst.idx.msk $0xffff, v2;
	v5 =	vor.u32 $0x7, v3  }
0x1c: {  	v9 =	vor.u32 $0x8, v3;
	[tilespmem:v6+s18+$0x0] =	vst.idx.msk $0xffff, v2  }
0x1d: {  	v6 =	vor.u32 $0x9, v3;
	[tilespmem:v7+s18+$0x0] =	vst.idx.msk $0xffff, v2  }
0x1e: {  	v7 =	vor.u32 $0xA, v3;
	[tilespmem:v8+s18+$0x0] =	vst.idx.msk $0xffff, v2  }
0x1f: {  	v8 =	vor.u32 $0xB, v3;
	[tilespmem:v4+s18+$0x0] =	vst.idx.msk $0xffff, v2  }
0x20: {  	[tilespmem:v5+s18+$0x0] =	vst.idx.msk $0xffff, v2;
	v5 =	vor.u32 $0xC, v3  }
0x21: {  	s0 =	simm.s32 $0x10;
	v4 =	vor.u32 $0xE, v3;
	[tilespmem:v9+s18+$0x0] =	vst.idx.msk $0xffff, v2;
	v9 =	vor.u32 $0xD, v3  }
.LBB2_2:
0x22: {  	v10 =	vmov s0;
	p0 =	sne.s32 s0, $0x70;
	s0 =	sadd.s32 $0x10, s0;
	[tilespmem:v6+s18+$0x0] =	vst.idx.msk $0xffff, v2  }
0x23: {  	v6 =	vshll.u32 v10, $0x4;
	[tilespmem:v7+s18+$0x0] =	vst.idx.msk $0xffff, v2;
	v7 =	vor.u32 $0xF, v3  }
0x24: {  	v3 =	vor.u32 v1, v6;
	[tilespmem:v8+s18+$0x0] =	vst.idx.msk $0xffff, v2  }
0x25: {  	v6 =	vor.u32 $0x1, v3;
	v8 =	vor.u32 $0xE, v3;
	[tilespmem:v5+s18+$0x0] =	vst.idx.msk $0xffff, v2  }
0x26: {  	v5 =	vor.u32 $0x2, v3;
	[tilespmem:v9+s18+$0x0] =	vst.idx.msk $0xffff, v2  }
0x27: {  	v9 =	vor.u32 $0x3, v3;
	[tilespmem:v4+s18+$0x0] =	vst.idx.msk $0xffff, v2;
	v4 =	vmov v8  }
0x28: {  	v8 =	vor.u32 $0x4, v3;
	[tilespmem:v7+s18+$0x0] =	vst.idx.msk $0xffff, v2  }
0x29: {  	v7 =	vor.u32 $0x5, v3;
	[tilespmem:v3+s18+$0x0] =	vst.idx.msk $0xffff, v2  }
0x2a: {  	v10 =	vor.u32 $0x6, v3;
	[tilespmem:v6+s18+$0x0] =	vst.idx.msk $0xffff, v2  }
0x2b: {  	[tilespmem:v5+s18+$0x0] =	vst.idx.msk $0xffff, v2;
	v5 =	vor.u32 $0x7, v3  }
0x2c: {  	[tilespmem:v9+s18+$0x0] =	vst.idx.msk $0xffff, v2;
	v9 =	vor.u32 $0x8, v3  }
.Ltmp0:
0x2d: {  	v6 =	vor.u32 $0x9, v3;
	[tilespmem:v8+s18+$0x0] =	vst.idx.msk $0xffff, v2;
	(pc) =	sbr.rel @p0 .LBB2_2-.Ltmp0, $4  }
0x2e: {  	[tilespmem:v7+s18+$0x0] =	vst.idx.msk $0xffff, v2;
	v7 =	vor.u32 $0xA, v3  }
0x2f: {  	v8 =	vor.u32 $0xB, v3;
	[tilespmem:v10+s18+$0x0] =	vst.idx.msk $0xffff, v2  }
0x30: {  	[tilespmem:v5+s18+$0x0] =	vst.idx.msk $0xffff, v2;
	v5 =	vor.u32 $0xC, v3  }
0x31: {  	[tilespmem:v9+s18+$0x0] =	vst.idx.msk $0xffff, v2;
	v9 =	vor.u32 $0xD, v3  }
0x32: {  	_ =	sdelay $0x3  }
0x33: {  	[tilespmem:v6+s18+$0x0] =	vst.idx.msk $0xffff, v2  }
0x34: {  	v3 =	vor.u32 $0xF, v3;
	[tilespmem:v7+s18+$0x0] =	vst.idx.msk $0xffff, v2  }
0x35: {  	[tilespmem:v8+s18+$0x0] =	vst.idx.msk $0xffff, v2  }
0x36: {  	[tilespmem:v5+s18+$0x0] =	vst.idx.msk $0xffff, v2  }
0x37: {  	[tilespmem:v9+s18+$0x0] =	vst.idx.msk $0xffff, v2  }
0x38: {  	[tilespmem:v4+s18+$0x0] =	vst.idx.msk $0xffff, v2  }
0x39: {  	s0 =	sadd.s32 $0x0, s5;
	[tilespmem:v3+s18+$0x0] =	vst.idx.msk $0xffff, v2  }
0x3a: {  	[spmem:s0] =	stream.linear.scatter [tilespmem:s18], [sflag:$0x1], $0x800, $0x38;
	[tilespmem:$0x1D200] =	vst v63  }
0x3b: {  	s0 =	simm.s32 $0x2000;
	_ =	swait.ge [sflag:s19], $0x800  }
.LBB2_4:
0x3c: {  	s2 =	sshra.s32 s0, $0x2;
	[sflag:s19] =	ssyncset.done $0x0;
	p0 =	sne.s32 s0, $0x5E000  }
.Ltmp1:
0x3d: {  	s2 =	sadd.s32 s2, s5;
	[sflag:s19] =	ssyncadd.s32 $0xFFFFF800;
	(pc) =	sbr.rel @p0 .LBB2_4-.Ltmp1, $3  }
0x3e: {  	[spmem:s2] =	stream.linear.scatter [tilespmem:s18], [sflag:$0x1], $0x800, $0x38;
	[tilespmem:$0x1D200] =	vst v63  }
0x3f: {  	s0 =	sadd.s32 $0x2000, s0;
	_ =	sdelay $0x1  }
0x40: {  	_ =	swait.ge [sflag:s19], $0x800  }
0x41: {  	[sflag:s19] =	ssyncset.done $0x0  }
0x42: {  	[sflag:s19] =	ssyncadd.s32 $0xFFFFF800  }
0x43: {  	[spmem:s8] =	stream.linear.scatter [tilespmem:s18], [sflag:$0x1], $0x6A0, $0x38;
	[tilespmem:$0x1D200] =	vst v63  }
0x44: {  	_ =	swait.ge [sflag:s19], $0x6A0  }
0x45: {  	[sflag:s19] =	ssyncset.done $0x0  }
0x46: {  	[sflag:s19] =	ssyncadd.s32 $0xFFFFF960  }
0x47: {  	[spmem:s6] =	stream.linear.scatter [tilespmem:s18], [sflag:$0x1], $0x800, $0x38;
	[tilespmem:$0x1D200] =	vst v63  }
0x48: {  	_ =	swait.ge [sflag:s19], $0x800  }
0x49: {  	[sflag:s19] =	ssyncset.done $0x0  }
0x4a: {  	[sflag:s19] =	ssyncadd.s32 $0xFFFFF800  }
0x4b: {  	[spmem:s13] =	stream.linear.scatter [tilespmem:s18], [sflag:$0x1], $0x800, $0x38;
	[tilespmem:$0x1D200] =	vst v63  }
0x4c: {  	_ =	swait.ge [sflag:s19], $0x800  }
0x4d: {  	[sflag:s19] =	ssyncset.done $0x0  }
0x4e: {  	[sflag:s19] =	ssyncadd.s32 $0xFFFFF800  }
0x4f: {  	[spmem:s14] =	stream.linear.scatter [tilespmem:s18], [sflag:$0x1], $0x800, $0x38;
	[tilespmem:$0x1D200] =	vst v63  }
0x50: {  	_ =	swait.ge [sflag:s19], $0x800  }
0x51: {  	[sflag:s19] =	ssyncset.done $0x0  }
0x52: {  	[sflag:s19] =	ssyncadd.s32 $0xFFFFF800  }
0x53: {  	[spmem:s15] =	stream.linear.scatter [tilespmem:s18], [sflag:$0x1], $0x800, $0x38;
	[tilespmem:$0x1D200] =	vst v63  }
0x54: {  	_ =	swait.ge [sflag:s19], $0x800  }
0x55: {  	[sflag:s19] =	ssyncset.done $0x0  }
0x56: {  	[sflag:s19] =	ssyncadd.s32 $0xFFFFF800  }
0x57: {  	[spmem:s16] =	stream.linear.scatter [tilespmem:s18], [sflag:$0x1], $0x800, $0x38;
	[tilespmem:$0x1D200] =	vst v63  }
0x58: {  	_ =	swait.ge [sflag:s19], $0x800  }
0x59: {  	[sflag:s19] =	ssyncset.done $0x0  }
0x5a: {  	[sflag:s19] =	ssyncadd.s32 $0xFFFFF800  }
0x5b: {  	[spmem:s17] =	stream.linear.scatter [tilespmem:s18], [sflag:$0x1], $0x800, $0x38;
	[tilespmem:$0x1D200] =	vst v63  }
0x5c: {  	_ =	swait.ge [sflag:s19], $0x800  }
0x5d: {  	[sflag:s19] =	ssyncset.done $0x0  }
0x5e: {  	[sflag:s19] =	ssyncadd.s32 $0xFFFFF800  }
0x5f: {  	[spmem:s9] =	stream.linear.scatter [tilespmem:s18], [sflag:$0x1], $0xE0, $0x38;
	[tilespmem:$0x1D200] =	vst v63  }
0x60: {  	_ =	swait.ge [sflag:s19], $0xE0  }
0x61: {  	[sflag:s19] =	ssyncset.done $0x0  }
0x62: {  	[sflag:s19] =	ssyncadd.s32 $0xFFFFFF20  }
0x63: {  	[bflag:$0x0] =	sbarrier.arrive $0xFFFF  }
0x64: {  	s30 =	simm.s32 $0x0;
	[bflag:$0x0] =	sbarrier.arrive $0xFFFF  }
.LBB2_6:
0x65: {  	s0 =	smul.u32 $0x32, s30;
	_ =	sdelay $0x1  }
0x66: {  	s31 =	sadd.s32 s7, s0  }
0x67: {  	s0 =	sshll.u32 s31, $0x4  }
0x68: {  	v5 =	vor.u32 s29, v0;
	v3 =	vmov s31;
	s0 =	sand.u32 $0x3FFFFFF0, s0  }
0x69: {  	s2 =	sshrl.u32 s31, $0x3;
	v6 =	vadd.s32 v3, v5;
	s0 =	sadd.s32 s0, s1  }
0x6a: {  	v4 =	vmov s2;
	v7 =	vshrl.u32 v6, $0x3;
	[tilespmem:s20], [sflag:$0x1] =	stream.linear.gather [spmem:s0], $0x320, $0x38;
	[tilespmem:$0x1D200] =	vst v63  }
0x6b: {  	v6 =	vshll.u32 v6, $0x1;
	s0 =	sshll.u32 s31, $0x1;
	v7 =	vsub.s32 v7, v4;
	_ =	swait.ge [sflag:s19], $0x320  }
0x6c: {  	vm0 =	vlt.u32 v5, $0x32;
	v6 =	vand.u32 $0xE, v6;
	s4 =	sand.u32 $0x3FFFFFF0, s0;
	v7 =	vshll.u32 v7, $0x4;
	[sflag:s19] =	ssyncset.done $0x0  }
0x6d: {  	s2 =	sadd.s32 s4, s3;
	v6 =	vor.u32 v6, v7;
	[sflag:s19] =	ssyncadd.s32 $0xFFFFFCE0  }
0x6e: {  	[tilespmem:s21], [sflag:$0x1] =	stream.linear.gather [spmem:s2], $0x80, $0x38;
	[tilespmem:$0x1D200] =	vst v63  }
0x6f: {  	_ =	swait.ge [sflag:s19], $0x80  }
0x70: {  	[sflag:s19] =	ssyncset.done $0x0  }
0x71: {  	[sflag:s19] =	ssyncadd.s32 $0xFFFFFF80  }
0x72: {  	v7 =	vld.idx.msk [tilespmem:v6+s21+$0x0], vm0;
	_ =	sdelay $0x4  }
0x73: {  	vm0 =	vmmov vm0;
	(erf) = vrcp.f32 v7  }
0x74: {  	v8 =	vshll.u32 v5, $0x4;
	_ =	sdelay $0x4  }
0x75: {  	v9 =	vld.idx.msk [tilespmem:v8+s20+$0x0], vm0;
	_ =	sdelay $0x1  }
0x76: {  	v6 =	vor.u32 $0x1, v6;
	vm1 =	vlt.f32 v7, $0.0e+00;
	vm2 =	vgt.f32 v7, $0.0e+00  }
0x77: {  	v7 =	vor.u32 $0x1, v8;
	vm1 =	vmor vm2, vm1;
	v10 =	vpop (erf)  }
0x78: {  	v10 =	vnsel vm1, $0x0, v10  }
0x79: {  	v9 =	vmul.f32 v10, v9;
	_ =	sdelay $0x1  }
0x7a: {  	v6 =	vld.idx.msk [tilespmem:v6+s21+$0x0], vm0;
	[tilespmem:v8+s22+$0x0] =	vst.idx.msk vm0, v9  }
0x7b: {  	v9 =	vld.idx.msk [tilespmem:v7+s20+$0x0], vm0;
	_ =	sdelay $0x2  }
0x7c: {  	v11 =	vor.u32 $0x2, v8;
	_ =	sdelay $0x1  }
0x7d: {  	v9 =	vmul.f32 v9, v10;
	_ =	sdelay $0x1  }
0x7e: {  	[tilespmem:v7+s22+$0x0] =	vst.idx.msk vm0, v9  }
0x7f: {  	v7 =	vld.idx.msk [tilespmem:v11+s20+$0x0], vm0;
	_ =	sdelay $0x2  }
0x80: {  	v9 =	vor.u32 $0x3, v8;
	_ =	sdelay $0x1  }
0x81: {  	v7 =	vmul.f32 v7, v10;
	_ =	sdelay $0x1  }
0x82: {  	[tilespmem:v11+s22+$0x0] =	vst.idx.msk vm0, v7  }
0x83: {  	v7 =	vld.idx.msk [tilespmem:v9+s20+$0x0], vm0;
	_ =	sdelay $0x2  }
0x84: {  	v11 =	vor.u32 $0x4, v8;
	_ =	sdelay $0x1  }
0x85: {  	v7 =	vmul.f32 v7, v10;
	_ =	sdelay $0x1  }
0x86: {  	[tilespmem:v9+s22+$0x0] =	vst.idx.msk vm0, v7  }
0x87: {  	v7 =	vld.idx.msk [tilespmem:v11+s20+$0x0], vm0;
	_ =	sdelay $0x2  }
0x88: {  	v9 =	vor.u32 $0x5, v8;
	_ =	sdelay $0x1  }
0x89: {  	v7 =	vmul.f32 v7, v10;
	_ =	sdelay $0x1  }
0x8a: {  	[tilespmem:v11+s22+$0x0] =	vst.idx.msk vm0, v7  }
0x8b: {  	v7 =	vld.idx.msk [tilespmem:v9+s20+$0x0], vm0;
	_ =	sdelay $0x1  }
0x8c: {  	(erf) = vrcp.f32 v6  }
0x8d: {  	v11 =	vor.u32 $0x6, v8;
	_ =	sdelay $0x1  }
0x8e: {  	v7 =	vmul.f32 v7, v10;
	_ =	sdelay $0x1  }
0x8f: {  	[tilespmem:v9+s22+$0x0] =	vst.idx.msk vm0, v7  }
0x90: {  	v7 =	vld.idx.msk [tilespmem:v11+s20+$0x0], vm0;
	_ =	sdelay $0x1  }
0x91: {  	vm2 =	vgt.f32 v6, $0.0e+00;
	vm1 =	vlt.f32 v6, $0.0e+00  }
0x92: {  	vm1 =	vmor vm2, vm1;
	v6 =	vpop (erf);
	v9 =	vor.u32 $0x7, v8  }
0x93: {  	v12 =	vnsel vm1, $0x0, v6  }
0x94: {  	v6 =	vmul.f32 v7, v12;
	_ =	sdelay $0x1  }
0x95: {  	[tilespmem:v11+s22+$0x0] =	vst.idx.msk vm0, v6  }
0x96: {  	v6 =	vld.idx.msk [tilespmem:v9+s20+$0x0], vm0;
	_ =	sdelay $0x2  }
0x97: {  	v7 =	vor.u32 $0x8, v8;
	_ =	sdelay $0x1  }
0x98: {  	v6 =	vmul.f32 v6, v12;
	_ =	sdelay $0x1  }
0x99: {  	[tilespmem:v9+s22+$0x0] =	vst.idx.msk vm0, v6  }
0x9a: {  	v6 =	vld.idx.msk [tilespmem:v7+s20+$0x0], vm0;
	_ =	sdelay $0x2  }
0x9b: {  	v9 =	vor.u32 $0x9, v8;
	_ =	sdelay $0x1  }
0x9c: {  	v6 =	vmul.f32 v6, v12;
	_ =	sdelay $0x1  }
0x9d: {  	[tilespmem:v7+s22+$0x0] =	vst.idx.msk vm0, v6  }
0x9e: {  	v6 =	vld.idx.msk [tilespmem:v9+s20+$0x0], vm0;
	_ =	sdelay $0x2  }
0x9f: {  	v7 =	vor.u32 $0xA, v8;
	_ =	sdelay $0x1  }
0xa0: {  	v6 =	vmul.f32 v6, v12;
	_ =	sdelay $0x1  }
0xa1: {  	[tilespmem:v9+s22+$0x0] =	vst.idx.msk vm0, v6  }
0xa2: {  	v6 =	vld.idx.msk [tilespmem:v7+s20+$0x0], vm0;
	_ =	sdelay $0x2  }
0xa3: {  	v9 =	vor.u32 $0xB, v8;
	_ =	sdelay $0x1  }
0xa4: {  	v6 =	vmul.f32 v6, v12;
	_ =	sdelay $0x1  }
0xa5: {  	[tilespmem:v7+s22+$0x0] =	vst.idx.msk vm0, v6  }
0xa6: {  	v6 =	vld.idx.msk [tilespmem:v9+s20+$0x0], vm0;
	_ =	sdelay $0x2  }
0xa7: {  	v7 =	vor.u32 $0xC, v8;
	_ =	sdelay $0x1  }
0xa8: {  	v6 =	vmul.f32 v6, v12;
	_ =	sdelay $0x1  }
0xa9: {  	[tilespmem:v9+s22+$0x0] =	vst.idx.msk vm0, v6  }
0xaa: {  	v6 =	vld.idx.msk [tilespmem:v7+s20+$0x0], vm0;
	_ =	sdelay $0x1  }
0xab: {  	v7 =	vshll.u32 v5, $0x3  }
0xac: {  	v5 =	vor.u32 $0xD, v8;
	_ =	sdelay $0x1  }
0xad: {  	v6 =	vmul.f32 v6, v10;
	_ =	sdelay $0x1  }
0xae: {  	[tilespmem:v7+s23+$0x0] =	vst.idx.msk vm0, v6  }
0xaf: {  	v5 =	vld.idx.msk [tilespmem:v5+s20+$0x0], vm0;
	_ =	sdelay $0x1  }
0xb0: {  	v6 =	vor.u32 $0x1, v7  }
0xb1: {  	v9 =	vor.u32 $0xE, v8;
	_ =	sdelay $0x1  }
0xb2: {  	v5 =	vmul.f32 v5, v10;
	_ =	sdelay $0x1  }
0xb3: {  	[tilespmem:v6+s23+$0x0] =	vst.idx.msk vm0, v5  }
0xb4: {  	v5 =	vld.idx.msk [tilespmem:v9+s20+$0x0], vm0;
	_ =	sdelay $0x1  }
0xb5: {  	v6 =	vor.u32 $0x2, v7  }
0xb6: {  	v8 =	vor.u32 $0xF, v8;
	_ =	sdelay $0x1  }
0xb7: {  	s4 =	simm.s32 $0x10;
	v9 =	vmul.f32 v5, v12  }
0xb8: {  	v5 =	vor.u32 s4, v0  }
0xb9: {  	[tilespmem:v6+s23+$0x0] =	vst.idx.msk vm0, v9;
	v6 =	vadd.s32 v3, v5  }
0xba: {  	v8 =	vld.idx.msk [tilespmem:v8+s20+$0x0], vm0;
	v9 =	vshrl.u32 v6, $0x3  }
0xbb: {  	v6 =	vshll.u32 v6, $0x1;
	v9 =	vsub.s32 v9, v4  }
0xbc: {  	v10 =	vand.u32 $0xE, v6;
	v6 =	vor.u32 $0x3, v7;
	v9 =	vshll.u32 v9, $0x4  }
0xbd: {  	v7 =	vor.u32 v10, v9;
	_ =	sdelay $0x1  }
0xbe: {  	s2 =	simm.s32 $0x20;
	vm1 =	vlt.u32 v5, $0x32;
	v9 =	vor.u32 $0x1, v7;
	v8 =	vmul.f32 v8, v12  }
.LBB2_7:
0xbf: {  	_ = 	snop  }
0xc0: {  	p0 =	sne.s32 s2, $0x30;
	s4 =	smov.u32 s2;
	s2 =	sadd.s32 $0x10, s2;
	[tilespmem:v6+s23+$0x0] =	vst.idx.msk vm0, v8;
	vm0 =	vmmov vm1  }
0xc1: {  	v7 =	vld.idx.msk [tilespmem:v7+s21+$0x0], vm1;
	_ =	sdelay $0x4  }
0xc2: {  	v6 =	vshll.u32 v5, $0x4  }
0xc3: {  	vm1 =	vlt.f32 v7, $0.0e+00;
	vm2 =	vgt.f32 v7, $0.0e+00;
	(erf) = vrcp.f32 v7  }
0xc4: {  	vm1 =	vmor vm2, vm1;
	_ =	sdelay $0x3  }
0xc5: {  	v8 =	vld.idx.msk [tilespmem:v6+s20+$0x0], vm0;
	_ =	sdelay $0x3  }
0xc6: {  	v10 =	vor.u32 $0x1, v6;
	v7 =	vpop (erf)  }
0xc7: {  	v7 =	vnsel vm1, $0x0, v7  }
0xc8: {  	v8 =	vmul.f32 v7, v8  }
0xc9: {  	v9 =	vld.idx.msk [tilespmem:v9+s21+$0x0], vm0  }
0xca: {  	[tilespmem:v6+s22+$0x0] =	vst.idx.msk vm0, v8  }
0xcb: {  	v8 =	vld.idx.msk [tilespmem:v10+s20+$0x0], vm0;
	_ =	sdelay $0x3  }
0xcc: {  	v11 =	vor.u32 $0x2, v6;
	vm1 =	vlt.f32 v9, $0.0e+00;
	(erf) = vrcp.f32 v9  }
0xcd: {  	vm2 =	vgt.f32 v9, $0.0e+00  }
0xce: {  	vm1 =	vmor vm2, vm1;
	v8 =	vmul.f32 v8, v7;
	_ =	sdelay $0x1  }
0xcf: {  	[tilespmem:v10+s22+$0x0] =	vst.idx.msk vm0, v8  }
0xd0: {  	v8 =	vld.idx.msk [tilespmem:v11+s20+$0x0], vm0;
	_ =	sdelay $0x3  }
0xd1: {  	v9 =	vor.u32 $0x3, v6;
	v10 =	vpop (erf);
	_ =	sdelay $0x1  }
0xd2: {  	v8 =	vmul.f32 v8, v7;
	_ =	sdelay $0x1  }
0xd3: {  	[tilespmem:v11+s22+$0x0] =	vst.idx.msk vm0, v8  }
0xd4: {  	v8 =	vld.idx.msk [tilespmem:v9+s20+$0x0], vm0;
	_ =	sdelay $0x3  }
0xd5: {  	v11 =	vor.u32 $0x4, v6;
	_ =	sdelay $0x1  }
0xd6: {  	v8 =	vmul.f32 v8, v7;
	_ =	sdelay $0x1  }
0xd7: {  	[tilespmem:v9+s22+$0x0] =	vst.idx.msk vm0, v8  }
0xd8: {  	v8 =	vld.idx.msk [tilespmem:v11+s20+$0x0], vm0;
	_ =	sdelay $0x3  }
0xd9: {  	v9 =	vor.u32 $0x5, v6;
	_ =	sdelay $0x1  }
0xda: {  	v8 =	vmul.f32 v8, v7;
	_ =	sdelay $0x1  }
0xdb: {  	[tilespmem:v11+s22+$0x0] =	vst.idx.msk vm0, v8  }
0xdc: {  	v8 =	vld.idx.msk [tilespmem:v9+s20+$0x0], vm0;
	_ =	sdelay $0x3  }
0xdd: {  	v11 =	vor.u32 $0x6, v6;
	_ =	sdelay $0x1  }
0xde: {  	v8 =	vmul.f32 v8, v7;
	_ =	sdelay $0x1  }
0xdf: {  	[tilespmem:v9+s22+$0x0] =	vst.idx.msk vm0, v8  }
0xe0: {  	v9 =	vld.idx.msk [tilespmem:v11+s20+$0x0], vm0;
	_ =	sdelay $0x3  }
0xe1: {  	v12 =	vor.u32 $0x7, v6  }
0xe2: {  	v8 =	vnsel vm1, $0x0, v10  }
0xe3: {  	v9 =	vmul.f32 v9, v8;
	_ =	sdelay $0x1  }
0xe4: {  	[tilespmem:v11+s22+$0x0] =	vst.idx.msk vm0, v9  }
0xe5: {  	v9 =	vld.idx.msk [tilespmem:v12+s20+$0x0], vm0;
	_ =	sdelay $0x3  }
0xe6: {  	v10 =	vor.u32 $0x8, v6;
	_ =	sdelay $0x1  }
0xe7: {  	v9 =	vmul.f32 v9, v8;
	_ =	sdelay $0x1  }
0xe8: {  	[tilespmem:v12+s22+$0x0] =	vst.idx.msk vm0, v9  }
0xe9: {  	v9 =	vld.idx.msk [tilespmem:v10+s20+$0x0], vm0;
	_ =	sdelay $0x3  }
0xea: {  	v11 =	vor.u32 $0x9, v6;
	_ =	sdelay $0x1  }
0xeb: {  	v9 =	vmul.f32 v9, v8;
	_ =	sdelay $0x1  }
0xec: {  	[tilespmem:v10+s22+$0x0] =	vst.idx.msk vm0, v9  }
0xed: {  	v9 =	vld.idx.msk [tilespmem:v11+s20+$0x0], vm0;
	_ =	sdelay $0x3  }
0xee: {  	v10 =	vor.u32 $0xA, v6;
	_ =	sdelay $0x1  }
0xef: {  	v9 =	vmul.f32 v9, v8;
	_ =	sdelay $0x1  }
0xf0: {  	[tilespmem:v11+s22+$0x0] =	vst.idx.msk vm0, v9  }
0xf1: {  	v9 =	vld.idx.msk [tilespmem:v10+s20+$0x0], vm0;
	_ =	sdelay $0x3  }
0xf2: {  	v11 =	vor.u32 $0xB, v6;
	_ =	sdelay $0x1  }
0xf3: {  	v9 =	vmul.f32 v9, v8;
	_ =	sdelay $0x1  }
0xf4: {  	[tilespmem:v10+s22+$0x0] =	vst.idx.msk vm0, v9  }
0xf5: {  	v9 =	vld.idx.msk [tilespmem:v11+s20+$0x0], vm0;
	_ =	sdelay $0x3  }
0xf6: {  	v10 =	vor.u32 $0xC, v6;
	_ =	sdelay $0x1  }
0xf7: {  	v9 =	vmul.f32 v9, v8;
	_ =	sdelay $0x1  }
0xf8: {  	[tilespmem:v11+s22+$0x0] =	vst.idx.msk vm0, v9  }
0xf9: {  	v9 =	vld.idx.msk [tilespmem:v10+s20+$0x0], vm0;
	_ =	sdelay $0x2  }
0xfa: {  	v10 =	vshll.u32 v5, $0x3  }
0xfb: {  	v5 =	vor.u32 $0xD, v6;
	_ =	sdelay $0x1  }
0xfc: {  	v9 =	vmul.f32 v9, v7;
	_ =	sdelay $0x1  }
0xfd: {  	[tilespmem:v10+s23+$0x0] =	vst.idx.msk vm0, v9  }
0xfe: {  	v5 =	vld.idx.msk [tilespmem:v5+s20+$0x0], vm0;
	_ =	sdelay $0x2  }
0xff: {  	v9 =	vor.u32 $0x1, v10  }
0x100: {  	v11 =	vor.u32 $0xE, v6;
	_ =	sdelay $0x1  }
0x101: {  	v5 =	vmul.f32 v5, v7;
	_ =	sdelay $0x1  }
0x102: {  	[tilespmem:v9+s23+$0x0] =	vst.idx.msk vm0, v5  }
0x103: {  	v5 =	vld.idx.msk [tilespmem:v11+s20+$0x0], vm0;
	_ =	sdelay $0x2  }
0x104: {  	v7 =	vor.u32 $0x2, v10  }
0x105: {  	v6 =	vor.u32 $0xF, v6;
	_ =	sdelay $0x1  }
0x106: {  	v9 =	vmul.f32 v5, v8;
	_ =	sdelay $0x1  }
0x107: {  	v5 =	vor.u32 s4, v0;
	[tilespmem:v7+s23+$0x0] =	vst.idx.msk vm0, v9  }
0x108: {  	v7 =	vadd.s32 v3, v5;
	v11 =	vld.idx.msk [tilespmem:v6+s20+$0x0], vm0  }
0x109: {  	v6 =	vshrl.u32 v7, $0x3;
	v7 =	vshll.u32 v7, $0x1  }
.Ltmp2:
0x10a: {  	v9 =	vsub.s32 v6, v4;
	v6 =	vor.u32 $0x3, v10;
	(pc) =	sbr.rel @p0 .LBB2_7-.Ltmp2, $4  }
0x10b: {  	vm1 =	vlt.u32 v5, $0x32;
	v7 =	vand.u32 $0xE, v7;
	v9 =	vshll.u32 v9, $0x4  }
0x10c: {  	v7 =	vor.u32 v7, v9  }
0x10d: {  	v9 =	vor.u32 $0x1, v7  }
0x10e: {  	v8 =	vmul.f32 v11, v8  }
0x10f: {  	_ =	sdelay $0x4  }
0x110: {  	[tilespmem:v6+s23+$0x0] =	vst.idx.msk vm0, v8  }
0x111: {  	v3 =	vld.idx.msk [tilespmem:v7+s21+$0x0], vm1;
	_ =	sdelay $0x4  }
0x112: {  	(erf) = vrcp.f32 v3  }
0x113: {  	v4 =	vshll.u32 v5, $0x4;
	_ =	sdelay $0x4  }
0x114: {  	v6 =	vld.idx.msk [tilespmem:v4+s20+$0x0], vm1  }
0x115: {  	vm12 =	vmmov vm1  }
0x116: {  	vm13 =	vlt.f32 v3, $0.0e+00;
	vm2 =	vgt.f32 v3, $0.0e+00  }
0x117: {  	v3 =	vor.u32 $0x1, v4;
	vm1 =	vmor vm2, vm13;
	v45 =	vpop (erf)  }
0x118: {  	v7 =	vnsel vm1, $0x0, v45  }
0x119: {  	v6 =	vmul.f32 v7, v6;
	_ =	sdelay $0x1  }
0x11a: {  	v8 =	vld.idx.msk [tilespmem:v9+s21+$0x0], vm12;
	[tilespmem:v4+s22+$0x0] =	vst.idx.msk vm12, v6  }
0x11b: {  	v6 =	vld.idx.msk [tilespmem:v3+s20+$0x0], vm12;
	_ =	sdelay $0x2  }
0x11c: {  	v46 =	vor.u32 $0x2, v4;
	_ =	sdelay $0x1  }
0x11d: {  	v6 =	vmul.f32 v6, v7;
	_ =	sdelay $0x1  }
0x11e: {  	[tilespmem:v3+s22+$0x0] =	vst.idx.msk vm12, v6  }
0x11f: {  	v3 =	vld.idx.msk [tilespmem:v46+s20+$0x0], vm12;
	_ =	sdelay $0x2  }
0x120: {  	v47 =	vor.u32 $0x3, v4;
	_ =	sdelay $0x1  }
0x121: {  	v3 =	vmul.f32 v3, v7;
	_ =	sdelay $0x1  }
0x122: {  	[tilespmem:v46+s22+$0x0] =	vst.idx.msk vm12, v3  }
0x123: {  	v3 =	vld.idx.msk [tilespmem:v47+s20+$0x0], vm12;
	_ =	sdelay $0x2  }
0x124: {  	v48 =	vor.u32 $0x4, v4;
	_ =	sdelay $0x1  }
0x125: {  	v3 =	vmul.f32 v3, v7;
	_ =	sdelay $0x1  }
0x126: {  	[tilespmem:v47+s22+$0x0] =	vst.idx.msk vm12, v3  }
0x127: {  	v3 =	vld.idx.msk [tilespmem:v48+s20+$0x0], vm12;
	_ =	sdelay $0x2  }
0x128: {  	v49 =	vor.u32 $0x5, v4;
	_ =	sdelay $0x1  }
0x129: {  	v3 =	vmul.f32 v3, v7;
	_ =	sdelay $0x1  }
0x12a: {  	[tilespmem:v48+s22+$0x0] =	vst.idx.msk vm12, v3  }
0x12b: {  	v3 =	vld.idx.msk [tilespmem:v49+s20+$0x0], vm12;
	_ =	sdelay $0x1  }
0x12c: {  	(erf) = vrcp.f32 v8  }
0x12d: {  	v50 =	vor.u32 $0x6, v4;
	_ =	sdelay $0x1  }
0x12e: {  	v3 =	vmul.f32 v3, v7;
	_ =	sdelay $0x1  }
0x12f: {  	[tilespmem:v49+s22+$0x0] =	vst.idx.msk vm12, v3  }
0x130: {  	v3 =	vld.idx.msk [tilespmem:v50+s20+$0x0], vm12;
	_ =	sdelay $0x1  }
0x131: {  	vm14 =	vlt.f32 v8, $0.0e+00;
	vm15 =	vgt.f32 v8, $0.0e+00  }
0x132: {  	v52 =	vor.u32 $0x7, v4;
	vm1 =	vmor vm15, vm14;
	v51 =	vpop (erf)  }
0x133: {  	v6 =	vnsel vm1, $0x0, v51  }
0x134: {  	v3 =	vmul.f32 v3, v6;
	_ =	sdelay $0x1  }
0x135: {  	[tilespmem:v50+s22+$0x0] =	vst.idx.msk vm12, v3  }
0x136: {  	v3 =	vld.idx.msk [tilespmem:v52+s20+$0x0], vm12;
	_ =	sdelay $0x2  }
0x137: {  	v53 =	vor.u32 $0x8, v4;
	_ =	sdelay $0x1  }
0x138: {  	v3 =	vmul.f32 v3, v6;
	_ =	sdelay $0x1  }
0x139: {  	[tilespmem:v52+s22+$0x0] =	vst.idx.msk vm12, v3  }
0x13a: {  	v3 =	vld.idx.msk [tilespmem:v53+s20+$0x0], vm12;
	_ =	sdelay $0x2  }
0x13b: {  	v54 =	vor.u32 $0x9, v4;
	_ =	sdelay $0x1  }
0x13c: {  	v3 =	vmul.f32 v3, v6;
	_ =	sdelay $0x1  }
0x13d: {  	[tilespmem:v53+s22+$0x0] =	vst.idx.msk vm12, v3  }
0x13e: {  	v3 =	vld.idx.msk [tilespmem:v54+s20+$0x0], vm12;
	_ =	sdelay $0x2  }
0x13f: {  	v55 =	vor.u32 $0xA, v4;
	_ =	sdelay $0x1  }
0x140: {  	v3 =	vmul.f32 v3, v6;
	_ =	sdelay $0x1  }
0x141: {  	[tilespmem:v54+s22+$0x0] =	vst.idx.msk vm12, v3  }
0x142: {  	v3 =	vld.idx.msk [tilespmem:v55+s20+$0x0], vm12;
	_ =	sdelay $0x2  }
0x143: {  	v56 =	vor.u32 $0xB, v4;
	_ =	sdelay $0x1  }
0x144: {  	v3 =	vmul.f32 v3, v6;
	_ =	sdelay $0x1  }
0x145: {  	[tilespmem:v55+s22+$0x0] =	vst.idx.msk vm12, v3  }
0x146: {  	v3 =	vld.idx.msk [tilespmem:v56+s20+$0x0], vm12;
	_ =	sdelay $0x2  }
0x147: {  	v57 =	vor.u32 $0xC, v4;
	_ =	sdelay $0x1  }
0x148: {  	v3 =	vmul.f32 v3, v6;
	_ =	sdelay $0x1  }
0x149: {  	[tilespmem:v56+s22+$0x0] =	vst.idx.msk vm12, v3  }
0x14a: {  	v3 =	vld.idx.msk [tilespmem:v57+s20+$0x0], vm12;
	_ =	sdelay $0x1  }
0x14b: {  	v58 =	vshll.u32 v5, $0x3  }
0x14c: {  	v59 =	vor.u32 $0xD, v4;
	_ =	sdelay $0x1  }
0x14d: {  	v3 =	vmul.f32 v3, v7;
	_ =	sdelay $0x1  }
0x14e: {  	[tilespmem:v58+s23+$0x0] =	vst.idx.msk vm12, v3  }
0x14f: {  	v3 =	vld.idx.msk [tilespmem:v59+s20+$0x0], vm12;
	_ =	sdelay $0x1  }
0x150: {  	v60 =	vor.u32 $0x1, v58  }
0x151: {  	v61 =	vor.u32 $0xE, v4;
	_ =	sdelay $0x1  }
0x152: {  	v3 =	vmul.f32 v3, v7;
	_ =	sdelay $0x1  }
0x153: {  	[tilespmem:v60+s23+$0x0] =	vst.idx.msk vm12, v3  }
0x154: {  	v3 =	vld.idx.msk [tilespmem:v61+s20+$0x0], vm12;
	_ =	sdelay $0x1  }
0x155: {  	v62 =	vor.u32 $0x2, v58  }
0x156: {  	v4 =	vor.u32 $0xF, v4;
	_ =	sdelay $0x1  }
0x157: {  	v3 =	vmul.f32 v3, v6;
	_ =	sdelay $0x1  }
0x158: {  	[tilespmem:v62+s23+$0x0] =	vst.idx.msk vm12, v3  }
0x159: {  	v3 =	vld.idx.msk [tilespmem:v4+s20+$0x0], vm12;
	_ =	sdelay $0x1  }
0x15a: {  	v63 =	vor.u32 $0x3, v58;
	_ =	sdelay $0x2  }
0x15b: {  	v3 =	vmul.f32 v3, v6  }
0x15c: {  	s2 =	sshll.u32 s31, $0x2  }
0x15d: {  	s2 =	sadd.s32 s2, s10;
	[tilespmem:v63+s23+$0x0] =	vst.idx.msk vm12, v3  }
0x15e: {  	[hbm4b:s2+s24] =	stream.strided.scatter [tilespmem:s22], [sflag:$0x1], $0x320, s25, s24, $0x38;
	[tilespmem:$0x1D200] =	vst v63  }
0x15f: {  	s30 =	sadd.s32 $0x1, s30;
	_ =	swait.ge [sflag:s19], $0x320  }
0x160: {  	p0 =	sne.s32 s30, $0x7D;
	[sflag:s19] =	ssyncset.done $0x0  }
.Ltmp3:
0x161: {  	s0 =	sadd.s32 s0, s11;
	[sflag:s19] =	ssyncadd.s32 $0xFFFFFCE0;
	(pc) =	sbr.rel @p0 .LBB2_6-.Ltmp3, $4  }
0x162: {  	[hbm4b:s0+s26] =	stream.strided.scatter [tilespmem:s23], [sflag:$0x1], $0x190, s24, s26, $0x38;
	[tilespmem:$0x1D200] =	vst v63  }
0x163: {  	_ =	swait.ge [sflag:s19], $0x190  }
0x164: {  	[sflag:s19] =	ssyncset.done $0x0  }
0x165: {  	[sflag:s19] =	ssyncadd.s32 $0xFFFFFE70  }
0x166: {  	s28 =	sadd.s32 $0x1, s28  }
0x167: {  	p0 =	sne.s32 s28, s12  }
.Ltmp4:
0x168: {  	_ = 	snop;
	(pc) =	sbr.rel @p0 .LBB2_1-.Ltmp4, $1  }
0x169: {  	_ =	sdelay $0x3  }
0x16a: {  	_ =	sfence.sel $0x180000  }
0x16b: {  	[bflag:$0x0] =	sbarrier.arrive $0xFFFF  }
0x16c: {  	_ =	strace $0x90000053  }
0x16d: {  	s0 =	stileid.u32;
	[bflag:$0x2] =	sbarrier.arrive $0xFFFF  }
0x16e: {  	p0 =	sne.s32 s0, $0x0;
	s0 =	rddreg [dreg:$0x3]  }
0x16f: {  	s0 =	sadd.s32 @!p0 $0x100000, s0  }
0x170: {  	[sflag:s0] =	ssyncadd.tile.s32 @!p0 $0x1;
	_ =	shalt  }
.Lfunc_end2:
_tile_overlayer_lowered:
.L_overlay_start_2:
0x171: {  	(tag) =	ssettag $0x2  }
0x172: {  	s0 =	rddreg [dreg:$0x0];
	s2 =	stileid.u32  }
0x173: {  	s1 =	rddreg [dreg:$0x1];
	p0 =	sne.s32 s2, $0x0  }
0x174: {  	s3 =	rddreg [dreg:$0x2];
	[bflag:$0x3] =	sbarrier.arrive $0xFFFF;
	s2 =	simm.s32 @!p0 $0x1C01  }
0x175: {  	[timem:s3], [sflag:s2] =	dma.local @!p0 [hbm:s0], s1  }
0x176: {  	s0 =	simm.s32 @!p0 $0x1  }
0x177: {  	_ =	swait.ge @!p0 [sflag:s0], s1  }
0x178: {  	s1 =	ssub.s32 @!p0 $0x0, s1;
	[sflag:s0] =	ssyncset.done @!p0 $0x0  }
0x179: {  	[sflag:s0] =	ssyncadd.s32 @!p0 s1  }
0x17a: {  	[bflag:$0x3] =	sbarrier.arrive $0xFFFF  }
0x17b: {  	_ =	shalt  }

// kernel: sparse-core-data-format-call.1.cloned.1.call-start
scs
called_computation.1_lowered:
.L_overlay_start_0:
0x0: {  	s2 =	sld [smem:$0x3FD9]  }
0x1: {  	s3 =	sld [smem:$0x3FFE];
	_ =	sdelay $0x1  }
0x2: {  	s1 =	srdreg.scid  }
0x3: {  	s0 =	sand.u32 $0x1, s1  }
0x4: {  	s18 =	sshll.u32 s0, $0xA;
	s2 =	sadd.s32 s3, s2  }
0x5: {  	s2 =	sadd.s32 s2, s18  }
0x6: {  	[smem:$0x3FC1] =	sst s2  }
0x7: {  	_ = 	snop  }
0x8: {  	(tm) =	ssettm $0x1  }
0x9: {  	s19 =	sld [smem:$0x3FFB];
	_ =	sdelay $0x3  }
0xa: {  	_ =	strace s19  }
0xb: {  	s2 =	sld [smem:$0x3FFC];
	_ =	sdelay $0x3  }
0xc: {  	_ =	strace s2  }
0xd: {  	s2 =	sld [smem:$0x3FFD];
	_ =	sdelay $0x3  }
0xe: {  	_ =	strace s2  }
0xf: {  	_ =	strace $0x8FFFFFFF  }
0x10: {  	s20 =	sld [smem:$0x3FDB];
	_ =	sdelay $0x1  }
0x11: {  	s21 =	simm.s32 $_scs_section_size  }
0x12: {  	s4 =	simm.s32 $_size__tile_overlayer_lowered;
	s5 =	simm.s32 $_tile_overlayer_lowered  }
0x13: {  	s6 =	simm.s32 $0x1BFF;
	s22 =	sshll.u32 s5, $0x1;
	s3 =	sadd.s32 s21, s20  }
0x14: {  	s23 =	simm.s32 $0x0;
	s4 =	sshll.u32 s4, $0x1;
	s5 =	sadd.s32 s22, s3  }
0x15: {  	[timem:s23], [sflag:s6] =	dma.local [hbm:s5], s4  }
0x16: {  	_ =	swait.ge [sflag:s6], s4  }
0x17: {  	s4 =	ssub.s32 $0x0, s4;
	[sflag:s6] =	ssyncset.done $0x0  }
0x18: {  	[sflag:s6] =	ssyncadd.s32 s4;
	_ =	sdelay $0x1  }
0x19: {  	s24 =	simm.s32 $0x1B8B  }
0x1a: {  	_ =	swait.ge [sflag:s24], $0x1  }
0x1b: {  	[sflag:s24] =	ssyncset.done $0x0  }
0x1c: {  	[sflag:s24] =	ssyncadd.s32 $0xFFFFFFFF  }
0x1d: {  	s4 =	sld [smem:$0x0]  }
0x1e: {  	s5 =	sand.u32 $0xFFFFFFFE, s1  }
0x1f: {  	p0 =	sne.s32 s1, s5  }
0x20: {  	s5 =	sshll.u32 @p0 s5, $0xE  }
0x21: {  	s5 =	sadd.s32 @p0 $0x11B8D, s5;
	s6 =	sshll.u32 @p0 s4, $0x11  }
0x22: {  	s5 =	sor.u32 @p0 s6, s5  }
0x23: {  	[sflag:s5] =	ssyncadd.remote.s32 @p0 $0x1;
	_ =	sdelay $0x1  }
0x24: {  	s5 =	simm.s32 @p0 $0x1B8D  }
0x25: {  	_ =	swait.eq @p0 [sflag:s5], $0x1  }
0x26: {  	[sflag:s5] =	ssyncadd.s32 @p0 $0xFFFFFFFF  }
0x27: {  	s6 =	sshll.u32 @!p0 s1, $0xE  }
0x28: {  	s6 =	sor.u32 @!p0 $0x4000, s6;
	s5 =	simm.s32 @!p0 $0x1B8D  }
0x29: {  	s4 =	sshll.u32 @!p0 s4, $0x11;
	s6 =	sadd.s32 @!p0 $0x11B8D, s6;
	_ =	swait.eq @!p0 [sflag:s5], $0x1  }
0x2a: {  	s4 =	sor.u32 @!p0 s4, s6;
	[sflag:s5] =	ssyncadd.s32 @!p0 $0xFFFFFFFF  }
0x2b: {  	s26 =	simm.s32 $0x1B8E;
	s25 =	sld [smem:$0x3FFE];
	[sflag:s4] =	ssyncadd.remote.s32 @!p0 $0x1  }
0x2c: {  	s27 =	simm.s32 $execute0_lowered;
	[smem:$0x3FD2] =	sst s26  }
0x2d: {  	s5 =	sshll.u32 s27, $0x1;
	_ =	strace $0x8000004C;
	[dreg:$0x1] =	wrdreg $0xFFFFFFFF  }
0x2e: {  	s28 =	simm.s32 $_size_execute0_lowered;
	s3 =	sadd.s32 s3, s5;
	[dreg:$0x0] =	wrdreg $0x0  }
0x2f: {  	s5 =	sshll.u32 s28, $0x1;
	[dreg:$0x2] =	wrdreg s3  }
0x30: {  	[dreg:$0x3] =	wrdreg s5  }
0x31: {  	[dreg:$0x4] =	wrdreg $0xC0  }
0x32: {  	_ =	task [dreg:s23], $0x5FFFF  }
0x33: {  	[dreg:$0x1] =	wrdreg $0xFFFFFFFF  }
0x34: {  	[dreg:$0x0] =	wrdreg $0x60  }
0x35: {  	[dreg:$0x2] =	wrdreg s25  }
0x36: {  	[dreg:$0x3] =	wrdreg $0xA  }
0x37: {  	_ =	task.clear_ibuf [dreg:s23], $0x4FFFF;
	_ =	strace $0x9000004C  }
0x38: {  	s29 =	simm.s32 $0xA;
	_ =	strace $0x8000004E  }
0x39: {  	_ =	swait.ge [sflag:s29], $0x1  }
0x3a: {  	[sflag:s29] =	ssyncadd.s32 $0xFFFFFFFF  }
0x3b: {  	_ =	strace $0x9000004E  }
0x3c: {  	_ =	sfence  }
0x3d: {  	s30 =	sld [smem:$0x0];
	_ =	sdelay $0x2  }
0x3e: {  	s31 =	sshll.u32 s1, $0xD;
	s1 =	sshrl.u32 s1, $0x2  }
0x3f: {  	s4 =	sand.u32 $0x4000, s31;
	s1 =	sadd.s32 s1, s30  }
0x40: {  	s0 =	sor.u32 s4, s0;
	s1 =	sshll.u32 s1, $0x11  }
0x41: {  	s0 =	sor.u32 s1, s0  }
0x42: {  	s0 =	sadd.s32 $0x8F2B, s0  }
0x43: {  	[sflag:s0] =	ssyncadd.remote.s32 $0x1  }
0x44: {  	_ =	sfence.sel $0xFFFF  }
0x45: {  	[dreg:$0x0] =	wrdreg $0xFFFFFFFF;
	(pc) =	sbr.abs _section_cstart, $3  }
0x46: {  	[dreg:$0x1] =	wrdreg $0xFFFFFFFF  }
0x47: {  	_ =	task.clear_ibuf [dreg:s23], $0x2FFFF;
	_ =	strace $0x9FFFFFFF  }
0x48: {  	(tm) =	ssettm $0x7FFFFFFF  }
0x49: {  	_ =	shalt  }
tec
execute0_lowered:
.L_overlay_start_1:
0x0: {  	(tag) =	ssettag $0x1  }
0x1: {  	s0 =	srdreg.scid;
	s5 =	rddreg [dreg:$0x0];
	s4 =	simm.s32 $0x1  }
0x2: {  	s8 =	simm.s32 $0x2;
	s13 =	simm.s32 $0x0;
	s1 =	sshll.u32 s0, $0x4  }
0x3: {  	s14 =	simm.s32 $0x0;
	s0 =	stileid.u32;
	s1 =	sand.u32 $0x10, s1  }
0x4: {  	s15 =	simm.s32 $0x0;
	s10 =	simm.s32 $0x0;
	s2 =	sor.u32 s0, s1  }
0x5: {  	s11 =	simm.s32 $0x0;
	s3 =	sadd.s32 $0x6C58A00, s5;
	s2 =	sshll.u32 s2, $0x9  }
0x6: {  	s12 =	simm.s32 $0x0;
	s5 =	sadd.s32 $0x7273200, s5;
	s6 =	ssub.s32 $0x186A00, s2  }
.Ltmp0:
0x7: {  	s1 =	rddreg [dreg:$0x1];
	s7 =	sand.u32 $0x3E00, s6;
	(pc) =	sbr.rel .LBB1_1-.Ltmp0, $4  }
0x8: {  	_ =	strace $0x8000004D;
	p0 =	sne.s32 s7, $0x0;
	s7 =	simm.s32 $0x1  }
0x9: {  	[sflag:s4] =	ssyncpa.u1 $0x0;
	s6 =	sshrl.u32 s6, $0xE;
	s7 =	simm.s32 @!p0 $0x0  }
0xa: {  	[sflag:s8] =	ssyncpa.u1 $0x0;
	s8 =	simm.s32 $0x80;
	s6 =	sadd.s32 s7, s6  }
0xb: {  	s9 =	smov.u32 s2;
	p0 =	por $0x0, $0x0;
	s7 =	sadd.s32 $0x1, s6  }
.LBB1_7:
0xc: {  	s16 =	sadd.s32 $0x4000, s9  }
0xd: {  	s13 =	sadd.s32 $0x10, s10;
	s17 =	smov.u32 s10;
	p2 =	sgt.s32 s16, $0x1869FF  }
0xe: {  	s17 =	smov.u32 @p2 s13  }
0xf: {  	s19 =	smov.u32 s11;
	s13 =	sadd.s32 $0x2, s11;
	p3 =	sgt.s32 s17, $0xB  }
0x10: {  	s19 =	smov.u32 @p3 s13  }
0x11: {  	s16 =	smov.u32 @p2 s2;
	p2 =	sgt.s32 s19, $0x1  }
0x12: {  	p1 =	slt.u32 s12, $0x2;
	s19 =	simm.s32 @p2 $0x0;
	p2 =	sne.s32 s12, s7  }
.Ltmp1:
0x13: {  	s18 =	simm.s32 @!p1 $0x2;
	(pc) =	sbr.rel @!p2 .LBB1_8-.Ltmp1, $4  }
0x14: {  	s14 =	smov.u32 s10;
	s15 =	smov.u32 s11;
	_ =	swait.ge @!p1 [sflag:s18], $0x4000  }
0x15: {  	p0 =	por !p0, !p0;
	[sflag:s18] =	ssyncset.done @!p1 $0x0;
	s17 =	simm.s32 @p3 $0x0  }
0x16: {  	s13 =	smov.u32 s9;
	[sflag:s18] =	ssyncadd.s32 @!p1 $0xFFFFC000;
	s9 =	smov.u32 s16  }
0x17: {  	s10 =	smov.u32 s17;
	s12 =	sadd.s32 $0x1, s12;
	s11 =	smov.u32 s19  }
.LBB1_1:
0x18: {  	p1 =	sge.u32 s12, s6  }
0x19: {  	s16 =	sshrl.u32 @!p1 s10, $0x3  }
0x1a: {  	s17 =	sshll.u32 @!p1 s9, $0x3;
	s16 =	smul.u32 @!p1 $0xC35000, s16  }
0x1b: {  	s18 =	sshll.u32 @!p1 s10, $0x7;
	s17 =	sand.u32 @!p1 $0xFFFFFC00, s17  }
0x1c: {  	s16 =	sadd.s32 @!p1 s16, s17;
	s17 =	sand.u32 @!p1 $0x380, s18  }
0x1d: {  	s16 =	sor.u32 @!p1 s17, s16  }
0x1e: {  	s17 =	sshrl.u32 @!p1 s16, $0x9  }
0x1f: {  	s17 =	smulhi.u32 @!p1 $0xA7C5AD, s17;
	_ =	sdelay $0x1  }
0x20: {  	s31 =	sadd.s32 $0xFFFFFFFF, s12;
	s17 =	sshrl.u32 @!p1 s17, $0x3  }
0x21: {  	s19 =	sand.u32 @!p1 $0x7F, s9;
	s18 =	sxor.u32 @!p1 $0xFFFFFFFF, s12;
	s20 =	smul.u32 @!p1 $0x186A00, s17  }
0x22: {  	s16 =	sor.u32 @!p1 s19, s16;
	s19 =	smul.u32 @!p1 $0x30D400, s11;
	s17 =	sand.u32 @!p1 $0xF, s17  }
0x23: {  	s18 =	sshll.u32 @!p1 s18, $0xE;
	s17 =	smul.u32 @!p1 $0x30D40, s17;
	s16 =	ssub.s32 @!p1 s16, s20  }
0x24: {  	s18 =	sand.u32 @!p1 $0x4000, s18;
	s19 =	sadd.s32 @!p1 s3, s19;
	s20 =	sand.u32 @!p1 $0x7, s16  }
0x25: {  	s16 =	sshrl.u32 @!p1 s16, $0x3;
	s17 =	sadd.s32 @!p1 s17, s19;
	s19 =	sshll.u32 @!p1 s20, $0x12  }
0x26: {  	s16 =	sadd.s32 @!p1 s16, s17;
	s17 =	sor.u32 @!p1 $0x1000, s19;
	s19 =	simm.s32 @!p1 $0xC35000  }
0x27: {  	[tilespmem:s18], [sflag:$0x1] =	stream.strided.gather @!p1 [hbm4b:s16+s17], $0x4000, s19, s17, $0x38;
	[tilespmem:$0x10800] =	vst v63  }
0x28: {  	p1 =	sge.u32 s31, s6  }
.Ltmp2:
0x29: {  	_ = 	snop;
	(pc) =	sbr.rel @p1 .LBB1_7-.Ltmp2, $1  }
0x2a: {  	_ =	sdelay $0x3  }
0x2b: {  	s16 =	simm.s32 $0x1;
	s17 =	sand.u32 $0x1, s12  }
0x2c: {  	s16 =	simm.s32 @!p0 $0x0;
	s18 =	smul.u32 $0x11000, s17  }
0x2d: {  	_ =	swait.ge [sflag:s4], $0x4000;
	p2 =	por $0x1, $0x1;
	s16 =	smul.u32 $0x11000, s16  }
0x2e: {  	s21 =	simm.s32 $0x0;
	[sflag:s4] =	ssyncset.done $0x0;
	s17 =	sshll.u32 s17, $0xE  }
0x2f: {  	[sflag:s4] =	ssyncadd.s32 $0xFFFFC000;
	s18 =	sshrl.u32 s18, $0x2;
	s19 =	sshrl.u32 s16, $0x2  }
0x30: {  	s16 =	sor.u32 $0x8000, s18;
	s18 =	sor.u32 $0x8000, s19;
	s19 =	simm.s32 $0x0  }
.LBB1_3:
0x31: {  	s20 =	sshll.u32 s21, $0xD  }
0x32: {  	s29 =	sand.u32 $0x1000, s19;
	s30 =	sand.u32 $0x380, s19;
	v1 =	vmov s20  }
0x33: {  	s22 =	sadd.s32 s20, s17;
	s20 =	sor.u32 s30, s29  }
0x34: {  	v0 =	vmov s22;
	s22 =	sand.u32 $0x1200, s20  }
0x35: {  	s23 =	sand.u32 $0x180, s19;
	s22 =	sadd.s32 s22, s17  }
0x36: {  	s23 =	sadd.s32 s23, s22  }
0x37: {  	v5 =	vld.idx.msk [tilespmem:v1+s23+$0xC00 ss:$0x1], $0xffff  }
0x38: {  	v6 =	vld.idx.msk [tilespmem:v1+s23+$0x0 ss:$0x1], $0xffff  }
0x39: {  	v7 =	vld.idx.msk [tilespmem:v1+s23+$0x10 ss:$0x1], $0xffff  }
0x3a: {  	v8 =	vld.idx.msk [tilespmem:v1+s23+$0x20 ss:$0x1], $0xffff  }
0x3b: {  	s31 =	sand.u32 $0x1, s21;
	v9 =	vld.idx.msk [tilespmem:v1+s23+$0x30 ss:$0x1], $0xffff  }
0x3c: {  	s21 =	simm.s32 $0x11;
	p1 =	seq.s32 s31, $0x1;
	v10 =	vld.idx.msk [tilespmem:v1+s23+$0x40 ss:$0x1], $0xffff  }
0x3d: {  	s21 =	simm.s32 @!p1 $0x0;
	v11 =	vld.idx.msk [tilespmem:v1+s23+$0x50 ss:$0x1], $0xffff  }
0x3e: {  	s21 =	sadd.s32 s21, s18;
	v2 =	vld.idx.msk [tilespmem:v0+s20+$0x410 ss:$0x1], $0xffff  }
0x3f: {  	s22 =	sadd.s32 $0x0, s21;
	v3 =	vld.idx.msk [tilespmem:v0+s20+$0x420 ss:$0x1], $0xffff  }
0x40: {  	v4 =	vld.idx.msk [tilespmem:v0+s20+$0x430 ss:$0x1], $0xffff;
	[tilespmem:s22+$0x3300 ss:$0x22] =	vst.msk $0xffff, v5  }
0x41: {  	v12 =	vld.idx.msk [tilespmem:v0+s20+$0x810 ss:$0x1], $0xffff;
	[tilespmem:s22+$0x0 ss:$0x22] =	vst.msk $0xffff, v6  }
0x42: {  	v13 =	vld.idx.msk [tilespmem:v0+s20+$0x820 ss:$0x1], $0xffff;
	[tilespmem:s22+$0x220 ss:$0x22] =	vst.msk $0xffff, v7  }
0x43: {  	v14 =	vld.idx.msk [tilespmem:v0+s20+$0x830 ss:$0x1], $0xffff;
	[tilespmem:s22+$0x440 ss:$0x22] =	vst.msk $0xffff, v8  }
0x44: {  	v15 =	vld.idx.msk [tilespmem:v0+s20+$0x840 ss:$0x1], $0xffff;
	[tilespmem:s22+$0x660 ss:$0x22] =	vst.msk $0xffff, v9  }
0x45: {  	v5 =	vld.idx.msk [tilespmem:v1+s23+$0x60 ss:$0x1], $0xffff;
	[tilespmem:s22+$0x880 ss:$0x22] =	vst.msk $0xffff, v10  }
0x46: {  	v6 =	vld.idx.msk [tilespmem:v1+s23+$0x70 ss:$0x1], $0xffff;
	[tilespmem:s22+$0xAA0 ss:$0x22] =	vst.msk $0xffff, v11  }
0x47: {  	v7 =	vld.idx.msk [tilespmem:v1+s23+$0x400 ss:$0x1], $0xffff;
	[tilespmem:s22+$0x1320 ss:$0x22] =	vst.msk $0xffff, v2  }
0x48: {  	v8 =	vld.idx.msk [tilespmem:v1+s23+$0x800 ss:$0x1], $0xffff;
	[tilespmem:s22+$0x1540 ss:$0x22] =	vst.msk $0xffff, v3  }
0x49: {  	v10 =	vld.idx.msk [tilespmem:v0+s20+$0x440 ss:$0x1], $0xffff;
	[tilespmem:s22+$0x1760 ss:$0x22] =	vst.msk $0xffff, v4  }
0x4a: {  	v11 =	vld.idx.msk [tilespmem:v0+s20+$0x450 ss:$0x1], $0xffff;
	[tilespmem:s22+$0x2420 ss:$0x22] =	vst.msk $0xffff, v12  }
0x4b: {  	v9 =	vld.idx.msk [tilespmem:v0+s20+$0x850 ss:$0x1], $0xffff;
	[tilespmem:s22+$0x2640 ss:$0x22] =	vst.msk $0xffff, v13  }
0x4c: {  	v2 =	vld.idx.msk [tilespmem:v0+s20+$0xC20 ss:$0x1], $0xffff;
	[tilespmem:s22+$0x2860 ss:$0x22] =	vst.msk $0xffff, v14  }
0x4d: {  	v3 =	vld.idx.msk [tilespmem:v0+s20+$0xC30 ss:$0x1], $0xffff;
	[tilespmem:s22+$0x2A80 ss:$0x22] =	vst.msk $0xffff, v15  }
0x4e: {  	v4 =	vld.idx.msk [tilespmem:v0+s20+$0xC40 ss:$0x1], $0xffff;
	[tilespmem:s22+$0xCC0 ss:$0x22] =	vst.msk $0xffff, v5  }
0x4f: {  	v5 =	vld.idx.msk [tilespmem:v0+s20+$0x460 ss:$0x1], $0xffff;
	[tilespmem:s22+$0xEE0 ss:$0x22] =	vst.msk $0xffff, v6  }
0x50: {  	v6 =	vld.idx.msk [tilespmem:v0+s20+$0x470 ss:$0x1], $0xffff;
	[tilespmem:s22+$0x1100 ss:$0x22] =	vst.msk $0xffff, v7  }
0x51: {  	[tilespmem:s22+$0x2200 ss:$0x22] =	vst.msk $0xffff, v8;
	v8 =	vld.idx.msk [tilespmem:v0+s20+$0x860 ss:$0x1], $0xffff  }
0x52: {  	[tilespmem:s22+$0x1980 ss:$0x22] =	vst.msk $0xffff, v10;
	v7 =	vld.idx.msk [tilespmem:v0+s20+$0x870 ss:$0x1], $0xffff  }
0x53: {  	s25 =	simm.s32 $0x200;
	[tilespmem:s22+$0x1BA0 ss:$0x22] =	vst.msk $0xffff, v11;
	v10 =	vld.idx.msk [tilespmem:v0+s20+$0xC60 ss:$0x1], $0xffff  }
0x54: {  	s24 =	simm.s32 $0x80;
	s26 =	simm.s32 $0x8;
	s27 =	sand.u32 $0x1000, s25;
	[tilespmem:s22+$0x1DC0 ss:$0x22] =	vst.msk $0xffff, v5;
	v5 =	vld.idx.msk [tilespmem:v0+s20+$0xC10 ss:$0x1], $0xffff  }
0x55: {  	s28 =	sand.u32 $0x380, s24;
	p1 =	por p2, p2;
	s23 =	simm.s32 $0x4;
	[tilespmem:s22+$0x1FE0 ss:$0x22] =	vst.msk $0xffff, v6;
	v6 =	vld.idx.msk [tilespmem:v0+s20+$0xC50 ss:$0x1], $0xffff  }
.LBB1_4:
0x56: {  	p2 =	sne.s32 s26, $0x3C;
	[tilespmem:s22+$0x2CA0 ss:$0x22] =	vst.msk $0xffff, v9;
	v9 =	vld.idx.msk [tilespmem:v0+s20+$0xC70 ss:$0x1], $0xffff;
	s20 =	sor.u32 s28, s27  }
0x57: {  	s27 =	sand.u32 $0x1200, s20;
	v11 =	vld.idx.msk [tilespmem:v0+s20+$0x410 ss:$0x1], $0xffff;
	[tilespmem:s22+$0x2EC0 ss:$0x22] =	vst.msk $0xffff, v8  }
0x58: {  	s28 =	sand.u32 $0x180, s24;
	s27 =	sadd.s32 s27, s17;
	v8 =	vld.idx.msk [tilespmem:v0+s20+$0x420 ss:$0x1], $0xffff;
	[tilespmem:s22+$0x30E0 ss:$0x22] =	vst.msk $0xffff, v7  }
0x59: {  	s27 =	sadd.s32 s28, s27;
	v7 =	vld.idx.msk [tilespmem:v0+s20+$0x430 ss:$0x1], $0xffff;
	[tilespmem:s22+$0x3520 ss:$0x22] =	vst.msk $0xffff, v5  }
0x5a: {  	v5 =	vld.idx.msk [tilespmem:v1+s27+$0xC00 ss:$0x1], $0xffff;
	[tilespmem:s22+$0x3740 ss:$0x22] =	vst.msk $0xffff, v2  }
0x5b: {  	v2 =	vld.idx.msk [tilespmem:v1+s27+$0x0 ss:$0x1], $0xffff;
	[tilespmem:s22+$0x3960 ss:$0x22] =	vst.msk $0xffff, v3  }
0x5c: {  	v3 =	vld.idx.msk [tilespmem:v1+s27+$0x10 ss:$0x1], $0xffff;
	[tilespmem:s22+$0x3B80 ss:$0x22] =	vst.msk $0xffff, v4  }
0x5d: {  	v4 =	vld.idx.msk [tilespmem:v1+s27+$0x20 ss:$0x1], $0xffff;
	[tilespmem:s22+$0x3DA0 ss:$0x22] =	vst.msk $0xffff, v6  }
0x5e: {  	s28 =	sshra.s32 s23, $0x2;
	s23 =	smov.u32 s26;
	v6 =	vld.idx.msk [tilespmem:v1+s27+$0x30 ss:$0x1], $0xffff;
	[tilespmem:s22+$0x3FC0 ss:$0x22] =	vst.msk $0xffff, v10  }
0x5f: {  	v10 =	vld.idx.msk [tilespmem:v1+s27+$0x40 ss:$0x1], $0xffff;
	[tilespmem:s22+$0x41E0 ss:$0x22] =	vst.msk $0xffff, v9;
	s22 =	sadd.s32 s28, s21  }
0x60: {  	v9 =	vld.idx.msk [tilespmem:v1+s27+$0x50 ss:$0x1], $0xffff;
	[tilespmem:s22+$0x3300 ss:$0x22] =	vst.msk $0xffff, v5  }
0x61: {  	[tilespmem:s22+$0x0 ss:$0x22] =	vst.msk $0xffff, v2;
	v2 =	vld.idx.msk [tilespmem:v1+s27+$0x60 ss:$0x1], $0xffff  }
0x62: {  	[tilespmem:s22+$0x220 ss:$0x22] =	vst.msk $0xffff, v3;
	v3 =	vld.idx.msk [tilespmem:v1+s27+$0x70 ss:$0x1], $0xffff  }
0x63: {  	[tilespmem:s22+$0x440 ss:$0x22] =	vst.msk $0xffff, v4;
	v4 =	vld.idx.msk [tilespmem:v1+s27+$0x400 ss:$0x1], $0xffff  }
0x64: {  	[tilespmem:s22+$0x660 ss:$0x22] =	vst.msk $0xffff, v6;
	v5 =	vld.idx.msk [tilespmem:v1+s27+$0x800 ss:$0x1], $0xffff  }
0x65: {  	[tilespmem:s22+$0x880 ss:$0x22] =	vst.msk $0xffff, v10;
	v6 =	vld.idx.msk [tilespmem:v0+s20+$0x440 ss:$0x1], $0xffff  }
0x66: {  	[tilespmem:s22+$0xAA0 ss:$0x22] =	vst.msk $0xffff, v9;
	v10 =	vld.idx.msk [tilespmem:v0+s20+$0x450 ss:$0x1], $0xffff  }
0x67: {  	[tilespmem:s22+$0xCC0 ss:$0x22] =	vst.msk $0xffff, v2;
	v2 =	vld.idx.msk [tilespmem:v0+s20+$0x460 ss:$0x1], $0xffff  }
0x68: {  	[tilespmem:s22+$0xEE0 ss:$0x22] =	vst.msk $0xffff, v3;
	v3 =	vld.idx.msk [tilespmem:v0+s20+$0x470 ss:$0x1], $0xffff  }
0x69: {  	[tilespmem:s22+$0x1100 ss:$0x22] =	vst.msk $0xffff, v4;
	v4 =	vld.idx.msk [tilespmem:v0+s20+$0x810 ss:$0x1], $0xffff  }
0x6a: {  	[tilespmem:s22+$0x2200 ss:$0x22] =	vst.msk $0xffff, v5;
	v12 =	vld.idx.msk [tilespmem:v0+s20+$0x820 ss:$0x1], $0xffff  }
0x6b: {  	[tilespmem:s22+$0x1320 ss:$0x22] =	vst.msk $0xffff, v11;
	v11 =	vld.idx.msk [tilespmem:v0+s20+$0x830 ss:$0x1], $0xffff  }
0x6c: {  	[tilespmem:s22+$0x1540 ss:$0x22] =	vst.msk $0xffff, v8;
	v13 =	vld.idx.msk [tilespmem:v0+s20+$0x840 ss:$0x1], $0xffff  }
0x6d: {  	[tilespmem:s22+$0x1760 ss:$0x22] =	vst.msk $0xffff, v7;
	v9 =	vld.idx.msk [tilespmem:v0+s20+$0x850 ss:$0x1], $0xffff  }
0x6e: {  	[tilespmem:s22+$0x1980 ss:$0x22] =	vst.msk $0xffff, v6;
	v8 =	vld.idx.msk [tilespmem:v0+s20+$0x860 ss:$0x1], $0xffff  }
0x6f: {  	[tilespmem:s22+$0x1BA0 ss:$0x22] =	vst.msk $0xffff, v10;
	v7 =	vld.idx.msk [tilespmem:v0+s20+$0x870 ss:$0x1], $0xffff  }
0x70: {  	[tilespmem:s22+$0x1DC0 ss:$0x22] =	vst.msk $0xffff, v2;
	v5 =	vld.idx.msk [tilespmem:v0+s20+$0xC10 ss:$0x1], $0xffff  }
.Ltmp3:
0x71: {  	[tilespmem:s22+$0x1FE0 ss:$0x22] =	vst.msk $0xffff, v3;
	v2 =	vld.idx.msk [tilespmem:v0+s20+$0xC20 ss:$0x1], $0xffff;
	(pc) =	sbr.rel @p2 .LBB1_4-.Ltmp3, $4  }
0x72: {  	[tilespmem:s22+$0x2420 ss:$0x22] =	vst.msk $0xffff, v4;
	v3 =	vld.idx.msk [tilespmem:v0+s20+$0xC30 ss:$0x1], $0xffff  }
0x73: {  	[tilespmem:s22+$0x2640 ss:$0x22] =	vst.msk $0xffff, v12;
	v4 =	vld.idx.msk [tilespmem:v0+s20+$0xC40 ss:$0x1], $0xffff  }
0x74: {  	s24 =	sadd.s32 $0x80, s24;
	s25 =	sadd.s32 $0x200, s25;
	[tilespmem:s22+$0x2860 ss:$0x22] =	vst.msk $0xffff, v11;
	v6 =	vld.idx.msk [tilespmem:v0+s20+$0xC50 ss:$0x1], $0xffff  }
0x75: {  	s26 =	sadd.s32 $0x4, s26;
	s28 =	sand.u32 $0x380, s24;
	s27 =	sand.u32 $0x1000, s25;
	[tilespmem:s22+$0x2A80 ss:$0x22] =	vst.msk $0xffff, v13;
	v10 =	vld.idx.msk [tilespmem:v0+s20+$0xC60 ss:$0x1], $0xffff  }
0x76: {  	[tilespmem:s22+$0x2CA0 ss:$0x22] =	vst.msk $0xffff, v9  }
0x77: {  	[tilespmem:s22+$0x2EC0 ss:$0x22] =	vst.msk $0xffff, v8  }
0x78: {  	[tilespmem:s22+$0x30E0 ss:$0x22] =	vst.msk $0xffff, v7  }
0x79: {  	[tilespmem:s22+$0x3520 ss:$0x22] =	vst.msk $0xffff, v5  }
0x7a: {  	s25 =	sor.u32 s28, s27;
	v31 =	vld.idx.msk [tilespmem:v0+s20+$0xC70 ss:$0x1], $0xffff;
	[tilespmem:s22+$0x3740 ss:$0x22] =	vst.msk $0xffff, v2  }
0x7b: {  	[tilespmem:s22+$0x3960 ss:$0x22] =	vst.msk $0xffff, v3;
	v43 =	vld.idx.msk [tilespmem:v0+s25+$0x410 ss:$0x1], $0xffff  }
0x7c: {  	v44 =	vld.idx.msk [tilespmem:v0+s25+$0x420 ss:$0x1], $0xffff;
	[tilespmem:s22+$0x3B80 ss:$0x22] =	vst.msk $0xffff, v4  }
0x7d: {  	v45 =	vld.idx.msk [tilespmem:v0+s25+$0x430 ss:$0x1], $0xffff;
	[tilespmem:s22+$0x3DA0 ss:$0x22] =	vst.msk $0xffff, v6  }
0x7e: {  	s23 =	sshra.s32 s23, $0x2;
	v46 =	vld.idx.msk [tilespmem:v0+s25+$0x440 ss:$0x1], $0xffff;
	[tilespmem:s22+$0x3FC0 ss:$0x22] =	vst.msk $0xffff, v10  }
0x7f: {  	s21 =	sadd.s32 s23, s21;
	v47 =	vld.idx.msk [tilespmem:v0+s25+$0x450 ss:$0x1], $0xffff;
	[tilespmem:s22+$0x41E0 ss:$0x22] =	vst.msk $0xffff, v31  }
0x80: {  	v48 =	vld.idx.msk [tilespmem:v0+s25+$0x460 ss:$0x1], $0xffff;
	[tilespmem:s21+$0x1320 ss:$0x22] =	vst.msk $0xffff, v43  }
0x81: {  	v49 =	vld.idx.msk [tilespmem:v0+s25+$0x470 ss:$0x1], $0xffff;
	[tilespmem:s21+$0x1540 ss:$0x22] =	vst.msk $0xffff, v44  }
0x82: {  	v50 =	vld.idx.msk [tilespmem:v0+s25+$0x810 ss:$0x1], $0xffff;
	[tilespmem:s21+$0x1760 ss:$0x22] =	vst.msk $0xffff, v45  }
0x83: {  	v51 =	vld.idx.msk [tilespmem:v0+s25+$0x820 ss:$0x1], $0xffff;
	[tilespmem:s21+$0x1980 ss:$0x22] =	vst.msk $0xffff, v46  }
0x84: {  	v52 =	vld.idx.msk [tilespmem:v0+s25+$0x830 ss:$0x1], $0xffff;
	[tilespmem:s21+$0x1BA0 ss:$0x22] =	vst.msk $0xffff, v47  }
0x85: {  	v53 =	vld.idx.msk [tilespmem:v0+s25+$0x840 ss:$0x1], $0xffff;
	[tilespmem:s21+$0x1DC0 ss:$0x22] =	vst.msk $0xffff, v48  }
0x86: {  	v54 =	vld.idx.msk [tilespmem:v0+s25+$0x850 ss:$0x1], $0xffff;
	[tilespmem:s21+$0x1FE0 ss:$0x22] =	vst.msk $0xffff, v49  }
0x87: {  	v55 =	vld.idx.msk [tilespmem:v0+s25+$0x860 ss:$0x1], $0xffff;
	[tilespmem:s21+$0x2420 ss:$0x22] =	vst.msk $0xffff, v50  }
0x88: {  	v56 =	vld.idx.msk [tilespmem:v0+s25+$0x870 ss:$0x1], $0xffff;
	[tilespmem:s21+$0x2640 ss:$0x22] =	vst.msk $0xffff, v51  }
0x89: {  	v57 =	vld.idx.msk [tilespmem:v0+s25+$0xC10 ss:$0x1], $0xffff;
	[tilespmem:s21+$0x2860 ss:$0x22] =	vst.msk $0xffff, v52  }
0x8a: {  	v58 =	vld.idx.msk [tilespmem:v0+s25+$0xC20 ss:$0x1], $0xffff;
	[tilespmem:s21+$0x2A80 ss:$0x22] =	vst.msk $0xffff, v53  }
0x8b: {  	v59 =	vld.idx.msk [tilespmem:v0+s25+$0xC30 ss:$0x1], $0xffff;
	[tilespmem:s21+$0x2CA0 ss:$0x22] =	vst.msk $0xffff, v54  }
0x8c: {  	v60 =	vld.idx.msk [tilespmem:v0+s25+$0xC40 ss:$0x1], $0xffff;
	[tilespmem:s21+$0x2EC0 ss:$0x22] =	vst.msk $0xffff, v55  }
0x8d: {  	s26 =	sand.u32 $0x1200, s25;
	v61 =	vld.idx.msk [tilespmem:v0+s25+$0xC50 ss:$0x1], $0xffff;
	[tilespmem:s21+$0x30E0 ss:$0x22] =	vst.msk $0xffff, v56  }
0x8e: {  	s24 =	sand.u32 $0x180, s24;
	v62 =	vld.idx.msk [tilespmem:v0+s25+$0xC60 ss:$0x1], $0xffff;
	s26 =	sadd.s32 s26, s17;
	[tilespmem:s21+$0x3520 ss:$0x22] =	vst.msk $0xffff, v57  }
0x8f: {  	v63 =	vld.idx.msk [tilespmem:v0+s25+$0xC70 ss:$0x1], $0xffff;
	s31 =	sadd.s32 s24, s26;
	[tilespmem:s21+$0x3740 ss:$0x22] =	vst.msk $0xffff, v58  }
0x90: {  	v32 =	vld.idx.msk [tilespmem:v1+s31+$0xC00 ss:$0x1], $0xffff;
	[tilespmem:s21+$0x3960 ss:$0x22] =	vst.msk $0xffff, v59  }
0x91: {  	v33 =	vld.idx.msk [tilespmem:v1+s31+$0x0 ss:$0x1], $0xffff;
	[tilespmem:s21+$0x3B80 ss:$0x22] =	vst.msk $0xffff, v60  }
0x92: {  	v34 =	vld.idx.msk [tilespmem:v1+s31+$0x10 ss:$0x1], $0xffff;
	[tilespmem:s21+$0x3DA0 ss:$0x22] =	vst.msk $0xffff, v61  }
0x93: {  	v35 =	vld.idx.msk [tilespmem:v1+s31+$0x20 ss:$0x1], $0xffff;
	[tilespmem:s21+$0x3FC0 ss:$0x22] =	vst.msk $0xffff, v62  }
0x94: {  	v36 =	vld.idx.msk [tilespmem:v1+s31+$0x30 ss:$0x1], $0xffff;
	[tilespmem:s21+$0x41E0 ss:$0x22] =	vst.msk $0xffff, v63  }
0x95: {  	v37 =	vld.idx.msk [tilespmem:v1+s31+$0x40 ss:$0x1], $0xffff;
	[tilespmem:s21+$0x3300 ss:$0x22] =	vst.msk $0xffff, v32  }
0x96: {  	v38 =	vld.idx.msk [tilespmem:v1+s31+$0x50 ss:$0x1], $0xffff;
	[tilespmem:s21+$0x0 ss:$0x22] =	vst.msk $0xffff, v33  }
0x97: {  	v39 =	vld.idx.msk [tilespmem:v1+s31+$0x60 ss:$0x1], $0xffff;
	[tilespmem:s21+$0x220 ss:$0x22] =	vst.msk $0xffff, v34  }
0x98: {  	v40 =	vld.idx.msk [tilespmem:v1+s31+$0x70 ss:$0x1], $0xffff;
	[tilespmem:s21+$0x440 ss:$0x22] =	vst.msk $0xffff, v35  }
0x99: {  	v41 =	vld.idx.msk [tilespmem:v1+s31+$0x400 ss:$0x1], $0xffff;
	[tilespmem:s21+$0x660 ss:$0x22] =	vst.msk $0xffff, v36  }
0x9a: {  	v42 =	vld.idx.msk [tilespmem:v1+s31+$0x800 ss:$0x1], $0xffff;
	[tilespmem:s21+$0x880 ss:$0x22] =	vst.msk $0xffff, v37  }
.Ltmp4:
0x9b: {  	[tilespmem:s21+$0xAA0 ss:$0x22] =	vst.msk $0xffff, v38;
	(pc) =	sbr.rel @p1 .LBB1_3-.Ltmp4, $4  }
0x9c: {  	[tilespmem:s21+$0xCC0 ss:$0x22] =	vst.msk $0xffff, v39  }
0x9d: {  	[tilespmem:s21+$0xEE0 ss:$0x22] =	vst.msk $0xffff, v40  }
0x9e: {  	[tilespmem:s21+$0x1100 ss:$0x22] =	vst.msk $0xffff, v41  }
0x9f: {  	p2 =	por $0x0, $0x0;
	[tilespmem:s21+$0x2200 ss:$0x22] =	vst.msk $0xffff, v42;
	s21 =	simm.s32 $0x1  }
0xa0: {  	s15 =	sshll.u32 s15, $0x4  }
.Ltmp5:
0xa1: {  	s13 =	sshll.u32 s13, $0x5;
	s15 =	sand.u32 $0x10, s15;
	(pc) =	sbr.rel .LBB1_7-.Ltmp5, $4  }
0xa2: {  	s17 =	sshrl.u32 s14, $0x3;
	s31 =	sand.u32 $0x7, s14;
	s15 =	sadd.s32 s5, s15  }
0xa3: {  	s17 =	sand.u32 $0xF, s17;
	s14 =	sshll.u32 s31, $0x12;
	s13 =	sadd.s32 s13, s15  }
0xa4: {  	s14 =	sor.u32 $0x10, s14;
	s13 =	sadd.s32 s17, s13  }
0xa5: {  	[hbm4b:s13+s14] =	stream.strided.scatter [tilespmem:s16], [sflag:$0x2], $0x4000, s8, s14, $0x8;
	[tilespmem:$0x10800] =	vst v63  }
.LBB1_8:
0xa6: {  	_ =	sfence.sel $0x180000  }
0xa7: {  	s2 =	simm.s32 $0x1;
	[bflag:$0x0] =	sbarrier.arrive $0xFFFF  }
0xa8: {  	s31 =	simm.s32 $0x2;
	[sflag:s2] =	ssyncpa.u1 $0x1  }
0xa9: {  	[sflag:s31] =	ssyncpa.u1 $0x1  }
0xaa: {  	p0 =	sne.s32 s0, $0x0;
	_ =	strace $0x9000004D  }
0xab: {  	s0 =	sadd.s32 @!p0 $0x100000, s1;
	[bflag:$0x2] =	sbarrier.arrive $0xFFFF  }
0xac: {  	[sflag:s0] =	ssyncadd.tile.s32 @!p0 $0x1;
	_ =	shalt  }
.Lfunc_end1:
_tile_overlayer_lowered:
.L_overlay_start_2:
0xad: {  	(tag) =	ssettag $0x2  }
0xae: {  	s0 =	rddreg [dreg:$0x0];
	s2 =	stileid.u32  }
0xaf: {  	s1 =	rddreg [dreg:$0x1];
	p0 =	sne.s32 s2, $0x0  }
0xb0: {  	s3 =	rddreg [dreg:$0x2];
	[bflag:$0x3] =	sbarrier.arrive $0xFFFF;
	s2 =	simm.s32 @!p0 $0x1C01  }
0xb1: {  	[timem:s3], [sflag:s2] =	dma.local @!p0 [hbm:s0], s1  }
0xb2: {  	s0 =	simm.s32 @!p0 $0x1  }
0xb3: {  	_ =	swait.ge @!p0 [sflag:s0], s1  }
0xb4: {  	s1 =	ssub.s32 @!p0 $0x0, s1;
	[sflag:s0] =	ssyncset.done @!p0 $0x0  }
0xb5: {  	[sflag:s0] =	ssyncadd.s32 @!p0 s1  }
0xb6: {  	[bflag:$0x3] =	sbarrier.arrive $0xFFFF  }
0xb7: {  	_ =	shalt  }

// kernel: sparse-core-data-format-call.2.cloned.1.call-start
scs
called_computation.2_lowered:
.L_overlay_start_0:
0x0: {  	s2 =	sld [smem:$0x3FD9]  }
0x1: {  	s3 =	sld [smem:$0x3FFE];
	_ =	sdelay $0x1  }
0x2: {  	s1 =	srdreg.scid  }
0x3: {  	s0 =	sand.u32 $0x1, s1  }
0x4: {  	s18 =	sshll.u32 s0, $0xA;
	s2 =	sadd.s32 s3, s2  }
0x5: {  	s2 =	sadd.s32 s2, s18  }
0x6: {  	[smem:$0x3FC1] =	sst s2  }
0x7: {  	_ = 	snop  }
0x8: {  	(tm) =	ssettm $0x1  }
0x9: {  	s19 =	sld [smem:$0x3FFB];
	_ =	sdelay $0x3  }
0xa: {  	_ =	strace s19  }
0xb: {  	s2 =	sld [smem:$0x3FFC];
	_ =	sdelay $0x3  }
0xc: {  	_ =	strace s2  }
0xd: {  	s2 =	sld [smem:$0x3FFD];
	_ =	sdelay $0x3  }
0xe: {  	_ =	strace s2  }
0xf: {  	_ =	strace $0x8FFFFFFF  }
0x10: {  	s20 =	sld [smem:$0x3FDB];
	_ =	sdelay $0x1  }
0x11: {  	s21 =	simm.s32 $_scs_section_size  }
0x12: {  	s4 =	simm.s32 $_size__tile_overlayer_lowered;
	s5 =	simm.s32 $_tile_overlayer_lowered  }
0x13: {  	s6 =	simm.s32 $0x1BFF;
	s22 =	sshll.u32 s5, $0x1;
	s3 =	sadd.s32 s21, s20  }
0x14: {  	s23 =	simm.s32 $0x0;
	s4 =	sshll.u32 s4, $0x1;
	s5 =	sadd.s32 s22, s3  }
0x15: {  	[timem:s23], [sflag:s6] =	dma.local [hbm:s5], s4  }
0x16: {  	_ =	swait.ge [sflag:s6], s4  }
0x17: {  	s4 =	ssub.s32 $0x0, s4;
	[sflag:s6] =	ssyncset.done $0x0  }
0x18: {  	[sflag:s6] =	ssyncadd.s32 s4;
	_ =	sdelay $0x1  }
0x19: {  	s24 =	simm.s32 $0x1B8B  }
0x1a: {  	_ =	swait.ge [sflag:s24], $0x1  }
0x1b: {  	[sflag:s24] =	ssyncset.done $0x0  }
0x1c: {  	[sflag:s24] =	ssyncadd.s32 $0xFFFFFFFF  }
0x1d: {  	s4 =	sld [smem:$0x0]  }
0x1e: {  	s5 =	sand.u32 $0xFFFFFFFE, s1  }
0x1f: {  	p0 =	sne.s32 s1, s5  }
0x20: {  	s5 =	sshll.u32 @p0 s5, $0xE  }
0x21: {  	s5 =	sadd.s32 @p0 $0x11B8D, s5;
	s6 =	sshll.u32 @p0 s4, $0x11  }
0x22: {  	s5 =	sor.u32 @p0 s6, s5  }
0x23: {  	[sflag:s5] =	ssyncadd.remote.s32 @p0 $0x1;
	_ =	sdelay $0x1  }
0x24: {  	s5 =	simm.s32 @p0 $0x1B8D  }
0x25: {  	_ =	swait.eq @p0 [sflag:s5], $0x1  }
0x26: {  	[sflag:s5] =	ssyncadd.s32 @p0 $0xFFFFFFFF  }
0x27: {  	s6 =	sshll.u32 @!p0 s1, $0xE  }
0x28: {  	s6 =	sor.u32 @!p0 $0x4000, s6;
	s5 =	simm.s32 @!p0 $0x1B8D  }
0x29: {  	s4 =	sshll.u32 @!p0 s4, $0x11;
	s6 =	sadd.s32 @!p0 $0x11B8D, s6;
	_ =	swait.eq @!p0 [sflag:s5], $0x1  }
0x2a: {  	s4 =	sor.u32 @!p0 s4, s6;
	[sflag:s5] =	ssyncadd.s32 @!p0 $0xFFFFFFFF  }
0x2b: {  	s26 =	simm.s32 $0x1B8E;
	s25 =	sld [smem:$0x3FFE];
	[sflag:s4] =	ssyncadd.remote.s32 @!p0 $0x1  }
0x2c: {  	s27 =	simm.s32 $execute0_lowered;
	[smem:$0x3FD2] =	sst s26  }
0x2d: {  	s5 =	sshll.u32 s27, $0x1;
	_ =	strace $0x80000049;
	[dreg:$0x1] =	wrdreg $0xFFFFFFFF  }
0x2e: {  	s28 =	simm.s32 $_size_execute0_lowered;
	s3 =	sadd.s32 s3, s5;
	[dreg:$0x0] =	wrdreg $0x0  }
0x2f: {  	s5 =	sshll.u32 s28, $0x1;
	[dreg:$0x2] =	wrdreg s3  }
0x30: {  	[dreg:$0x3] =	wrdreg s5  }
0x31: {  	[dreg:$0x4] =	wrdreg $0xC0  }
0x32: {  	_ =	task [dreg:s23], $0x5FFFF  }
0x33: {  	[dreg:$0x1] =	wrdreg $0xFFFFFFFF  }
0x34: {  	[dreg:$0x0] =	wrdreg $0x60  }
0x35: {  	[dreg:$0x2] =	wrdreg s25  }
0x36: {  	[dreg:$0x3] =	wrdreg $0xB  }
0x37: {  	_ =	task.clear_ibuf [dreg:s23], $0x4FFFF;
	_ =	strace $0x90000049  }
0x38: {  	s29 =	simm.s32 $0xB;
	_ =	strace $0x8000004B  }
0x39: {  	_ =	swait.ge [sflag:s29], $0x1  }
0x3a: {  	[sflag:s29] =	ssyncadd.s32 $0xFFFFFFFF  }
0x3b: {  	_ =	strace $0x9000004B  }
0x3c: {  	_ =	sfence  }
0x3d: {  	s30 =	sld [smem:$0x0];
	_ =	sdelay $0x2  }
0x3e: {  	s31 =	sshll.u32 s1, $0xD;
	s1 =	sshrl.u32 s1, $0x2  }
0x3f: {  	s4 =	sand.u32 $0x4000, s31;
	s1 =	sadd.s32 s1, s30  }
0x40: {  	s0 =	sor.u32 s4, s0;
	s1 =	sshll.u32 s1, $0x11  }
0x41: {  	s0 =	sor.u32 s1, s0  }
0x42: {  	s0 =	sadd.s32 $0x8F2B, s0  }
0x43: {  	[sflag:s0] =	ssyncadd.remote.s32 $0x1  }
0x44: {  	_ =	sfence.sel $0xFFFF  }
0x45: {  	[dreg:$0x0] =	wrdreg $0xFFFFFFFF;
	(pc) =	sbr.abs _section_cstart, $3  }
0x46: {  	[dreg:$0x1] =	wrdreg $0xFFFFFFFF  }
0x47: {  	_ =	task.clear_ibuf [dreg:s23], $0x2FFFF;
	_ =	strace $0x9FFFFFFF  }
0x48: {  	(tm) =	ssettm $0x7FFFFFFF  }
0x49: {  	_ =	shalt  }
tec
execute0_lowered:
.L_overlay_start_1:
0x0: {  	(tag) =	ssettag $0x1  }
0x1: {  	s0 =	srdreg.scid;
	s5 =	rddreg [dreg:$0x0];
	s4 =	simm.s32 $0x1  }
0x2: {  	s8 =	simm.s32 $0x2;
	s13 =	simm.s32 $0x0;
	s1 =	sshll.u32 s0, $0x4  }
0x3: {  	s14 =	simm.s32 $0x0;
	s0 =	stileid.u32;
	s1 =	sand.u32 $0x10, s1  }
0x4: {  	s15 =	simm.s32 $0x0;
	s10 =	simm.s32 $0x0;
	s2 =	sor.u32 s0, s1  }
0x5: {  	s11 =	simm.s32 $0x0;
	s3 =	sadd.s32 $0x33E3800, s5;
	s2 =	sshll.u32 s2, $0x9  }
0x6: {  	s12 =	simm.s32 $0x0;
	s5 =	sadd.s32 $0x356A200, s5;
	s6 =	ssub.s32 $0x186A00, s2  }
.Ltmp0:
0x7: {  	s1 =	rddreg [dreg:$0x1];
	s7 =	sand.u32 $0x3E00, s6;
	(pc) =	sbr.rel .LBB1_1-.Ltmp0, $4  }
0x8: {  	_ =	strace $0x8000004A;
	p0 =	sne.s32 s7, $0x0;
	s7 =	simm.s32 $0x1  }
0x9: {  	[sflag:s4] =	ssyncpa.u1 $0x0;
	s6 =	sshrl.u32 s6, $0xE;
	s7 =	simm.s32 @!p0 $0x0  }
0xa: {  	[sflag:s8] =	ssyncpa.u1 $0x0;
	s8 =	simm.s32 $0x80;
	s6 =	sadd.s32 s7, s6  }
0xb: {  	s9 =	smov.u32 s2;
	p0 =	por $0x0, $0x0;
	s7 =	sadd.s32 $0x1, s6  }
.LBB1_7:
0xc: {  	s16 =	sadd.s32 $0x4000, s9  }
0xd: {  	s13 =	sadd.s32 $0x4, s10;
	s17 =	smov.u32 s10;
	p2 =	sgt.s32 s16, $0x1869FF  }
0xe: {  	s17 =	smov.u32 @p2 s13  }
0xf: {  	s19 =	smov.u32 s11;
	s13 =	sadd.s32 $0x2, s11;
	p3 =	sgt.s32 s17, $0x3  }
0x10: {  	s19 =	smov.u32 @p3 s13  }
0x11: {  	s16 =	smov.u32 @p2 s2;
	p2 =	sgt.s32 s19, $0x1  }
0x12: {  	p1 =	slt.u32 s12, $0x2;
	s19 =	simm.s32 @p2 $0x0;
	p2 =	sne.s32 s12, s7  }
.Ltmp1:
0x13: {  	s18 =	simm.s32 @!p1 $0x2;
	(pc) =	sbr.rel @!p2 .LBB1_8-.Ltmp1, $4  }
0x14: {  	s14 =	smov.u32 s10;
	s15 =	smov.u32 s11;
	_ =	swait.ge @!p1 [sflag:s18], $0x1000  }
0x15: {  	p0 =	por !p0, !p0;
	[sflag:s18] =	ssyncset.done @!p1 $0x0;
	s17 =	simm.s32 @p3 $0x0  }
0x16: {  	s13 =	smov.u32 s9;
	[sflag:s18] =	ssyncadd.s32 @!p1 $0xFFFFF000;
	s9 =	smov.u32 s16  }
0x17: {  	s10 =	smov.u32 s17;
	s12 =	sadd.s32 $0x1, s12;
	s11 =	smov.u32 s19  }
.LBB1_1:
0x18: {  	p1 =	sge.u32 s12, s6  }
0x19: {  	s16 =	sshrl.u32 @!p1 s10, $0x2  }
0x1a: {  	s17 =	sshll.u32 @!p1 s9, $0x2;
	s16 =	smul.u32 @!p1 $0x61A800, s16  }
0x1b: {  	s17 =	sand.u32 @!p1 $0xFFFFFE00, s17  }
0x1c: {  	s16 =	sadd.s32 @!p1 s16, s17  }
0x1d: {  	s17 =	sshrl.u32 @!p1 s16, $0x9  }
0x1e: {  	s17 =	smulhi.u32 @!p1 $0xA7C5AD, s17  }
0x1f: {  	s31 =	sadd.s32 $0xFFFFFFFF, s12;
	s18 =	sshll.u32 @!p1 s10, $0x7  }
0x20: {  	s19 =	sand.u32 @!p1 $0x7F, s9;
	s18 =	sand.u32 @!p1 $0x180, s18;
	s17 =	sshrl.u32 @!p1 s17, $0x3  }
0x21: {  	s20 =	sxor.u32 @!p1 $0xFFFFFFFF, s12;
	s18 =	sor.u32 @!p1 s19, s18;
	s19 =	smul.u32 @!p1 $0x186A00, s17  }
0x22: {  	s16 =	sor.u32 @!p1 s16, s18;
	s18 =	smul.u32 @!p1 $0xC3500, s11;
	s17 =	sand.u32 @!p1 $0x3, s17  }
0x23: {  	s20 =	sshll.u32 @!p1 s20, $0xC;
	s17 =	smul.u32 @!p1 $0x30D40, s17;
	s16 =	ssub.s32 @!p1 s16, s19  }
0x24: {  	s18 =	sadd.s32 @!p1 s3, s18;
	s19 =	sand.u32 @!p1 $0x1000, s20;
	s20 =	sand.u32 @!p1 $0x7, s16  }
0x25: {  	s16 =	sshrl.u32 @!p1 s16, $0x3;
	s17 =	sadd.s32 @!p1 s17, s18;
	s18 =	sshll.u32 @!p1 s20, $0x12  }
0x26: {  	s16 =	sadd.s32 @!p1 s16, s17;
	s17 =	sor.u32 @!p1 $0x800, s18;
	s18 =	simm.s32 @!p1 $0x61A800  }
0x27: {  	[tilespmem:s19], [sflag:$0x1] =	stream.strided.gather @!p1 [hbm4b:s16+s17], $0x1000, s18, s17, $0x38;
	[tilespmem:$0x4000] =	vst v63  }
0x28: {  	p1 =	sge.u32 s31, s6  }
.Ltmp2:
0x29: {  	_ = 	snop;
	(pc) =	sbr.rel @p1 .LBB1_7-.Ltmp2, $1  }
0x2a: {  	_ =	sdelay $0x3  }
0x2b: {  	s16 =	simm.s32 $0x1  }
0x2c: {  	s16 =	simm.s32 @!p0 $0x0  }
0x2d: {  	s17 =	sshll.u32 s12, $0xC;
	s16 =	sshll.u32 s16, $0xE  }
0x2e: {  	s18 =	sand.u32 $0x1000, s17;
	s17 =	sshrl.u32 s16, $0x2  }
0x2f: {  	v0 =	vmov s17;
	_ =	sdelay $0x1  }
0x30: {  	_ =	swait.ge [sflag:s4], $0x1000  }
0x31: {  	p2 =	por $0x1, $0x1;
	[sflag:s4] =	ssyncset.done $0x0  }
0x32: {  	[sflag:s4] =	ssyncadd.s32 $0xFFFFF000;
	s16 =	sor.u32 $0x2000, s18;
	s18 =	simm.s32 $0x0  }
.LBB1_3:
0x33: {  	_ = 	snop  }
0x34: {  	s19 =	sshll.u32 s18, $0xD  }
0x35: {  	s19 =	sshra.s32 s19, $0x2  }
0x36: {  	s21 =	sor.u32 $0x240, s19  }
0x37: {  	v1 =	vld.idx.msk [tilespmem:v0+s21+$0x430 ss:$0x1], $0xffff  }
0x38: {  	v2 =	vld.idx.msk [tilespmem:v0+s21+$0xFFFFFDD0 ss:$0x1], $0xffff  }
0x39: {  	s31 =	sshll.u32 s18, $0x4;
	v3 =	vld.idx.msk [tilespmem:v0+s21+$0xFFFFFDE0 ss:$0x1], $0xffff  }
0x3a: {  	s18 =	sshra.s32 s31, $0x2;
	v4 =	vld.idx.msk [tilespmem:v0+s21+$0xFFFFFDF0 ss:$0x1], $0xffff  }
0x3b: {  	s20 =	sadd.s32 $0x2000, s18;
	v5 =	vld.idx.msk [tilespmem:v0+s21+$0xFFFFFE00 ss:$0x1], $0xffff  }
0x3c: {  	s19 =	sadd.s32 s17, s20;
	v6 =	vld.idx.msk [tilespmem:v0+s21+$0xFFFFFE10 ss:$0x1], $0xffff  }
0x3d: {  	v7 =	vld.idx.msk [tilespmem:v0+s21+$0xFFFFFE20 ss:$0x1], $0xffff;
	[tilespmem:s19+$0xF80 ss:$0x8] =	vst.msk $0xffff, v1  }
0x3e: {  	v8 =	vld.idx.msk [tilespmem:v0+s21+$0x3E0 ss:$0x1], $0xffff;
	[tilespmem:s19+$0x80 ss:$0x8] =	vst.msk $0xffff, v2  }
0x3f: {  	v1 =	vld.idx.msk [tilespmem:v0+s21+$0xFFFFFE30 ss:$0x1], $0xffff;
	[tilespmem:s19+$0x100 ss:$0x8] =	vst.msk $0xffff, v3  }
0x40: {  	v2 =	vld.idx.msk [tilespmem:v0+s21+$0xFFFFFFC0 ss:$0x1], $0xffff;
	[tilespmem:s19+$0x180 ss:$0x8] =	vst.msk $0xffff, v4  }
0x41: {  	v3 =	vld.idx.msk [tilespmem:v0+s21+$0xFFFFFFD0 ss:$0x1], $0xffff;
	[tilespmem:s19+$0x200 ss:$0x8] =	vst.msk $0xffff, v5  }
0x42: {  	v4 =	vld.idx.msk [tilespmem:v0+s21+$0xFFFFFFE0 ss:$0x1], $0xffff;
	[tilespmem:s19+$0x280 ss:$0x8] =	vst.msk $0xffff, v6  }
0x43: {  	v5 =	vld.idx.msk [tilespmem:v0+s21+$0xFFFFFFF0 ss:$0x1], $0xffff;
	[tilespmem:s19+$0x300 ss:$0x8] =	vst.msk $0xffff, v7  }
0x44: {  	v6 =	vld.idx.msk [tilespmem:v0+s21+$0x0 ss:$0x1], $0xffff;
	[tilespmem:s19+$0xD00 ss:$0x8] =	vst.msk $0xffff, v8  }
0x45: {  	v7 =	vld.idx.msk [tilespmem:v0+s21+$0x3D0 ss:$0x1], $0xffff;
	[tilespmem:s19+$0x380 ss:$0x8] =	vst.msk $0xffff, v1  }
0x46: {  	v1 =	vld.idx.msk [tilespmem:v0+s21+$0x10 ss:$0x1], $0xffff;
	[tilespmem:s19+$0x400 ss:$0x8] =	vst.msk $0xffff, v2  }
0x47: {  	v2 =	vld.idx.msk [tilespmem:v0+s21+$0x20 ss:$0x1], $0xffff;
	[tilespmem:s19+$0x480 ss:$0x8] =	vst.msk $0xffff, v3  }
0x48: {  	v3 =	vld.idx.msk [tilespmem:v0+s21+$0x30 ss:$0x1], $0xffff;
	[tilespmem:s19+$0x500 ss:$0x8] =	vst.msk $0xffff, v4  }
0x49: {  	v4 =	vld.idx.msk [tilespmem:v0+s21+$0x1C0 ss:$0x1], $0xffff;
	[tilespmem:s19+$0x580 ss:$0x8] =	vst.msk $0xffff, v5  }
0x4a: {  	v5 =	vld.idx.msk [tilespmem:v0+s21+$0x1D0 ss:$0x1], $0xffff;
	[tilespmem:s19+$0x600 ss:$0x8] =	vst.msk $0xffff, v6  }
0x4b: {  	v6 =	vld.idx.msk [tilespmem:v0+s21+$0x1E0 ss:$0x1], $0xffff;
	[tilespmem:s19+$0xC80 ss:$0x8] =	vst.msk $0xffff, v7  }
0x4c: {  	[tilespmem:s19+$0x680 ss:$0x8] =	vst.msk $0xffff, v1;
	v1 =	vld.idx.msk [tilespmem:v0+s21+$0x1F0 ss:$0x1], $0xffff  }
0x4d: {  	[tilespmem:s19+$0x780 ss:$0x8] =	vst.msk $0xffff, v3;
	v3 =	vld.idx.msk [tilespmem:v0+s21+$0x210 ss:$0x1], $0xffff  }
0x4e: {  	[tilespmem:s19+$0x800 ss:$0x8] =	vst.msk $0xffff, v4;
	v4 =	vld.idx.msk [tilespmem:v0+s21+$0x220 ss:$0x1], $0xffff  }
0x4f: {  	[tilespmem:s19+$0x880 ss:$0x8] =	vst.msk $0xffff, v5;
	v5 =	vld.idx.msk [tilespmem:v0+s21+$0x230 ss:$0x1], $0xffff  }
0x50: {  	[tilespmem:s19+$0x900 ss:$0x8] =	vst.msk $0xffff, v6;
	v6 =	vld.idx.msk [tilespmem:v0+s21+$0x3C0 ss:$0x1], $0xffff  }
0x51: {  	[tilespmem:s19+$0x700 ss:$0x8] =	vst.msk $0xffff, v2;
	v2 =	vld.idx.msk [tilespmem:v0+s21+$0x200 ss:$0x1], $0xffff  }
0x52: {  	[tilespmem:s19+$0xA80 ss:$0x8] =	vst.msk $0xffff, v3;
	v3 =	vld.idx.msk [tilespmem:v0+s21+$0x3F0 ss:$0x1], $0xffff  }
0x53: {  	[tilespmem:s19+$0xB00 ss:$0x8] =	vst.msk $0xffff, v4;
	v4 =	vld.idx.msk [tilespmem:v0+s21+$0x400 ss:$0x1], $0xffff  }
0x54: {  	[tilespmem:s19+$0xB80 ss:$0x8] =	vst.msk $0xffff, v5;
	v5 =	vld.idx.msk [tilespmem:v0+s21+$0x410 ss:$0x1], $0xffff  }
0x55: {  	[tilespmem:s19+$0xC00 ss:$0x8] =	vst.msk $0xffff, v6;
	v6 =	vld.idx.msk [tilespmem:v0+s21+$0x420 ss:$0x1], $0xffff  }
0x56: {  	s18 =	sadd.s32 $0x80, s21;
	[tilespmem:s19+$0x980 ss:$0x8] =	vst.msk $0xffff, v1;
	v1 =	vld.idx.msk [tilespmem:v0+s21+$0xFFFFFDC0 ss:$0x1], $0xffff  }
0x57: {  	p1 =	por p2, p2;
	[tilespmem:s19+$0xA00 ss:$0x8] =	vst.msk $0xffff, v2;
	v2 =	vld.idx.msk [tilespmem:v0+s18+$0x430 ss:$0x1], $0xffff;
	s21 =	simm.s32 $0x2  }
.LBB1_4:
0x58: {  	p2 =	sne.s32 s21, $0x1;
	v7 =	vld.idx.msk [tilespmem:v0+s18+$0xFFFFFDD0 ss:$0x1], $0xffff;
	[tilespmem:s19+$0xD80 ss:$0x8] =	vst.msk $0xffff, v3  }
0x59: {  	v3 =	vld.idx.msk [tilespmem:v0+s18+$0xFFFFFDE0 ss:$0x1], $0xffff;
	[tilespmem:s19+$0xE00 ss:$0x8] =	vst.msk $0xffff, v4  }
0x5a: {  	v4 =	vld.idx.msk [tilespmem:v0+s18+$0xFFFFFDF0 ss:$0x1], $0xffff;
	[tilespmem:s19+$0xE80 ss:$0x8] =	vst.msk $0xffff, v5  }
0x5b: {  	s20 =	sadd.s32 $0x1, s20;
	v5 =	vld.idx.msk [tilespmem:v0+s18+$0xFFFFFE00 ss:$0x1], $0xffff;
	[tilespmem:s19+$0xF00 ss:$0x8] =	vst.msk $0xffff, v6  }
0x5c: {  	v6 =	vld.idx.msk [tilespmem:v0+s18+$0xFFFFFE10 ss:$0x1], $0xffff;
	[tilespmem:s19+$0x0 ss:$0x8] =	vst.msk $0xffff, v1;
	s19 =	sadd.s32 s17, s20  }
0x5d: {  	v1 =	vld.idx.msk [tilespmem:v0+s18+$0xFFFFFE20 ss:$0x1], $0xffff;
	[tilespmem:s19+$0xF80 ss:$0x8] =	vst.msk $0xffff, v2  }
0x5e: {  	[tilespmem:s19+$0x80 ss:$0x8] =	vst.msk $0xffff, v7;
	v2 =	vld.idx.msk [tilespmem:v0+s18+$0xFFFFFE30 ss:$0x1], $0xffff  }
0x5f: {  	[tilespmem:s19+$0x100 ss:$0x8] =	vst.msk $0xffff, v3;
	v3 =	vld.idx.msk [tilespmem:v0+s18+$0xFFFFFFC0 ss:$0x1], $0xffff  }
0x60: {  	[tilespmem:s19+$0x180 ss:$0x8] =	vst.msk $0xffff, v4;
	v4 =	vld.idx.msk [tilespmem:v0+s18+$0xFFFFFFD0 ss:$0x1], $0xffff  }
0x61: {  	[tilespmem:s19+$0x200 ss:$0x8] =	vst.msk $0xffff, v5;
	v5 =	vld.idx.msk [tilespmem:v0+s18+$0xFFFFFFE0 ss:$0x1], $0xffff  }
0x62: {  	[tilespmem:s19+$0x280 ss:$0x8] =	vst.msk $0xffff, v6;
	v6 =	vld.idx.msk [tilespmem:v0+s18+$0xFFFFFFF0 ss:$0x1], $0xffff  }
0x63: {  	[tilespmem:s19+$0x300 ss:$0x8] =	vst.msk $0xffff, v1;
	v1 =	vld.idx.msk [tilespmem:v0+s18+$0x0 ss:$0x1], $0xffff  }
0x64: {  	[tilespmem:s19+$0x380 ss:$0x8] =	vst.msk $0xffff, v2;
	v2 =	vld.idx.msk [tilespmem:v0+s18+$0x10 ss:$0x1], $0xffff  }
0x65: {  	[tilespmem:s19+$0x400 ss:$0x8] =	vst.msk $0xffff, v3;
	v3 =	vld.idx.msk [tilespmem:v0+s18+$0x20 ss:$0x1], $0xffff  }
0x66: {  	[tilespmem:s19+$0x480 ss:$0x8] =	vst.msk $0xffff, v4;
	v4 =	vld.idx.msk [tilespmem:v0+s18+$0x30 ss:$0x1], $0xffff  }
0x67: {  	[tilespmem:s19+$0x500 ss:$0x8] =	vst.msk $0xffff, v5;
	v5 =	vld.idx.msk [tilespmem:v0+s18+$0x1C0 ss:$0x1], $0xffff  }
0x68: {  	[tilespmem:s19+$0x580 ss:$0x8] =	vst.msk $0xffff, v6;
	v6 =	vld.idx.msk [tilespmem:v0+s18+$0x1D0 ss:$0x1], $0xffff  }
0x69: {  	[tilespmem:s19+$0x600 ss:$0x8] =	vst.msk $0xffff, v1;
	v1 =	vld.idx.msk [tilespmem:v0+s18+$0x1E0 ss:$0x1], $0xffff  }
0x6a: {  	[tilespmem:s19+$0x680 ss:$0x8] =	vst.msk $0xffff, v2;
	v2 =	vld.idx.msk [tilespmem:v0+s18+$0x1F0 ss:$0x1], $0xffff  }
0x6b: {  	[tilespmem:s19+$0x700 ss:$0x8] =	vst.msk $0xffff, v3;
	v3 =	vld.idx.msk [tilespmem:v0+s18+$0x200 ss:$0x1], $0xffff  }
0x6c: {  	[tilespmem:s19+$0x780 ss:$0x8] =	vst.msk $0xffff, v4;
	v4 =	vld.idx.msk [tilespmem:v0+s18+$0x210 ss:$0x1], $0xffff  }
0x6d: {  	[tilespmem:s19+$0x800 ss:$0x8] =	vst.msk $0xffff, v5;
	v5 =	vld.idx.msk [tilespmem:v0+s18+$0x220 ss:$0x1], $0xffff  }
0x6e: {  	[tilespmem:s19+$0x880 ss:$0x8] =	vst.msk $0xffff, v6;
	v6 =	vld.idx.msk [tilespmem:v0+s18+$0x230 ss:$0x1], $0xffff  }
0x6f: {  	[tilespmem:s19+$0x900 ss:$0x8] =	vst.msk $0xffff, v1;
	v1 =	vld.idx.msk [tilespmem:v0+s18+$0x3C0 ss:$0x1], $0xffff  }
0x70: {  	[tilespmem:s19+$0x980 ss:$0x8] =	vst.msk $0xffff, v2;
	v2 =	vld.idx.msk [tilespmem:v0+s18+$0x3D0 ss:$0x1], $0xffff  }
0x71: {  	[tilespmem:s19+$0xA00 ss:$0x8] =	vst.msk $0xffff, v3;
	v7 =	vld.idx.msk [tilespmem:v0+s18+$0x3E0 ss:$0x1], $0xffff  }
0x72: {  	[tilespmem:s19+$0xA80 ss:$0x8] =	vst.msk $0xffff, v4;
	v3 =	vld.idx.msk [tilespmem:v0+s18+$0x3F0 ss:$0x1], $0xffff  }
.Ltmp3:
0x73: {  	[tilespmem:s19+$0xB00 ss:$0x8] =	vst.msk $0xffff, v5;
	v4 =	vld.idx.msk [tilespmem:v0+s18+$0x400 ss:$0x1], $0xffff;
	(pc) =	sbr.rel @p2 .LBB1_4-.Ltmp3, $4  }
0x74: {  	[tilespmem:s19+$0xB80 ss:$0x8] =	vst.msk $0xffff, v6;
	v5 =	vld.idx.msk [tilespmem:v0+s18+$0x410 ss:$0x1], $0xffff  }
0x75: {  	[tilespmem:s19+$0xC00 ss:$0x8] =	vst.msk $0xffff, v1;
	v6 =	vld.idx.msk [tilespmem:v0+s18+$0x420 ss:$0x1], $0xffff  }
0x76: {  	v1 =	vld.idx.msk [tilespmem:v0+s18+$0xFFFFFDC0 ss:$0x1], $0xffff;
	[tilespmem:s19+$0xC80 ss:$0x8] =	vst.msk $0xffff, v2;
	s18 =	sadd.s32 $0x80, s18  }
0x77: {  	s21 =	sadd.s32 $0xFFFFFFFF, s21;
	v2 =	vld.idx.msk [tilespmem:v0+s18+$0x430 ss:$0x1], $0xffff;
	[tilespmem:s19+$0xD00 ss:$0x8] =	vst.msk $0xffff, v7  }
0x78: {  	_ =	sdelay $0x2  }
0x79: {  	[tilespmem:s19+$0xD80 ss:$0x8] =	vst.msk $0xffff, v3  }
0x7a: {  	v3 =	vld.idx.msk [tilespmem:v0+s18+$0xFFFFFDD0 ss:$0x1], $0xffff;
	[tilespmem:s19+$0xE00 ss:$0x8] =	vst.msk $0xffff, v4  }
0x7b: {  	v49 =	vld.idx.msk [tilespmem:v0+s18+$0xFFFFFDE0 ss:$0x1], $0xffff;
	[tilespmem:s19+$0xE80 ss:$0x8] =	vst.msk $0xffff, v5  }
0x7c: {  	v50 =	vld.idx.msk [tilespmem:v0+s18+$0xFFFFFDF0 ss:$0x1], $0xffff;
	s20 =	sadd.s32 $0x1, s20;
	[tilespmem:s19+$0xF00 ss:$0x8] =	vst.msk $0xffff, v6  }
0x7d: {  	v51 =	vld.idx.msk [tilespmem:v0+s18+$0xFFFFFE00 ss:$0x1], $0xffff;
	s20 =	sadd.s32 s17, s20;
	[tilespmem:s19+$0x0 ss:$0x8] =	vst.msk $0xffff, v1  }
0x7e: {  	v52 =	vld.idx.msk [tilespmem:v0+s18+$0xFFFFFFC0 ss:$0x1], $0xffff;
	[tilespmem:s20+$0xF80 ss:$0x8] =	vst.msk $0xffff, v2  }
0x7f: {  	v53 =	vld.idx.msk [tilespmem:v0+s18+$0xFFFFFFD0 ss:$0x1], $0xffff;
	[tilespmem:s20+$0x80 ss:$0x8] =	vst.msk $0xffff, v3  }
0x80: {  	v54 =	vld.idx.msk [tilespmem:v0+s18+$0xFFFFFFE0 ss:$0x1], $0xffff;
	[tilespmem:s20+$0x100 ss:$0x8] =	vst.msk $0xffff, v49  }
0x81: {  	v55 =	vld.idx.msk [tilespmem:v0+s18+$0x20 ss:$0x1], $0xffff;
	[tilespmem:s20+$0x180 ss:$0x8] =	vst.msk $0xffff, v50  }
0x82: {  	v1 =	vld.idx.msk [tilespmem:v0+s18+$0xFFFFFE10 ss:$0x1], $0xffff;
	[tilespmem:s20+$0x200 ss:$0x8] =	vst.msk $0xffff, v51  }
0x83: {  	v2 =	vld.idx.msk [tilespmem:v0+s18+$0xFFFFFE20 ss:$0x1], $0xffff;
	[tilespmem:s20+$0x400 ss:$0x8] =	vst.msk $0xffff, v52  }
0x84: {  	v3 =	vld.idx.msk [tilespmem:v0+s18+$0xFFFFFE30 ss:$0x1], $0xffff;
	[tilespmem:s20+$0x480 ss:$0x8] =	vst.msk $0xffff, v53  }
0x85: {  	v56 =	vld.idx.msk [tilespmem:v0+s18+$0x30 ss:$0x1], $0xffff;
	[tilespmem:s20+$0x500 ss:$0x8] =	vst.msk $0xffff, v54  }
0x86: {  	v57 =	vld.idx.msk [tilespmem:v0+s18+$0x1C0 ss:$0x1], $0xffff;
	[tilespmem:s20+$0x700 ss:$0x8] =	vst.msk $0xffff, v55  }
0x87: {  	[tilespmem:s20+$0x280 ss:$0x8] =	vst.msk $0xffff, v1;
	v1 =	vld.idx.msk [tilespmem:v0+s18+$0xFFFFFFF0 ss:$0x1], $0xffff  }
0x88: {  	[tilespmem:s20+$0x300 ss:$0x8] =	vst.msk $0xffff, v2;
	v2 =	vld.idx.msk [tilespmem:v0+s18+$0x0 ss:$0x1], $0xffff  }
0x89: {  	[tilespmem:s20+$0x380 ss:$0x8] =	vst.msk $0xffff, v3;
	v3 =	vld.idx.msk [tilespmem:v0+s18+$0x10 ss:$0x1], $0xffff  }
0x8a: {  	v58 =	vld.idx.msk [tilespmem:v0+s18+$0x200 ss:$0x1], $0xffff;
	[tilespmem:s20+$0x780 ss:$0x8] =	vst.msk $0xffff, v56  }
0x8b: {  	v59 =	vld.idx.msk [tilespmem:v0+s18+$0x210 ss:$0x1], $0xffff;
	[tilespmem:s20+$0x800 ss:$0x8] =	vst.msk $0xffff, v57  }
0x8c: {  	[tilespmem:s20+$0x580 ss:$0x8] =	vst.msk $0xffff, v1;
	v1 =	vld.idx.msk [tilespmem:v0+s18+$0x1D0 ss:$0x1], $0xffff  }
0x8d: {  	[tilespmem:s20+$0x600 ss:$0x8] =	vst.msk $0xffff, v2;
	v2 =	vld.idx.msk [tilespmem:v0+s18+$0x1E0 ss:$0x1], $0xffff  }
0x8e: {  	[tilespmem:s20+$0x680 ss:$0x8] =	vst.msk $0xffff, v3;
	v3 =	vld.idx.msk [tilespmem:v0+s18+$0x1F0 ss:$0x1], $0xffff  }
0x8f: {  	v60 =	vld.idx.msk [tilespmem:v0+s18+$0x220 ss:$0x1], $0xffff;
	[tilespmem:s20+$0xA00 ss:$0x8] =	vst.msk $0xffff, v58  }
0x90: {  	v61 =	vld.idx.msk [tilespmem:v0+s18+$0x3E0 ss:$0x1], $0xffff;
	[tilespmem:s20+$0xA80 ss:$0x8] =	vst.msk $0xffff, v59  }
0x91: {  	[tilespmem:s20+$0x880 ss:$0x8] =	vst.msk $0xffff, v1;
	v1 =	vld.idx.msk [tilespmem:v0+s18+$0x230 ss:$0x1], $0xffff  }
0x92: {  	[tilespmem:s20+$0x900 ss:$0x8] =	vst.msk $0xffff, v2;
	v2 =	vld.idx.msk [tilespmem:v0+s18+$0x3C0 ss:$0x1], $0xffff  }
0x93: {  	[tilespmem:s20+$0x980 ss:$0x8] =	vst.msk $0xffff, v3;
	v3 =	vld.idx.msk [tilespmem:v0+s18+$0x3D0 ss:$0x1], $0xffff  }
0x94: {  	v62 =	vld.idx.msk [tilespmem:v0+s18+$0x3F0 ss:$0x1], $0xffff;
	[tilespmem:s20+$0xB00 ss:$0x8] =	vst.msk $0xffff, v60  }
0x95: {  	v63 =	vld.idx.msk [tilespmem:v0+s18+$0x400 ss:$0x1], $0xffff;
	[tilespmem:s20+$0xD00 ss:$0x8] =	vst.msk $0xffff, v61  }
0x96: {  	[tilespmem:s20+$0xB80 ss:$0x8] =	vst.msk $0xffff, v1;
	v1 =	vld.idx.msk [tilespmem:v0+s18+$0x410 ss:$0x1], $0xffff  }
0x97: {  	[tilespmem:s20+$0xC00 ss:$0x8] =	vst.msk $0xffff, v2;
	v2 =	vld.idx.msk [tilespmem:v0+s18+$0x420 ss:$0x1], $0xffff  }
0x98: {  	[tilespmem:s20+$0xC80 ss:$0x8] =	vst.msk $0xffff, v3;
	v3 =	vld.idx.msk [tilespmem:v0+s18+$0xFFFFFDC0 ss:$0x1], $0xffff  }
.Ltmp4:
0x99: {  	[tilespmem:s20+$0xD80 ss:$0x8] =	vst.msk $0xffff, v62;
	(pc) =	sbr.rel @p1 .LBB1_3-.Ltmp4, $4  }
0x9a: {  	[tilespmem:s20+$0xE00 ss:$0x8] =	vst.msk $0xffff, v63  }
0x9b: {  	[tilespmem:s20+$0xE80 ss:$0x8] =	vst.msk $0xffff, v1  }
0x9c: {  	[tilespmem:s20+$0xF00 ss:$0x8] =	vst.msk $0xffff, v2  }
0x9d: {  	p2 =	por $0x0, $0x0;
	s18 =	simm.s32 $0x1;
	[tilespmem:s20+$0x0 ss:$0x8] =	vst.msk $0xffff, v3  }
0x9e: {  	s15 =	sshll.u32 s15, $0x4  }
.Ltmp5:
0x9f: {  	s13 =	sshll.u32 s13, $0x5;
	s15 =	sand.u32 $0x10, s15;
	(pc) =	sbr.rel .LBB1_7-.Ltmp5, $4  }
0xa0: {  	s17 =	sshrl.u32 s14, $0x3;
	s31 =	sand.u32 $0x7, s14;
	s15 =	sadd.s32 s5, s15  }
0xa1: {  	s17 =	sand.u32 $0xF, s17;
	s14 =	sshll.u32 s31, $0x12;
	s13 =	sadd.s32 s13, s15  }
0xa2: {  	s14 =	sor.u32 $0x4, s14;
	s13 =	sadd.s32 s17, s13  }
0xa3: {  	[hbm4b:s13+s14] =	stream.strided.scatter [tilespmem:s16], [sflag:$0x2], $0x1000, s8, s14, $0x38;
	[tilespmem:$0x4000] =	vst v63  }
.LBB1_8:
0xa4: {  	_ =	sfence.sel $0x180000  }
0xa5: {  	s2 =	simm.s32 $0x1;
	[bflag:$0x0] =	sbarrier.arrive $0xFFFF  }
0xa6: {  	s31 =	simm.s32 $0x2;
	[sflag:s2] =	ssyncpa.u1 $0x1  }
0xa7: {  	[sflag:s31] =	ssyncpa.u1 $0x1  }
0xa8: {  	p0 =	sne.s32 s0, $0x0;
	_ =	strace $0x9000004A  }
0xa9: {  	s0 =	sadd.s32 @!p0 $0x100000, s1;
	[bflag:$0x2] =	sbarrier.arrive $0xFFFF  }
0xaa: {  	[sflag:s0] =	ssyncadd.tile.s32 @!p0 $0x1;
	_ =	shalt  }
.Lfunc_end1:
_tile_overlayer_lowered:
.L_overlay_start_2:
0xab: {  	(tag) =	ssettag $0x2  }
0xac: {  	s0 =	rddreg [dreg:$0x0];
	s2 =	stileid.u32  }
0xad: {  	s1 =	rddreg [dreg:$0x1];
	p0 =	sne.s32 s2, $0x0  }
0xae: {  	s3 =	rddreg [dreg:$0x2];
	[bflag:$0x3] =	sbarrier.arrive $0xFFFF;
	s2 =	simm.s32 @!p0 $0x1C01  }
0xaf: {  	[timem:s3], [sflag:s2] =	dma.local @!p0 [hbm:s0], s1  }
0xb0: {  	s0 =	simm.s32 @!p0 $0x1  }
0xb1: {  	_ =	swait.ge @!p0 [sflag:s0], s1  }
0xb2: {  	s1 =	ssub.s32 @!p0 $0x0, s1;
	[sflag:s0] =	ssyncset.done @!p0 $0x0  }
0xb3: {  	[sflag:s0] =	ssyncadd.s32 @!p0 s1  }
0xb4: {  	[bflag:$0x3] =	sbarrier.arrive $0xFFFF  }
0xb5: {  	_ =	shalt  }

// kernel: sparse-core-data-format-call.3.cloned.1.call-start
scs
called_computation.3_lowered:
.L_overlay_start_0:
0x0: {  	s2 =	sld [smem:$0x3FD9]  }
0x1: {  	s3 =	sld [smem:$0x3FFE];
	_ =	sdelay $0x1  }
0x2: {  	s1 =	srdreg.scid  }
0x3: {  	s0 =	sand.u32 $0x1, s1  }
0x4: {  	s18 =	sshll.u32 s0, $0xA;
	s2 =	sadd.s32 s3, s2  }
0x5: {  	s2 =	sadd.s32 s2, s18  }
0x6: {  	[smem:$0x3FC1] =	sst s2  }
0x7: {  	_ = 	snop  }
0x8: {  	(tm) =	ssettm $0x1  }
0x9: {  	s19 =	sld [smem:$0x3FFB];
	_ =	sdelay $0x3  }
0xa: {  	_ =	strace s19  }
0xb: {  	s2 =	sld [smem:$0x3FFC];
	_ =	sdelay $0x3  }
0xc: {  	_ =	strace s2  }
0xd: {  	s2 =	sld [smem:$0x3FFD];
	_ =	sdelay $0x3  }
0xe: {  	_ =	strace s2  }
0xf: {  	_ =	strace $0x8FFFFFFF  }
0x10: {  	s20 =	sld [smem:$0x3FDB];
	_ =	sdelay $0x1  }
0x11: {  	s21 =	simm.s32 $_scs_section_size  }
0x12: {  	s4 =	simm.s32 $_size__tile_overlayer_lowered;
	s5 =	simm.s32 $_tile_overlayer_lowered  }
0x13: {  	s6 =	simm.s32 $0x1BFF;
	s22 =	sshll.u32 s5, $0x1;
	s3 =	sadd.s32 s21, s20  }
0x14: {  	s23 =	simm.s32 $0x0;
	s4 =	sshll.u32 s4, $0x1;
	s5 =	sadd.s32 s22, s3  }
0x15: {  	[timem:s23], [sflag:s6] =	dma.local [hbm:s5], s4  }
0x16: {  	_ =	swait.ge [sflag:s6], s4  }
0x17: {  	s4 =	ssub.s32 $0x0, s4;
	[sflag:s6] =	ssyncset.done $0x0  }
0x18: {  	[sflag:s6] =	ssyncadd.s32 s4;
	_ =	sdelay $0x1  }
0x19: {  	s24 =	simm.s32 $0x1B8B  }
0x1a: {  	_ =	swait.ge [sflag:s24], $0x1  }
0x1b: {  	[sflag:s24] =	ssyncset.done $0x0  }
0x1c: {  	[sflag:s24] =	ssyncadd.s32 $0xFFFFFFFF  }
0x1d: {  	s4 =	sld [smem:$0x0]  }
0x1e: {  	s5 =	sand.u32 $0xFFFFFFFE, s1  }
0x1f: {  	p0 =	sne.s32 s1, s5  }
0x20: {  	s5 =	sshll.u32 @p0 s5, $0xE  }
0x21: {  	s5 =	sadd.s32 @p0 $0x11B8D, s5;
	s6 =	sshll.u32 @p0 s4, $0x11  }
0x22: {  	s5 =	sor.u32 @p0 s6, s5  }
0x23: {  	[sflag:s5] =	ssyncadd.remote.s32 @p0 $0x1;
	_ =	sdelay $0x1  }
0x24: {  	s5 =	simm.s32 @p0 $0x1B8D  }
0x25: {  	_ =	swait.eq @p0 [sflag:s5], $0x1  }
0x26: {  	[sflag:s5] =	ssyncadd.s32 @p0 $0xFFFFFFFF  }
0x27: {  	s6 =	sshll.u32 @!p0 s1, $0xE  }
0x28: {  	s6 =	sor.u32 @!p0 $0x4000, s6;
	s5 =	simm.s32 @!p0 $0x1B8D  }
0x29: {  	s4 =	sshll.u32 @!p0 s4, $0x11;
	s6 =	sadd.s32 @!p0 $0x11B8D, s6;
	_ =	swait.eq @!p0 [sflag:s5], $0x1  }
0x2a: {  	s4 =	sor.u32 @!p0 s4, s6;
	[sflag:s5] =	ssyncadd.s32 @!p0 $0xFFFFFFFF  }
0x2b: {  	s26 =	simm.s32 $0x1B8E;
	s25 =	sld [smem:$0x3FFE];
	[sflag:s4] =	ssyncadd.remote.s32 @!p0 $0x1  }
0x2c: {  	s27 =	simm.s32 $execute0_lowered;
	[smem:$0x3FD2] =	sst s26  }
0x2d: {  	s5 =	sshll.u32 s27, $0x1;
	_ =	strace $0x8000004F;
	[dreg:$0x1] =	wrdreg $0xFFFFFFFF  }
0x2e: {  	s28 =	simm.s32 $_size_execute0_lowered;
	s3 =	sadd.s32 s3, s5;
	[dreg:$0x0] =	wrdreg $0x0  }
0x2f: {  	s5 =	sshll.u32 s28, $0x1;
	[dreg:$0x2] =	wrdreg s3  }
0x30: {  	[dreg:$0x3] =	wrdreg s5  }
0x31: {  	[dreg:$0x4] =	wrdreg $0xC0  }
0x32: {  	_ =	task [dreg:s23], $0x5FFFF  }
0x33: {  	[dreg:$0x1] =	wrdreg $0xFFFFFFFF  }
0x34: {  	[dreg:$0x0] =	wrdreg $0x60  }
0x35: {  	[dreg:$0x2] =	wrdreg s25  }
0x36: {  	[dreg:$0x3] =	wrdreg $0xC  }
0x37: {  	_ =	task.clear_ibuf [dreg:s23], $0x4FFFF;
	_ =	strace $0x9000004F  }
0x38: {  	s29 =	simm.s32 $0xC;
	_ =	strace $0x80000051  }
0x39: {  	_ =	swait.ge [sflag:s29], $0x1  }
0x3a: {  	[sflag:s29] =	ssyncadd.s32 $0xFFFFFFFF  }
0x3b: {  	_ =	strace $0x90000051  }
0x3c: {  	_ =	sfence  }
0x3d: {  	s30 =	sld [smem:$0x0];
	_ =	sdelay $0x2  }
0x3e: {  	s31 =	sshll.u32 s1, $0xD;
	s1 =	sshrl.u32 s1, $0x2  }
0x3f: {  	s4 =	sand.u32 $0x4000, s31;
	s1 =	sadd.s32 s1, s30  }
0x40: {  	s0 =	sor.u32 s4, s0;
	s1 =	sshll.u32 s1, $0x11  }
0x41: {  	s0 =	sor.u32 s1, s0  }
0x42: {  	s0 =	sadd.s32 $0x8F2B, s0  }
0x43: {  	[sflag:s0] =	ssyncadd.remote.s32 $0x1  }
0x44: {  	_ =	sfence.sel $0xFFFF  }
0x45: {  	[dreg:$0x0] =	wrdreg $0xFFFFFFFF;
	(pc) =	sbr.abs _section_cstart, $3  }
0x46: {  	[dreg:$0x1] =	wrdreg $0xFFFFFFFF  }
0x47: {  	_ =	task.clear_ibuf [dreg:s23], $0x2FFFF;
	_ =	strace $0x9FFFFFFF  }
0x48: {  	(tm) =	ssettm $0x7FFFFFFF  }
0x49: {  	_ =	shalt  }
tec
execute0_lowered:
.L_overlay_start_1:
0x0: {  	(tag) =	ssettag $0x1  }
0x1: {  	s0 =	srdreg.scid;
	s5 =	rddreg [dreg:$0x0];
	s4 =	simm.s32 $0x1  }
0x2: {  	s8 =	simm.s32 $0x2;
	s13 =	simm.s32 $0x0;
	s1 =	sshll.u32 s0, $0x4  }
0x3: {  	s14 =	simm.s32 $0x0;
	s0 =	stileid.u32;
	s1 =	sand.u32 $0x10, s1  }
0x4: {  	s15 =	simm.s32 $0x0;
	s10 =	simm.s32 $0x0;
	s2 =	sor.u32 s0, s1  }
0x5: {  	s11 =	simm.s32 $0x0;
	s3 =	sadd.s32 $0xA347200, s5;
	s2 =	sshll.u32 s2, $0x9  }
0x6: {  	s12 =	simm.s32 $0x0;
	s5 =	sadd.s32 $0xA961A00, s5;
	s6 =	ssub.s32 $0x186A00, s2  }
.Ltmp0:
0x7: {  	s1 =	rddreg [dreg:$0x1];
	s7 =	sand.u32 $0x3E00, s6;
	(pc) =	sbr.rel .LBB1_1-.Ltmp0, $4  }
0x8: {  	_ =	strace $0x80000050;
	p0 =	sne.s32 s7, $0x0;
	s7 =	simm.s32 $0x1  }
0x9: {  	[sflag:s4] =	ssyncpa.u1 $0x0;
	s6 =	sshrl.u32 s6, $0xE;
	s7 =	simm.s32 @!p0 $0x0  }
0xa: {  	[sflag:s8] =	ssyncpa.u1 $0x0;
	s8 =	simm.s32 $0x80;
	s6 =	sadd.s32 s7, s6  }
0xb: {  	s9 =	smov.u32 s2;
	p0 =	por $0x0, $0x0;
	s7 =	sadd.s32 $0x1, s6  }
.LBB1_7:
0xc: {  	s16 =	sadd.s32 $0x4000, s9  }
0xd: {  	s13 =	sadd.s32 $0x10, s10;
	s17 =	smov.u32 s10;
	p2 =	sgt.s32 s16, $0x1869FF  }
0xe: {  	s17 =	smov.u32 @p2 s13  }
0xf: {  	s19 =	smov.u32 s11;
	s13 =	sadd.s32 $0x2, s11;
	p3 =	sgt.s32 s17, $0xB  }
0x10: {  	s19 =	smov.u32 @p3 s13  }
0x11: {  	s16 =	smov.u32 @p2 s2;
	p2 =	sgt.s32 s19, $0x1  }
0x12: {  	p1 =	slt.u32 s12, $0x2;
	s19 =	simm.s32 @p2 $0x0;
	p2 =	sne.s32 s12, s7  }
.Ltmp1:
0x13: {  	s18 =	simm.s32 @!p1 $0x2;
	(pc) =	sbr.rel @!p2 .LBB1_8-.Ltmp1, $4  }
0x14: {  	s14 =	smov.u32 s10;
	s15 =	smov.u32 s11;
	_ =	swait.ge @!p1 [sflag:s18], $0x4000  }
0x15: {  	p0 =	por !p0, !p0;
	[sflag:s18] =	ssyncset.done @!p1 $0x0;
	s17 =	simm.s32 @p3 $0x0  }
0x16: {  	s13 =	smov.u32 s9;
	[sflag:s18] =	ssyncadd.s32 @!p1 $0xFFFFC000;
	s9 =	smov.u32 s16  }
0x17: {  	s10 =	smov.u32 s17;
	s12 =	sadd.s32 $0x1, s12;
	s11 =	smov.u32 s19  }
.LBB1_1:
0x18: {  	p1 =	sge.u32 s12, s6  }
0x19: {  	s16 =	sshrl.u32 @!p1 s10, $0x3  }
0x1a: {  	s17 =	sshll.u32 @!p1 s9, $0x3;
	s16 =	smul.u32 @!p1 $0xC35000, s16  }
0x1b: {  	s18 =	sshll.u32 @!p1 s10, $0x7;
	s17 =	sand.u32 @!p1 $0xFFFFFC00, s17  }
0x1c: {  	s16 =	sadd.s32 @!p1 s16, s17;
	s17 =	sand.u32 @!p1 $0x380, s18  }
0x1d: {  	s16 =	sor.u32 @!p1 s17, s16  }
0x1e: {  	s17 =	sshrl.u32 @!p1 s16, $0x9  }
0x1f: {  	s17 =	smulhi.u32 @!p1 $0xA7C5AD, s17;
	_ =	sdelay $0x1  }
0x20: {  	s31 =	sadd.s32 $0xFFFFFFFF, s12;
	s17 =	sshrl.u32 @!p1 s17, $0x3  }
0x21: {  	s19 =	sand.u32 @!p1 $0x7F, s9;
	s18 =	sxor.u32 @!p1 $0xFFFFFFFF, s12;
	s20 =	smul.u32 @!p1 $0x186A00, s17  }
0x22: {  	s16 =	sor.u32 @!p1 s19, s16;
	s19 =	smul.u32 @!p1 $0x30D400, s11;
	s17 =	sand.u32 @!p1 $0xF, s17  }
0x23: {  	s18 =	sshll.u32 @!p1 s18, $0xE;
	s17 =	smul.u32 @!p1 $0x30D40, s17;
	s16 =	ssub.s32 @!p1 s16, s20  }
0x24: {  	s18 =	sand.u32 @!p1 $0x4000, s18;
	s19 =	sadd.s32 @!p1 s3, s19;
	s20 =	sand.u32 @!p1 $0x7, s16  }
0x25: {  	s16 =	sshrl.u32 @!p1 s16, $0x3;
	s17 =	sadd.s32 @!p1 s17, s19;
	s19 =	sshll.u32 @!p1 s20, $0x12  }
0x26: {  	s16 =	sadd.s32 @!p1 s16, s17;
	s17 =	sor.u32 @!p1 $0x1000, s19;
	s19 =	simm.s32 @!p1 $0xC35000  }
0x27: {  	[tilespmem:s18], [sflag:$0x1] =	stream.strided.gather @!p1 [hbm4b:s16+s17], $0x4000, s19, s17, $0x38;
	[tilespmem:$0x10800] =	vst v63  }
0x28: {  	p1 =	sge.u32 s31, s6  }
.Ltmp2:
0x29: {  	_ = 	snop;
	(pc) =	sbr.rel @p1 .LBB1_7-.Ltmp2, $1  }
0x2a: {  	_ =	sdelay $0x3  }
0x2b: {  	s16 =	simm.s32 $0x1;
	s17 =	sand.u32 $0x1, s12  }
0x2c: {  	s16 =	simm.s32 @!p0 $0x0;
	s18 =	smul.u32 $0x11000, s17  }
0x2d: {  	_ =	swait.ge [sflag:s4], $0x4000;
	p2 =	por $0x1, $0x1;
	s16 =	smul.u32 $0x11000, s16  }
0x2e: {  	s21 =	simm.s32 $0x0;
	[sflag:s4] =	ssyncset.done $0x0;
	s17 =	sshll.u32 s17, $0xE  }
0x2f: {  	[sflag:s4] =	ssyncadd.s32 $0xFFFFC000;
	s18 =	sshrl.u32 s18, $0x2;
	s19 =	sshrl.u32 s16, $0x2  }
0x30: {  	s16 =	sor.u32 $0x8000, s18;
	s18 =	sor.u32 $0x8000, s19;
	s19 =	simm.s32 $0x0  }
.LBB1_3:
0x31: {  	s20 =	sshll.u32 s21, $0xD  }
0x32: {  	s29 =	sand.u32 $0x1000, s19;
	s30 =	sand.u32 $0x380, s19;
	v1 =	vmov s20  }
0x33: {  	s22 =	sadd.s32 s20, s17;
	s20 =	sor.u32 s30, s29  }
0x34: {  	v0 =	vmov s22;
	s22 =	sand.u32 $0x1200, s20  }
0x35: {  	s23 =	sand.u32 $0x180, s19;
	s22 =	sadd.s32 s22, s17  }
0x36: {  	s23 =	sadd.s32 s23, s22  }
0x37: {  	v5 =	vld.idx.msk [tilespmem:v1+s23+$0xC00 ss:$0x1], $0xffff  }
0x38: {  	v6 =	vld.idx.msk [tilespmem:v1+s23+$0x0 ss:$0x1], $0xffff  }
0x39: {  	v7 =	vld.idx.msk [tilespmem:v1+s23+$0x10 ss:$0x1], $0xffff  }
0x3a: {  	v8 =	vld.idx.msk [tilespmem:v1+s23+$0x20 ss:$0x1], $0xffff  }
0x3b: {  	s31 =	sand.u32 $0x1, s21;
	v9 =	vld.idx.msk [tilespmem:v1+s23+$0x30 ss:$0x1], $0xffff  }
0x3c: {  	s21 =	simm.s32 $0x11;
	p1 =	seq.s32 s31, $0x1;
	v10 =	vld.idx.msk [tilespmem:v1+s23+$0x40 ss:$0x1], $0xffff  }
0x3d: {  	s21 =	simm.s32 @!p1 $0x0;
	v11 =	vld.idx.msk [tilespmem:v1+s23+$0x50 ss:$0x1], $0xffff  }
0x3e: {  	s21 =	sadd.s32 s21, s18;
	v2 =	vld.idx.msk [tilespmem:v0+s20+$0x410 ss:$0x1], $0xffff  }
0x3f: {  	s22 =	sadd.s32 $0x0, s21;
	v3 =	vld.idx.msk [tilespmem:v0+s20+$0x420 ss:$0x1], $0xffff  }
0x40: {  	v4 =	vld.idx.msk [tilespmem:v0+s20+$0x430 ss:$0x1], $0xffff;
	[tilespmem:s22+$0x3300 ss:$0x22] =	vst.msk $0xffff, v5  }
0x41: {  	v12 =	vld.idx.msk [tilespmem:v0+s20+$0x810 ss:$0x1], $0xffff;
	[tilespmem:s22+$0x0 ss:$0x22] =	vst.msk $0xffff, v6  }
0x42: {  	v13 =	vld.idx.msk [tilespmem:v0+s20+$0x820 ss:$0x1], $0xffff;
	[tilespmem:s22+$0x220 ss:$0x22] =	vst.msk $0xffff, v7  }
0x43: {  	v14 =	vld.idx.msk [tilespmem:v0+s20+$0x830 ss:$0x1], $0xffff;
	[tilespmem:s22+$0x440 ss:$0x22] =	vst.msk $0xffff, v8  }
0x44: {  	v15 =	vld.idx.msk [tilespmem:v0+s20+$0x840 ss:$0x1], $0xffff;
	[tilespmem:s22+$0x660 ss:$0x22] =	vst.msk $0xffff, v9  }
0x45: {  	v5 =	vld.idx.msk [tilespmem:v1+s23+$0x60 ss:$0x1], $0xffff;
	[tilespmem:s22+$0x880 ss:$0x22] =	vst.msk $0xffff, v10  }
0x46: {  	v6 =	vld.idx.msk [tilespmem:v1+s23+$0x70 ss:$0x1], $0xffff;
	[tilespmem:s22+$0xAA0 ss:$0x22] =	vst.msk $0xffff, v11  }
0x47: {  	v7 =	vld.idx.msk [tilespmem:v1+s23+$0x400 ss:$0x1], $0xffff;
	[tilespmem:s22+$0x1320 ss:$0x22] =	vst.msk $0xffff, v2  }
0x48: {  	v8 =	vld.idx.msk [tilespmem:v1+s23+$0x800 ss:$0x1], $0xffff;
	[tilespmem:s22+$0x1540 ss:$0x22] =	vst.msk $0xffff, v3  }
0x49: {  	v10 =	vld.idx.msk [tilespmem:v0+s20+$0x440 ss:$0x1], $0xffff;
	[tilespmem:s22+$0x1760 ss:$0x22] =	vst.msk $0xffff, v4  }
0x4a: {  	v11 =	vld.idx.msk [tilespmem:v0+s20+$0x450 ss:$0x1], $0xffff;
	[tilespmem:s22+$0x2420 ss:$0x22] =	vst.msk $0xffff, v12  }
0x4b: {  	v9 =	vld.idx.msk [tilespmem:v0+s20+$0x850 ss:$0x1], $0xffff;
	[tilespmem:s22+$0x2640 ss:$0x22] =	vst.msk $0xffff, v13  }
0x4c: {  	v2 =	vld.idx.msk [tilespmem:v0+s20+$0xC20 ss:$0x1], $0xffff;
	[tilespmem:s22+$0x2860 ss:$0x22] =	vst.msk $0xffff, v14  }
0x4d: {  	v3 =	vld.idx.msk [tilespmem:v0+s20+$0xC30 ss:$0x1], $0xffff;
	[tilespmem:s22+$0x2A80 ss:$0x22] =	vst.msk $0xffff, v15  }
0x4e: {  	v4 =	vld.idx.msk [tilespmem:v0+s20+$0xC40 ss:$0x1], $0xffff;
	[tilespmem:s22+$0xCC0 ss:$0x22] =	vst.msk $0xffff, v5  }
0x4f: {  	v5 =	vld.idx.msk [tilespmem:v0+s20+$0x460 ss:$0x1], $0xffff;
	[tilespmem:s22+$0xEE0 ss:$0x22] =	vst.msk $0xffff, v6  }
0x50: {  	v6 =	vld.idx.msk [tilespmem:v0+s20+$0x470 ss:$0x1], $0xffff;
	[tilespmem:s22+$0x1100 ss:$0x22] =	vst.msk $0xffff, v7  }
0x51: {  	[tilespmem:s22+$0x2200 ss:$0x22] =	vst.msk $0xffff, v8;
	v8 =	vld.idx.msk [tilespmem:v0+s20+$0x860 ss:$0x1], $0xffff  }
0x52: {  	[tilespmem:s22+$0x1980 ss:$0x22] =	vst.msk $0xffff, v10;
	v7 =	vld.idx.msk [tilespmem:v0+s20+$0x870 ss:$0x1], $0xffff  }
0x53: {  	s25 =	simm.s32 $0x200;
	[tilespmem:s22+$0x1BA0 ss:$0x22] =	vst.msk $0xffff, v11;
	v10 =	vld.idx.msk [tilespmem:v0+s20+$0xC60 ss:$0x1], $0xffff  }
0x54: {  	s24 =	simm.s32 $0x80;
	s26 =	simm.s32 $0x8;
	s27 =	sand.u32 $0x1000, s25;
	[tilespmem:s22+$0x1DC0 ss:$0x22] =	vst.msk $0xffff, v5;
	v5 =	vld.idx.msk [tilespmem:v0+s20+$0xC10 ss:$0x1], $0xffff  }
0x55: {  	s28 =	sand.u32 $0x380, s24;
	p1 =	por p2, p2;
	s23 =	simm.s32 $0x4;
	[tilespmem:s22+$0x1FE0 ss:$0x22] =	vst.msk $0xffff, v6;
	v6 =	vld.idx.msk [tilespmem:v0+s20+$0xC50 ss:$0x1], $0xffff  }
.LBB1_4:
0x56: {  	p2 =	sne.s32 s26, $0x3C;
	[tilespmem:s22+$0x2CA0 ss:$0x22] =	vst.msk $0xffff, v9;
	v9 =	vld.idx.msk [tilespmem:v0+s20+$0xC70 ss:$0x1], $0xffff;
	s20 =	sor.u32 s28, s27  }
0x57: {  	s27 =	sand.u32 $0x1200, s20;
	v11 =	vld.idx.msk [tilespmem:v0+s20+$0x410 ss:$0x1], $0xffff;
	[tilespmem:s22+$0x2EC0 ss:$0x22] =	vst.msk $0xffff, v8  }
0x58: {  	s28 =	sand.u32 $0x180, s24;
	s27 =	sadd.s32 s27, s17;
	v8 =	vld.idx.msk [tilespmem:v0+s20+$0x420 ss:$0x1], $0xffff;
	[tilespmem:s22+$0x30E0 ss:$0x22] =	vst.msk $0xffff, v7  }
0x59: {  	s27 =	sadd.s32 s28, s27;
	v7 =	vld.idx.msk [tilespmem:v0+s20+$0x430 ss:$0x1], $0xffff;
	[tilespmem:s22+$0x3520 ss:$0x22] =	vst.msk $0xffff, v5  }
0x5a: {  	v5 =	vld.idx.msk [tilespmem:v1+s27+$0xC00 ss:$0x1], $0xffff;
	[tilespmem:s22+$0x3740 ss:$0x22] =	vst.msk $0xffff, v2  }
0x5b: {  	v2 =	vld.idx.msk [tilespmem:v1+s27+$0x0 ss:$0x1], $0xffff;
	[tilespmem:s22+$0x3960 ss:$0x22] =	vst.msk $0xffff, v3  }
0x5c: {  	v3 =	vld.idx.msk [tilespmem:v1+s27+$0x10 ss:$0x1], $0xffff;
	[tilespmem:s22+$0x3B80 ss:$0x22] =	vst.msk $0xffff, v4  }
0x5d: {  	v4 =	vld.idx.msk [tilespmem:v1+s27+$0x20 ss:$0x1], $0xffff;
	[tilespmem:s22+$0x3DA0 ss:$0x22] =	vst.msk $0xffff, v6  }
0x5e: {  	s28 =	sshra.s32 s23, $0x2;
	s23 =	smov.u32 s26;
	v6 =	vld.idx.msk [tilespmem:v1+s27+$0x30 ss:$0x1], $0xffff;
	[tilespmem:s22+$0x3FC0 ss:$0x22] =	vst.msk $0xffff, v10  }
0x5f: {  	v10 =	vld.idx.msk [tilespmem:v1+s27+$0x40 ss:$0x1], $0xffff;
	[tilespmem:s22+$0x41E0 ss:$0x22] =	vst.msk $0xffff, v9;
	s22 =	sadd.s32 s28, s21  }
0x60: {  	v9 =	vld.idx.msk [tilespmem:v1+s27+$0x50 ss:$0x1], $0xffff;
	[tilespmem:s22+$0x3300 ss:$0x22] =	vst.msk $0xffff, v5  }
0x61: {  	[tilespmem:s22+$0x0 ss:$0x22] =	vst.msk $0xffff, v2;
	v2 =	vld.idx.msk [tilespmem:v1+s27+$0x60 ss:$0x1], $0xffff  }
0x62: {  	[tilespmem:s22+$0x220 ss:$0x22] =	vst.msk $0xffff, v3;
	v3 =	vld.idx.msk [tilespmem:v1+s27+$0x70 ss:$0x1], $0xffff  }
0x63: {  	[tilespmem:s22+$0x440 ss:$0x22] =	vst.msk $0xffff, v4;
	v4 =	vld.idx.msk [tilespmem:v1+s27+$0x400 ss:$0x1], $0xffff  }
0x64: {  	[tilespmem:s22+$0x660 ss:$0x22] =	vst.msk $0xffff, v6;
	v5 =	vld.idx.msk [tilespmem:v1+s27+$0x800 ss:$0x1], $0xffff  }
0x65: {  	[tilespmem:s22+$0x880 ss:$0x22] =	vst.msk $0xffff, v10;
	v6 =	vld.idx.msk [tilespmem:v0+s20+$0x440 ss:$0x1], $0xffff  }
0x66: {  	[tilespmem:s22+$0xAA0 ss:$0x22] =	vst.msk $0xffff, v9;
	v10 =	vld.idx.msk [tilespmem:v0+s20+$0x450 ss:$0x1], $0xffff  }
0x67: {  	[tilespmem:s22+$0xCC0 ss:$0x22] =	vst.msk $0xffff, v2;
	v2 =	vld.idx.msk [tilespmem:v0+s20+$0x460 ss:$0x1], $0xffff  }
0x68: {  	[tilespmem:s22+$0xEE0 ss:$0x22] =	vst.msk $0xffff, v3;
	v3 =	vld.idx.msk [tilespmem:v0+s20+$0x470 ss:$0x1], $0xffff  }
0x69: {  	[tilespmem:s22+$0x1100 ss:$0x22] =	vst.msk $0xffff, v4;
	v4 =	vld.idx.msk [tilespmem:v0+s20+$0x810 ss:$0x1], $0xffff  }
0x6a: {  	[tilespmem:s22+$0x2200 ss:$0x22] =	vst.msk $0xffff, v5;
	v12 =	vld.idx.msk [tilespmem:v0+s20+$0x820 ss:$0x1], $0xffff  }
0x6b: {  	[tilespmem:s22+$0x1320 ss:$0x22] =	vst.msk $0xffff, v11;
	v11 =	vld.idx.msk [tilespmem:v0+s20+$0x830 ss:$0x1], $0xffff  }
0x6c: {  	[tilespmem:s22+$0x1540 ss:$0x22] =	vst.msk $0xffff, v8;
	v13 =	vld.idx.msk [tilespmem:v0+s20+$0x840 ss:$0x1], $0xffff  }
0x6d: {  	[tilespmem:s22+$0x1760 ss:$0x22] =	vst.msk $0xffff, v7;
	v9 =	vld.idx.msk [tilespmem:v0+s20+$0x850 ss:$0x1], $0xffff  }
0x6e: {  	[tilespmem:s22+$0x1980 ss:$0x22] =	vst.msk $0xffff, v6;
	v8 =	vld.idx.msk [tilespmem:v0+s20+$0x860 ss:$0x1], $0xffff  }
0x6f: {  	[tilespmem:s22+$0x1BA0 ss:$0x22] =	vst.msk $0xffff, v10;
	v7 =	vld.idx.msk [tilespmem:v0+s20+$0x870 ss:$0x1], $0xffff  }
0x70: {  	[tilespmem:s22+$0x1DC0 ss:$0x22] =	vst.msk $0xffff, v2;
	v5 =	vld.idx.msk [tilespmem:v0+s20+$0xC10 ss:$0x1], $0xffff  }
.Ltmp3:
0x71: {  	[tilespmem:s22+$0x1FE0 ss:$0x22] =	vst.msk $0xffff, v3;
	v2 =	vld.idx.msk [tilespmem:v0+s20+$0xC20 ss:$0x1], $0xffff;
	(pc) =	sbr.rel @p2 .LBB1_4-.Ltmp3, $4  }
0x72: {  	[tilespmem:s22+$0x2420 ss:$0x22] =	vst.msk $0xffff, v4;
	v3 =	vld.idx.msk [tilespmem:v0+s20+$0xC30 ss:$0x1], $0xffff  }
0x73: {  	[tilespmem:s22+$0x2640 ss:$0x22] =	vst.msk $0xffff, v12;
	v4 =	vld.idx.msk [tilespmem:v0+s20+$0xC40 ss:$0x1], $0xffff  }
0x74: {  	s24 =	sadd.s32 $0x80, s24;
	s25 =	sadd.s32 $0x200, s25;
	[tilespmem:s22+$0x2860 ss:$0x22] =	vst.msk $0xffff, v11;
	v6 =	vld.idx.msk [tilespmem:v0+s20+$0xC50 ss:$0x1], $0xffff  }
0x75: {  	s26 =	sadd.s32 $0x4, s26;
	s28 =	sand.u32 $0x380, s24;
	s27 =	sand.u32 $0x1000, s25;
	[tilespmem:s22+$0x2A80 ss:$0x22] =	vst.msk $0xffff, v13;
	v10 =	vld.idx.msk [tilespmem:v0+s20+$0xC60 ss:$0x1], $0xffff  }
0x76: {  	[tilespmem:s22+$0x2CA0 ss:$0x22] =	vst.msk $0xffff, v9  }
0x77: {  	[tilespmem:s22+$0x2EC0 ss:$0x22] =	vst.msk $0xffff, v8  }
0x78: {  	[tilespmem:s22+$0x30E0 ss:$0x22] =	vst.msk $0xffff, v7  }
0x79: {  	[tilespmem:s22+$0x3520 ss:$0x22] =	vst.msk $0xffff, v5  }
0x7a: {  	s25 =	sor.u32 s28, s27;
	v31 =	vld.idx.msk [tilespmem:v0+s20+$0xC70 ss:$0x1], $0xffff;
	[tilespmem:s22+$0x3740 ss:$0x22] =	vst.msk $0xffff, v2  }
0x7b: {  	[tilespmem:s22+$0x3960 ss:$0x22] =	vst.msk $0xffff, v3;
	v43 =	vld.idx.msk [tilespmem:v0+s25+$0x410 ss:$0x1], $0xffff  }
0x7c: {  	v44 =	vld.idx.msk [tilespmem:v0+s25+$0x420 ss:$0x1], $0xffff;
	[tilespmem:s22+$0x3B80 ss:$0x22] =	vst.msk $0xffff, v4  }
0x7d: {  	v45 =	vld.idx.msk [tilespmem:v0+s25+$0x430 ss:$0x1], $0xffff;
	[tilespmem:s22+$0x3DA0 ss:$0x22] =	vst.msk $0xffff, v6  }
0x7e: {  	s23 =	sshra.s32 s23, $0x2;
	v46 =	vld.idx.msk [tilespmem:v0+s25+$0x440 ss:$0x1], $0xffff;
	[tilespmem:s22+$0x3FC0 ss:$0x22] =	vst.msk $0xffff, v10  }
0x7f: {  	s21 =	sadd.s32 s23, s21;
	v47 =	vld.idx.msk [tilespmem:v0+s25+$0x450 ss:$0x1], $0xffff;
	[tilespmem:s22+$0x41E0 ss:$0x22] =	vst.msk $0xffff, v31  }
0x80: {  	v48 =	vld.idx.msk [tilespmem:v0+s25+$0x460 ss:$0x1], $0xffff;
	[tilespmem:s21+$0x1320 ss:$0x22] =	vst.msk $0xffff, v43  }
0x81: {  	v49 =	vld.idx.msk [tilespmem:v0+s25+$0x470 ss:$0x1], $0xffff;
	[tilespmem:s21+$0x1540 ss:$0x22] =	vst.msk $0xffff, v44  }
0x82: {  	v50 =	vld.idx.msk [tilespmem:v0+s25+$0x810 ss:$0x1], $0xffff;
	[tilespmem:s21+$0x1760 ss:$0x22] =	vst.msk $0xffff, v45  }
0x83: {  	v51 =	vld.idx.msk [tilespmem:v0+s25+$0x820 ss:$0x1], $0xffff;
	[tilespmem:s21+$0x1980 ss:$0x22] =	vst.msk $0xffff, v46  }
0x84: {  	v52 =	vld.idx.msk [tilespmem:v0+s25+$0x830 ss:$0x1], $0xffff;
	[tilespmem:s21+$0x1BA0 ss:$0x22] =	vst.msk $0xffff, v47  }
0x85: {  	v53 =	vld.idx.msk [tilespmem:v0+s25+$0x840 ss:$0x1], $0xffff;
	[tilespmem:s21+$0x1DC0 ss:$0x22] =	vst.msk $0xffff, v48  }
0x86: {  	v54 =	vld.idx.msk [tilespmem:v0+s25+$0x850 ss:$0x1], $0xffff;
	[tilespmem:s21+$0x1FE0 ss:$0x22] =	vst.msk $0xffff, v49  }
0x87: {  	v55 =	vld.idx.msk [tilespmem:v0+s25+$0x860 ss:$0x1], $0xffff;
	[tilespmem:s21+$0x2420 ss:$0x22] =	vst.msk $0xffff, v50  }
0x88: {  	v56 =	vld.idx.msk [tilespmem:v0+s25+$0x870 ss:$0x1], $0xffff;
	[tilespmem:s21+$0x2640 ss:$0x22] =	vst.msk $0xffff, v51  }
0x89: {  	v57 =	vld.idx.msk [tilespmem:v0+s25+$0xC10 ss:$0x1], $0xffff;
	[tilespmem:s21+$0x2860 ss:$0x22] =	vst.msk $0xffff, v52  }
0x8a: {  	v58 =	vld.idx.msk [tilespmem:v0+s25+$0xC20 ss:$0x1], $0xffff;
	[tilespmem:s21+$0x2A80 ss:$0x22] =	vst.msk $0xffff, v53  }
0x8b: {  	v59 =	vld.idx.msk [tilespmem:v0+s25+$0xC30 ss:$0x1], $0xffff;
	[tilespmem:s21+$0x2CA0 ss:$0x22] =	vst.msk $0xffff, v54  }
0x8c: {  	v60 =	vld.idx.msk [tilespmem:v0+s25+$0xC40 ss:$0x1], $0xffff;
	[tilespmem:s21+$0x2EC0 ss:$0x22] =	vst.msk $0xffff, v55  }
0x8d: {  	s26 =	sand.u32 $0x1200, s25;
	v61 =	vld.idx.msk [tilespmem:v0+s25+$0xC50 ss:$0x1], $0xffff;
	[tilespmem:s21+$0x30E0 ss:$0x22] =	vst.msk $0xffff, v56  }
0x8e: {  	s24 =	sand.u32 $0x180, s24;
	v62 =	vld.idx.msk [tilespmem:v0+s25+$0xC60 ss:$0x1], $0xffff;
	s26 =	sadd.s32 s26, s17;
	[tilespmem:s21+$0x3520 ss:$0x22] =	vst.msk $0xffff, v57  }
0x8f: {  	v63 =	vld.idx.msk [tilespmem:v0+s25+$0xC70 ss:$0x1], $0xffff;
	s31 =	sadd.s32 s24, s26;
	[tilespmem:s21+$0x3740 ss:$0x22] =	vst.msk $0xffff, v58  }
0x90: {  	v32 =	vld.idx.msk [tilespmem:v1+s31+$0xC00 ss:$0x1], $0xffff;
	[tilespmem:s21+$0x3960 ss:$0x22] =	vst.msk $0xffff, v59  }
0x91: {  	v33 =	vld.idx.msk [tilespmem:v1+s31+$0x0 ss:$0x1], $0xffff;
	[tilespmem:s21+$0x3B80 ss:$0x22] =	vst.msk $0xffff, v60  }
0x92: {  	v34 =	vld.idx.msk [tilespmem:v1+s31+$0x10 ss:$0x1], $0xffff;
	[tilespmem:s21+$0x3DA0 ss:$0x22] =	vst.msk $0xffff, v61  }
0x93: {  	v35 =	vld.idx.msk [tilespmem:v1+s31+$0x20 ss:$0x1], $0xffff;
	[tilespmem:s21+$0x3FC0 ss:$0x22] =	vst.msk $0xffff, v62  }
0x94: {  	v36 =	vld.idx.msk [tilespmem:v1+s31+$0x30 ss:$0x1], $0xffff;
	[tilespmem:s21+$0x41E0 ss:$0x22] =	vst.msk $0xffff, v63  }
0x95: {  	v37 =	vld.idx.msk [tilespmem:v1+s31+$0x40 ss:$0x1], $0xffff;
	[tilespmem:s21+$0x3300 ss:$0x22] =	vst.msk $0xffff, v32  }
0x96: {  	v38 =	vld.idx.msk [tilespmem:v1+s31+$0x50 ss:$0x1], $0xffff;
	[tilespmem:s21+$0x0 ss:$0x22] =	vst.msk $0xffff, v33  }
0x97: {  	v39 =	vld.idx.msk [tilespmem:v1+s31+$0x60 ss:$0x1], $0xffff;
	[tilespmem:s21+$0x220 ss:$0x22] =	vst.msk $0xffff, v34  }
0x98: {  	v40 =	vld.idx.msk [tilespmem:v1+s31+$0x70 ss:$0x1], $0xffff;
	[tilespmem:s21+$0x440 ss:$0x22] =	vst.msk $0xffff, v35  }
0x99: {  	v41 =	vld.idx.msk [tilespmem:v1+s31+$0x400 ss:$0x1], $0xffff;
	[tilespmem:s21+$0x660 ss:$0x22] =	vst.msk $0xffff, v36  }
0x9a: {  	v42 =	vld.idx.msk [tilespmem:v1+s31+$0x800 ss:$0x1], $0xffff;
	[tilespmem:s21+$0x880 ss:$0x22] =	vst.msk $0xffff, v37  }
.Ltmp4:
0x9b: {  	[tilespmem:s21+$0xAA0 ss:$0x22] =	vst.msk $0xffff, v38;
	(pc) =	sbr.rel @p1 .LBB1_3-.Ltmp4, $4  }
0x9c: {  	[tilespmem:s21+$0xCC0 ss:$0x22] =	vst.msk $0xffff, v39  }
0x9d: {  	[tilespmem:s21+$0xEE0 ss:$0x22] =	vst.msk $0xffff, v40  }
0x9e: {  	[tilespmem:s21+$0x1100 ss:$0x22] =	vst.msk $0xffff, v41  }
0x9f: {  	p2 =	por $0x0, $0x0;
	[tilespmem:s21+$0x2200 ss:$0x22] =	vst.msk $0xffff, v42;
	s21 =	simm.s32 $0x1  }
0xa0: {  	s15 =	sshll.u32 s15, $0x4  }
.Ltmp5:
0xa1: {  	s13 =	sshll.u32 s13, $0x5;
	s15 =	sand.u32 $0x10, s15;
	(pc) =	sbr.rel .LBB1_7-.Ltmp5, $4  }
0xa2: {  	s17 =	sshrl.u32 s14, $0x3;
	s31 =	sand.u32 $0x7, s14;
	s15 =	sadd.s32 s5, s15  }
0xa3: {  	s17 =	sand.u32 $0xF, s17;
	s14 =	sshll.u32 s31, $0x12;
	s13 =	sadd.s32 s13, s15  }
0xa4: {  	s14 =	sor.u32 $0x10, s14;
	s13 =	sadd.s32 s17, s13  }
0xa5: {  	[hbm4b:s13+s14] =	stream.strided.scatter [tilespmem:s16], [sflag:$0x2], $0x4000, s8, s14, $0x8;
	[tilespmem:$0x10800] =	vst v63  }
.LBB1_8:
0xa6: {  	_ =	sfence.sel $0x180000  }
0xa7: {  	s2 =	simm.s32 $0x1;
	[bflag:$0x0] =	sbarrier.arrive $0xFFFF  }
0xa8: {  	s31 =	simm.s32 $0x2;
	[sflag:s2] =	ssyncpa.u1 $0x1  }
0xa9: {  	[sflag:s31] =	ssyncpa.u1 $0x1  }
0xaa: {  	p0 =	sne.s32 s0, $0x0;
	_ =	strace $0x90000050  }
0xab: {  	s0 =	sadd.s32 @!p0 $0x100000, s1;
	[bflag:$0x2] =	sbarrier.arrive $0xFFFF  }
0xac: {  	[sflag:s0] =	ssyncadd.tile.s32 @!p0 $0x1;
	_ =	shalt  }
.Lfunc_end1:
_tile_overlayer_lowered:
.L_overlay_start_2:
0xad: {  	(tag) =	ssettag $0x2  }
0xae: {  	s0 =	rddreg [dreg:$0x0];
	s2 =	stileid.u32  }
0xaf: {  	s1 =	rddreg [dreg:$0x1];
	p0 =	sne.s32 s2, $0x0  }
0xb0: {  	s3 =	rddreg [dreg:$0x2];
	[bflag:$0x3] =	sbarrier.arrive $0xFFFF;
	s2 =	simm.s32 @!p0 $0x1C01  }
0xb1: {  	[timem:s3], [sflag:s2] =	dma.local @!p0 [hbm:s0], s1  }
0xb2: {  	s0 =	simm.s32 @!p0 $0x1  }
0xb3: {  	_ =	swait.ge @!p0 [sflag:s0], s1  }
0xb4: {  	s1 =	ssub.s32 @!p0 $0x0, s1;
	[sflag:s0] =	ssyncset.done @!p0 $0x0  }
0xb5: {  	[sflag:s0] =	ssyncadd.s32 @!p0 s1  }
0xb6: {  	[bflag:$0x3] =	sbarrier.arrive $0xFFFF  }
0xb7: {  	_ =	shalt  }

// kernel: sparse-core-data-format-call.cloned.1.call-start
scs
called_computation_lowered:
.L_overlay_start_0:
0x0: {  	s1 =	sld [smem:$0x3FD9]  }
0x1: {  	s2 =	sld [smem:$0x3FFE];
	_ =	sdelay $0x1  }
0x2: {  	s3 =	srdreg.scid  }
0x3: {  	s0 =	sand.u32 $0x1, s3  }
0x4: {  	s17 =	sshll.u32 s0, $0xA;
	s1 =	sadd.s32 s2, s1  }
0x5: {  	s1 =	sadd.s32 s1, s17  }
0x6: {  	[smem:$0x3FC1] =	sst s1  }
0x7: {  	_ = 	snop  }
0x8: {  	(tm) =	ssettm $0x1  }
0x9: {  	s18 =	sld [smem:$0x3FFB];
	_ =	sdelay $0x3  }
0xa: {  	_ =	strace s18  }
0xb: {  	s1 =	sld [smem:$0x3FFC];
	_ =	sdelay $0x3  }
0xc: {  	_ =	strace s1  }
0xd: {  	s1 =	sld [smem:$0x3FFD];
	_ =	sdelay $0x3  }
0xe: {  	_ =	strace s1  }
0xf: {  	_ =	strace $0x8FFFFFFF  }
0x10: {  	s19 =	sld [smem:$0x3FDB];
	_ =	sdelay $0x1  }
0x11: {  	s20 =	simm.s32 $_scs_section_size  }
0x12: {  	s4 =	simm.s32 $_size__tile_overlayer_lowered;
	s5 =	simm.s32 $_tile_overlayer_lowered  }
0x13: {  	s23 =	simm.s32 $0x1BFF;
	s22 =	sshll.u32 s5, $0x1;
	s1 =	sadd.s32 s20, s19  }
0x14: {  	s6 =	simm.s32 $0x0;
	s21 =	sshll.u32 s4, $0x1;
	s4 =	sadd.s32 s22, s1  }
0x15: {  	[timem:s6], [sflag:s23] =	dma.local [hbm:s4], s21  }
0x16: {  	_ =	swait.ge [sflag:s23], s21  }
0x17: {  	s2 =	ssub.s32 $0x0, s21;
	[sflag:s23] =	ssyncset.done $0x0  }
0x18: {  	[sflag:s23] =	ssyncadd.s32 s2;
	_ =	sdelay $0x1  }
0x19: {  	s24 =	simm.s32 $0x1B8B  }
0x1a: {  	_ =	swait.ge [sflag:s24], $0x1  }
0x1b: {  	[sflag:s24] =	ssyncset.done $0x0  }
0x1c: {  	s26 =	simm.s32 $0x1B8E;
	s25 =	sld [smem:$0x3FFE];
	[sflag:s24] =	ssyncadd.s32 $0xFFFFFFFF  }
0x1d: {  	s27 =	simm.s32 $execute0_lowered;
	[smem:$0x3FD2] =	sst s26  }
0x1e: {  	s4 =	sshll.u32 s27, $0x1;
	_ =	strace $0x80000046;
	[dreg:$0x1] =	wrdreg $0xFFFFFFFF  }
0x1f: {  	s28 =	simm.s32 $_size_execute0_lowered;
	s1 =	sadd.s32 s1, s4;
	[dreg:$0x0] =	wrdreg $0x0  }
0x20: {  	s4 =	sshll.u32 s28, $0x1;
	[dreg:$0x2] =	wrdreg s1  }
0x21: {  	[dreg:$0x3] =	wrdreg s4  }
0x22: {  	[dreg:$0x4] =	wrdreg $0xC0  }
0x23: {  	_ =	task [dreg:s6], $0x5FFFF  }
0x24: {  	[dreg:$0x1] =	wrdreg $0xFFFFFFFF  }
0x25: {  	[dreg:$0x0] =	wrdreg $0x60  }
0x26: {  	[dreg:$0x2] =	wrdreg s25  }
0x27: {  	[dreg:$0x3] =	wrdreg $0x9  }
0x28: {  	_ =	task.clear_ibuf [dreg:s6], $0x4FFFF;
	_ =	strace $0x90000046  }
0x29: {  	s29 =	simm.s32 $0x9;
	_ =	strace $0x80000048  }
0x2a: {  	_ =	swait.ge [sflag:s29], $0x1  }
0x2b: {  	[sflag:s29] =	ssyncadd.s32 $0xFFFFFFFF  }
0x2c: {  	_ =	strace $0x90000048  }
0x2d: {  	_ =	sfence  }
0x2e: {  	s30 =	sld [smem:$0x0];
	_ =	sdelay $0x2  }
0x2f: {  	s31 =	sshll.u32 s3, $0xD;
	s3 =	sshrl.u32 s3, $0x2  }
0x30: {  	s2 =	sand.u32 $0x4000, s31;
	s1 =	sadd.s32 s3, s30  }
0x31: {  	s0 =	sor.u32 s2, s0;
	s1 =	sshll.u32 s1, $0x11  }
0x32: {  	s0 =	sor.u32 s1, s0  }
0x33: {  	s0 =	sadd.s32 $0x8F2B, s0  }
0x34: {  	[sflag:s0] =	ssyncadd.remote.s32 $0x1  }
0x35: {  	_ =	sfence.sel $0xFFFF  }
0x36: {  	[dreg:$0x0] =	wrdreg $0xFFFFFFFF;
	(pc) =	sbr.abs _section_cstart, $3  }
0x37: {  	[dreg:$0x1] =	wrdreg $0xFFFFFFFF  }
0x38: {  	_ =	task.clear_ibuf [dreg:s6], $0x2FFFF;
	_ =	strace $0x9FFFFFFF  }
0x39: {  	(tm) =	ssettm $0x7FFFFFFF  }
tec
execute0_lowered:
.L_overlay_start_1:
0x0: {  	(tag) =	ssettag $0x1  }
0x1: {  	s0 =	srdreg.scid;
	s5 =	rddreg [dreg:$0x0];
	s4 =	simm.s32 $0x1  }
0x2: {  	s8 =	simm.s32 $0x2;
	s13 =	simm.s32 $0x0;
	s1 =	sshll.u32 s0, $0x4  }
0x3: {  	s14 =	simm.s32 $0x0;
	s0 =	stileid.u32;
	s1 =	sand.u32 $0x10, s1  }
0x4: {  	s15 =	simm.s32 $0x0;
	s10 =	simm.s32 $0x0;
	s2 =	sor.u32 s0, s1  }
0x5: {  	s11 =	simm.s32 $0x0;
	s3 =	sadd.s32 $0x188E00, s5;
	s2 =	sshll.u32 s2, $0x9  }
0x6: {  	s12 =	simm.s32 $0x0;
	s5 =	sadd.s32 $0x30F800, s5;
	s6 =	ssub.s32 $0x186A00, s2  }
.Ltmp0:
0x7: {  	s1 =	rddreg [dreg:$0x1];
	s7 =	sand.u32 $0x3E00, s6;
	(pc) =	sbr.rel .LBB1_1-.Ltmp0, $4  }
0x8: {  	_ =	strace $0x80000047;
	p0 =	sne.s32 s7, $0x0;
	s7 =	simm.s32 $0x1  }
0x9: {  	[sflag:s4] =	ssyncpa.u1 $0x0;
	s6 =	sshrl.u32 s6, $0xE;
	s7 =	simm.s32 @!p0 $0x0  }
0xa: {  	[sflag:s8] =	ssyncpa.u1 $0x0;
	s8 =	simm.s32 $0x80;
	s6 =	sadd.s32 s7, s6  }
0xb: {  	s9 =	smov.u32 s2;
	p0 =	por $0x0, $0x0;
	s7 =	sadd.s32 $0x1, s6  }
.LBB1_7:
0xc: {  	s16 =	sadd.s32 $0x4000, s9  }
0xd: {  	s13 =	sadd.s32 $0x4, s10;
	s17 =	smov.u32 s10;
	p2 =	sgt.s32 s16, $0x1869FF  }
0xe: {  	s17 =	smov.u32 @p2 s13  }
0xf: {  	s19 =	smov.u32 s11;
	s13 =	sadd.s32 $0x2, s11;
	p3 =	sgt.s32 s17, $0x3  }
0x10: {  	s19 =	smov.u32 @p3 s13  }
0x11: {  	s16 =	smov.u32 @p2 s2;
	p2 =	sgt.s32 s19, $0x1  }
0x12: {  	p1 =	slt.u32 s12, $0x2;
	s19 =	simm.s32 @p2 $0x0;
	p2 =	sne.s32 s12, s7  }
.Ltmp1:
0x13: {  	s18 =	simm.s32 @!p1 $0x2;
	(pc) =	sbr.rel @!p2 .LBB1_8-.Ltmp1, $4  }
0x14: {  	s14 =	smov.u32 s10;
	s15 =	smov.u32 s11;
	_ =	swait.ge @!p1 [sflag:s18], $0x1000  }
0x15: {  	p0 =	por !p0, !p0;
	[sflag:s18] =	ssyncset.done @!p1 $0x0;
	s17 =	simm.s32 @p3 $0x0  }
0x16: {  	s13 =	smov.u32 s9;
	[sflag:s18] =	ssyncadd.s32 @!p1 $0xFFFFF000;
	s9 =	smov.u32 s16  }
0x17: {  	s10 =	smov.u32 s17;
	s12 =	sadd.s32 $0x1, s12;
	s11 =	smov.u32 s19  }
.LBB1_1:
0x18: {  	p1 =	sge.u32 s12, s6  }
0x19: {  	s16 =	sshrl.u32 @!p1 s10, $0x2  }
0x1a: {  	s17 =	sshll.u32 @!p1 s9, $0x2;
	s16 =	smul.u32 @!p1 $0x61A800, s16  }
0x1b: {  	s17 =	sand.u32 @!p1 $0xFFFFFE00, s17  }
0x1c: {  	s16 =	sadd.s32 @!p1 s16, s17  }
0x1d: {  	s17 =	sshrl.u32 @!p1 s16, $0x9  }
0x1e: {  	s17 =	smulhi.u32 @!p1 $0xA7C5AD, s17  }
0x1f: {  	s31 =	sadd.s32 $0xFFFFFFFF, s12;
	s18 =	sshll.u32 @!p1 s10, $0x7  }
0x20: {  	s19 =	sand.u32 @!p1 $0x7F, s9;
	s18 =	sand.u32 @!p1 $0x180, s18;
	s17 =	sshrl.u32 @!p1 s17, $0x3  }
0x21: {  	s20 =	sxor.u32 @!p1 $0xFFFFFFFF, s12;
	s18 =	sor.u32 @!p1 s19, s18;
	s19 =	smul.u32 @!p1 $0x186A00, s17  }
0x22: {  	s16 =	sor.u32 @!p1 s16, s18;
	s18 =	smul.u32 @!p1 $0xC3500, s11;
	s17 =	sand.u32 @!p1 $0x3, s17  }
0x23: {  	s20 =	sshll.u32 @!p1 s20, $0xC;
	s17 =	smul.u32 @!p1 $0x30D40, s17;
	s16 =	ssub.s32 @!p1 s16, s19  }
0x24: {  	s18 =	sadd.s32 @!p1 s3, s18;
	s19 =	sand.u32 @!p1 $0x1000, s20;
	s20 =	sand.u32 @!p1 $0x7, s16  }
0x25: {  	s16 =	sshrl.u32 @!p1 s16, $0x3;
	s17 =	sadd.s32 @!p1 s17, s18;
	s18 =	sshll.u32 @!p1 s20, $0x12  }
0x26: {  	s16 =	sadd.s32 @!p1 s16, s17;
	s17 =	sor.u32 @!p1 $0x800, s18;
	s18 =	simm.s32 @!p1 $0x61A800  }
0x27: {  	[tilespmem:s19], [sflag:$0x1] =	stream.strided.gather @!p1 [hbm4b:s16+s17], $0x1000, s18, s17, $0x38;
	[tilespmem:$0x4000] =	vst v63  }
0x28: {  	p1 =	sge.u32 s31, s6  }
.Ltmp2:
0x29: {  	_ = 	snop;
	(pc) =	sbr.rel @p1 .LBB1_7-.Ltmp2, $1  }
0x2a: {  	_ =	sdelay $0x3  }
0x2b: {  	s16 =	simm.s32 $0x1  }
0x2c: {  	s16 =	simm.s32 @!p0 $0x0  }
0x2d: {  	s17 =	sshll.u32 s12, $0xC;
	s16 =	sshll.u32 s16, $0xE  }
0x2e: {  	s18 =	sand.u32 $0x1000, s17;
	s17 =	sshrl.u32 s16, $0x2  }
0x2f: {  	v0 =	vmov s17;
	_ =	sdelay $0x1  }
0x30: {  	_ =	swait.ge [sflag:s4], $0x1000  }
0x31: {  	p2 =	por $0x1, $0x1;
	[sflag:s4] =	ssyncset.done $0x0  }
0x32: {  	[sflag:s4] =	ssyncadd.s32 $0xFFFFF000;
	s16 =	sor.u32 $0x2000, s18;
	s18 =	simm.s32 $0x0  }
.LBB1_3:
0x33: {  	_ = 	snop  }
0x34: {  	s19 =	sshll.u32 s18, $0xD  }
0x35: {  	s19 =	sshra.s32 s19, $0x2  }
0x36: {  	s21 =	sor.u32 $0x240, s19  }
0x37: {  	v1 =	vld.idx.msk [tilespmem:v0+s21+$0x430 ss:$0x1], $0xffff  }
0x38: {  	v2 =	vld.idx.msk [tilespmem:v0+s21+$0xFFFFFDD0 ss:$0x1], $0xffff  }
0x39: {  	s31 =	sshll.u32 s18, $0x4;
	v3 =	vld.idx.msk [tilespmem:v0+s21+$0xFFFFFDE0 ss:$0x1], $0xffff  }
0x3a: {  	s18 =	sshra.s32 s31, $0x2;
	v4 =	vld.idx.msk [tilespmem:v0+s21+$0xFFFFFDF0 ss:$0x1], $0xffff  }
0x3b: {  	s20 =	sadd.s32 $0x2000, s18;
	v5 =	vld.idx.msk [tilespmem:v0+s21+$0xFFFFFE00 ss:$0x1], $0xffff  }
0x3c: {  	s19 =	sadd.s32 s17, s20;
	v6 =	vld.idx.msk [tilespmem:v0+s21+$0xFFFFFE10 ss:$0x1], $0xffff  }
0x3d: {  	v7 =	vld.idx.msk [tilespmem:v0+s21+$0xFFFFFE20 ss:$0x1], $0xffff;
	[tilespmem:s19+$0xF80 ss:$0x8] =	vst.msk $0xffff, v1  }
0x3e: {  	v8 =	vld.idx.msk [tilespmem:v0+s21+$0x3E0 ss:$0x1], $0xffff;
	[tilespmem:s19+$0x80 ss:$0x8] =	vst.msk $0xffff, v2  }
0x3f: {  	v1 =	vld.idx.msk [tilespmem:v0+s21+$0xFFFFFE30 ss:$0x1], $0xffff;
	[tilespmem:s19+$0x100 ss:$0x8] =	vst.msk $0xffff, v3  }
0x40: {  	v2 =	vld.idx.msk [tilespmem:v0+s21+$0xFFFFFFC0 ss:$0x1], $0xffff;
	[tilespmem:s19+$0x180 ss:$0x8] =	vst.msk $0xffff, v4  }
0x41: {  	v3 =	vld.idx.msk [tilespmem:v0+s21+$0xFFFFFFD0 ss:$0x1], $0xffff;
	[tilespmem:s19+$0x200 ss:$0x8] =	vst.msk $0xffff, v5  }
0x42: {  	v4 =	vld.idx.msk [tilespmem:v0+s21+$0xFFFFFFE0 ss:$0x1], $0xffff;
	[tilespmem:s19+$0x280 ss:$0x8] =	vst.msk $0xffff, v6  }
0x43: {  	v5 =	vld.idx.msk [tilespmem:v0+s21+$0xFFFFFFF0 ss:$0x1], $0xffff;
	[tilespmem:s19+$0x300 ss:$0x8] =	vst.msk $0xffff, v7  }
0x44: {  	v6 =	vld.idx.msk [tilespmem:v0+s21+$0x0 ss:$0x1], $0xffff;
	[tilespmem:s19+$0xD00 ss:$0x8] =	vst.msk $0xffff, v8  }
0x45: {  	v7 =	vld.idx.msk [tilespmem:v0+s21+$0x3D0 ss:$0x1], $0xffff;
	[tilespmem:s19+$0x380 ss:$0x8] =	vst.msk $0xffff, v1  }
0x46: {  	v1 =	vld.idx.msk [tilespmem:v0+s21+$0x10 ss:$0x1], $0xffff;
	[tilespmem:s19+$0x400 ss:$0x8] =	vst.msk $0xffff, v2  }
0x47: {  	v2 =	vld.idx.msk [tilespmem:v0+s21+$0x20 ss:$0x1], $0xffff;
	[tilespmem:s19+$0x480 ss:$0x8] =	vst.msk $0xffff, v3  }
0x48: {  	v3 =	vld.idx.msk [tilespmem:v0+s21+$0x30 ss:$0x1], $0xffff;
	[tilespmem:s19+$0x500 ss:$0x8] =	vst.msk $0xffff, v4  }
0x49: {  	v4 =	vld.idx.msk [tilespmem:v0+s21+$0x1C0 ss:$0x1], $0xffff;
	[tilespmem:s19+$0x580 ss:$0x8] =	vst.msk $0xffff, v5  }
0x4a: {  	v5 =	vld.idx.msk [tilespmem:v0+s21+$0x1D0 ss:$0x1], $0xffff;
	[tilespmem:s19+$0x600 ss:$0x8] =	vst.msk $0xffff, v6  }
0x4b: {  	v6 =	vld.idx.msk [tilespmem:v0+s21+$0x1E0 ss:$0x1], $0xffff;
	[tilespmem:s19+$0xC80 ss:$0x8] =	vst.msk $0xffff, v7  }
0x4c: {  	[tilespmem:s19+$0x680 ss:$0x8] =	vst.msk $0xffff, v1;
	v1 =	vld.idx.msk [tilespmem:v0+s21+$0x1F0 ss:$0x1], $0xffff  }
0x4d: {  	[tilespmem:s19+$0x780 ss:$0x8] =	vst.msk $0xffff, v3;
	v3 =	vld.idx.msk [tilespmem:v0+s21+$0x210 ss:$0x1], $0xffff  }
0x4e: {  	[tilespmem:s19+$0x800 ss:$0x8] =	vst.msk $0xffff, v4;
	v4 =	vld.idx.msk [tilespmem:v0+s21+$0x220 ss:$0x1], $0xffff  }
0x4f: {  	[tilespmem:s19+$0x880 ss:$0x8] =	vst.msk $0xffff, v5;
	v5 =	vld.idx.msk [tilespmem:v0+s21+$0x230 ss:$0x1], $0xffff  }
0x50: {  	[tilespmem:s19+$0x900 ss:$0x8] =	vst.msk $0xffff, v6;
	v6 =	vld.idx.msk [tilespmem:v0+s21+$0x3C0 ss:$0x1], $0xffff  }
0x51: {  	[tilespmem:s19+$0x700 ss:$0x8] =	vst.msk $0xffff, v2;
	v2 =	vld.idx.msk [tilespmem:v0+s21+$0x200 ss:$0x1], $0xffff  }
0x52: {  	[tilespmem:s19+$0xA80 ss:$0x8] =	vst.msk $0xffff, v3;
	v3 =	vld.idx.msk [tilespmem:v0+s21+$0x3F0 ss:$0x1], $0xffff  }
0x53: {  	[tilespmem:s19+$0xB00 ss:$0x8] =	vst.msk $0xffff, v4;
	v4 =	vld.idx.msk [tilespmem:v0+s21+$0x400 ss:$0x1], $0xffff  }
0x54: {  	[tilespmem:s19+$0xB80 ss:$0x8] =	vst.msk $0xffff, v5;
	v5 =	vld.idx.msk [tilespmem:v0+s21+$0x410 ss:$0x1], $0xffff  }
0x55: {  	[tilespmem:s19+$0xC00 ss:$0x8] =	vst.msk $0xffff, v6;
	v6 =	vld.idx.msk [tilespmem:v0+s21+$0x420 ss:$0x1], $0xffff  }
0x56: {  	s18 =	sadd.s32 $0x80, s21;
	[tilespmem:s19+$0x980 ss:$0x8] =	vst.msk $0xffff, v1;
	v1 =	vld.idx.msk [tilespmem:v0+s21+$0xFFFFFDC0 ss:$0x1], $0xffff  }
0x57: {  	p1 =	por p2, p2;
	[tilespmem:s19+$0xA00 ss:$0x8] =	vst.msk $0xffff, v2;
	v2 =	vld.idx.msk [tilespmem:v0+s18+$0x430 ss:$0x1], $0xffff;
	s21 =	simm.s32 $0x2  }
.LBB1_4:
0x58: {  	p2 =	sne.s32 s21, $0x1;
	v7 =	vld.idx.msk [tilespmem:v0+s18+$0xFFFFFDD0 ss:$0x1], $0xffff;
	[tilespmem:s19+$0xD80 ss:$0x8] =	vst.msk $0xffff, v3  }
0x59: {  	v3 =	vld.idx.msk [tilespmem:v0+s18+$0xFFFFFDE0 ss:$0x1], $0xffff;
	[tilespmem:s19+$0xE00 ss:$0x8] =	vst.msk $0xffff, v4  }
0x5a: {  	v4 =	vld.idx.msk [tilespmem:v0+s18+$0xFFFFFDF0 ss:$0x1], $0xffff;
	[tilespmem:s19+$0xE80 ss:$0x8] =	vst.msk $0xffff, v5  }
0x5b: {  	s20 =	sadd.s32 $0x1, s20;
	v5 =	vld.idx.msk [tilespmem:v0+s18+$0xFFFFFE00 ss:$0x1], $0xffff;
	[tilespmem:s19+$0xF00 ss:$0x8] =	vst.msk $0xffff, v6  }
0x5c: {  	v6 =	vld.idx.msk [tilespmem:v0+s18+$0xFFFFFE10 ss:$0x1], $0xffff;
	[tilespmem:s19+$0x0 ss:$0x8] =	vst.msk $0xffff, v1;
	s19 =	sadd.s32 s17, s20  }
0x5d: {  	v1 =	vld.idx.msk [tilespmem:v0+s18+$0xFFFFFE20 ss:$0x1], $0xffff;
	[tilespmem:s19+$0xF80 ss:$0x8] =	vst.msk $0xffff, v2  }
0x5e: {  	[tilespmem:s19+$0x80 ss:$0x8] =	vst.msk $0xffff, v7;
	v2 =	vld.idx.msk [tilespmem:v0+s18+$0xFFFFFE30 ss:$0x1], $0xffff  }
0x5f: {  	[tilespmem:s19+$0x100 ss:$0x8] =	vst.msk $0xffff, v3;
	v3 =	vld.idx.msk [tilespmem:v0+s18+$0xFFFFFFC0 ss:$0x1], $0xffff  }
0x60: {  	[tilespmem:s19+$0x180 ss:$0x8] =	vst.msk $0xffff, v4;
	v4 =	vld.idx.msk [tilespmem:v0+s18+$0xFFFFFFD0 ss:$0x1], $0xffff  }
0x61: {  	[tilespmem:s19+$0x200 ss:$0x8] =	vst.msk $0xffff, v5;
	v5 =	vld.idx.msk [tilespmem:v0+s18+$0xFFFFFFE0 ss:$0x1], $0xffff  }
0x62: {  	[tilespmem:s19+$0x280 ss:$0x8] =	vst.msk $0xffff, v6;
	v6 =	vld.idx.msk [tilespmem:v0+s18+$0xFFFFFFF0 ss:$0x1], $0xffff  }
0x63: {  	[tilespmem:s19+$0x300 ss:$0x8] =	vst.msk $0xffff, v1;
	v1 =	vld.idx.msk [tilespmem:v0+s18+$0x0 ss:$0x1], $0xffff  }
0x64: {  	[tilespmem:s19+$0x380 ss:$0x8] =	vst.msk $0xffff, v2;
	v2 =	vld.idx.msk [tilespmem:v0+s18+$0x10 ss:$0x1], $0xffff  }
0x65: {  	[tilespmem:s19+$0x400 ss:$0x8] =	vst.msk $0xffff, v3;
	v3 =	vld.idx.msk [tilespmem:v0+s18+$0x20 ss:$0x1], $0xffff  }
0x66: {  	[tilespmem:s19+$0x480 ss:$0x8] =	vst.msk $0xffff, v4;
	v4 =	vld.idx.msk [tilespmem:v0+s18+$0x30 ss:$0x1], $0xffff  }
0x67: {  	[tilespmem:s19+$0x500 ss:$0x8] =	vst.msk $0xffff, v5;
	v5 =	vld.idx.msk [tilespmem:v0+s18+$0x1C0 ss:$0x1], $0xffff  }
0x68: {  	[tilespmem:s19+$0x580 ss:$0x8] =	vst.msk $0xffff, v6;
	v6 =	vld.idx.msk [tilespmem:v0+s18+$0x1D0 ss:$0x1], $0xffff  }
0x69: {  	[tilespmem:s19+$0x600 ss:$0x8] =	vst.msk $0xffff, v1;
	v1 =	vld.idx.msk [tilespmem:v0+s18+$0x1E0 ss:$0x1], $0xffff  }
0x6a: {  	[tilespmem:s19+$0x680 ss:$0x8] =	vst.msk $0xffff, v2;
	v2 =	vld.idx.msk [tilespmem:v0+s18+$0x1F0 ss:$0x1], $0xffff  }
0x6b: {  	[tilespmem:s19+$0x700 ss:$0x8] =	vst.msk $0xffff, v3;
	v3 =	vld.idx.msk [tilespmem:v0+s18+$0x200 ss:$0x1], $0xffff  }
0x6c: {  	[tilespmem:s19+$0x780 ss:$0x8] =	vst.msk $0xffff, v4;
	v4 =	vld.idx.msk [tilespmem:v0+s18+$0x210 ss:$0x1], $0xffff  }
0x6d: {  	[tilespmem:s19+$0x800 ss:$0x8] =	vst.msk $0xffff, v5;
	v5 =	vld.idx.msk [tilespmem:v0+s18+$0x220 ss:$0x1], $0xffff  }
0x6e: {  	[tilespmem:s19+$0x880 ss:$0x8] =	vst.msk $0xffff, v6;
	v6 =	vld.idx.msk [tilespmem:v0+s18+$0x230 ss:$0x1], $0xffff  }
0x6f: {  	[tilespmem:s19+$0x900 ss:$0x8] =	vst.msk $0xffff, v1;
	v1 =	vld.idx.msk [tilespmem:v0+s18+$0x3C0 ss:$0x1], $0xffff  }
0x70: {  	[tilespmem:s19+$0x980 ss:$0x8] =	vst.msk $0xffff, v2;
	v2 =	vld.idx.msk [tilespmem:v0+s18+$0x3D0 ss:$0x1], $0xffff  }
0x71: {  	[tilespmem:s19+$0xA00 ss:$0x8] =	vst.msk $0xffff, v3;
	v7 =	vld.idx.msk [tilespmem:v0+s18+$0x3E0 ss:$0x1], $0xffff  }
0x72: {  	[tilespmem:s19+$0xA80 ss:$0x8] =	vst.msk $0xffff, v4;
	v3 =	vld.idx.msk [tilespmem:v0+s18+$0x3F0 ss:$0x1], $0xffff  }
.Ltmp3:
0x73: {  	[tilespmem:s19+$0xB00 ss:$0x8] =	vst.msk $0xffff, v5;
	v4 =	vld.idx.msk [tilespmem:v0+s18+$0x400 ss:$0x1], $0xffff;
	(pc) =	sbr.rel @p2 .LBB1_4-.Ltmp3, $4  }
0x74: {  	[tilespmem:s19+$0xB80 ss:$0x8] =	vst.msk $0xffff, v6;
	v5 =	vld.idx.msk [tilespmem:v0+s18+$0x410 ss:$0x1], $0xffff  }
0x75: {  	[tilespmem:s19+$0xC00 ss:$0x8] =	vst.msk $0xffff, v1;
	v6 =	vld.idx.msk [tilespmem:v0+s18+$0x420 ss:$0x1], $0xffff  }
0x76: {  	v1 =	vld.idx.msk [tilespmem:v0+s18+$0xFFFFFDC0 ss:$0x1], $0xffff;
	[tilespmem:s19+$0xC80 ss:$0x8] =	vst.msk $0xffff, v2;
	s18 =	sadd.s32 $0x80, s18  }
0x77: {  	s21 =	sadd.s32 $0xFFFFFFFF, s21;
	v2 =	vld.idx.msk [tilespmem:v0+s18+$0x430 ss:$0x1], $0xffff;
	[tilespmem:s19+$0xD00 ss:$0x8] =	vst.msk $0xffff, v7  }
0x78: {  	_ =	sdelay $0x2  }
0x79: {  	[tilespmem:s19+$0xD80 ss:$0x8] =	vst.msk $0xffff, v3  }
0x7a: {  	v3 =	vld.idx.msk [tilespmem:v0+s18+$0xFFFFFDD0 ss:$0x1], $0xffff;
	[tilespmem:s19+$0xE00 ss:$0x8] =	vst.msk $0xffff, v4  }
0x7b: {  	v49 =	vld.idx.msk [tilespmem:v0+s18+$0xFFFFFDE0 ss:$0x1], $0xffff;
	[tilespmem:s19+$0xE80 ss:$0x8] =	vst.msk $0xffff, v5  }
0x7c: {  	v50 =	vld.idx.msk [tilespmem:v0+s18+$0xFFFFFDF0 ss:$0x1], $0xffff;
	s20 =	sadd.s32 $0x1, s20;
	[tilespmem:s19+$0xF00 ss:$0x8] =	vst.msk $0xffff, v6  }
0x7d: {  	v51 =	vld.idx.msk [tilespmem:v0+s18+$0xFFFFFE00 ss:$0x1], $0xffff;
	s20 =	sadd.s32 s17, s20;
	[tilespmem:s19+$0x0 ss:$0x8] =	vst.msk $0xffff, v1  }
0x7e: {  	v52 =	vld.idx.msk [tilespmem:v0+s18+$0xFFFFFFC0 ss:$0x1], $0xffff;
	[tilespmem:s20+$0xF80 ss:$0x8] =	vst.msk $0xffff, v2  }
0x7f: {  	v53 =	vld.idx.msk [tilespmem:v0+s18+$0xFFFFFFD0 ss:$0x1], $0xffff;
	[tilespmem:s20+$0x80 ss:$0x8] =	vst.msk $0xffff, v3  }
0x80: {  	v54 =	vld.idx.msk [tilespmem:v0+s18+$0xFFFFFFE0 ss:$0x1], $0xffff;
	[tilespmem:s20+$0x100 ss:$0x8] =	vst.msk $0xffff, v49  }
0x81: {  	v55 =	vld.idx.msk [tilespmem:v0+s18+$0x20 ss:$0x1], $0xffff;
	[tilespmem:s20+$0x180 ss:$0x8] =	vst.msk $0xffff, v50  }
0x82: {  	v1 =	vld.idx.msk [tilespmem:v0+s18+$0xFFFFFE10 ss:$0x1], $0xffff;
	[tilespmem:s20+$0x200 ss:$0x8] =	vst.msk $0xffff, v51  }
0x83: {  	v2 =	vld.idx.msk [tilespmem:v0+s18+$0xFFFFFE20 ss:$0x1], $0xffff;
	[tilespmem:s20+$0x400 ss:$0x8] =	vst.msk $0xffff, v52  }
0x84: {  	v3 =	vld.idx.msk [tilespmem:v0+s18+$0xFFFFFE30 ss:$0x1], $0xffff;
	[tilespmem:s20+$0x480 ss:$0x8] =	vst.msk $0xffff, v53  }
0x85: {  	v56 =	vld.idx.msk [tilespmem:v0+s18+$0x30 ss:$0x1], $0xffff;
	[tilespmem:s20+$0x500 ss:$0x8] =	vst.msk $0xffff, v54  }
0x86: {  	v57 =	vld.idx.msk [tilespmem:v0+s18+$0x1C0 ss:$0x1], $0xffff;
	[tilespmem:s20+$0x700 ss:$0x8] =	vst.msk $0xffff, v55  }
0x87: {  	[tilespmem:s20+$0x280 ss:$0x8] =	vst.msk $0xffff, v1;
	v1 =	vld.idx.msk [tilespmem:v0+s18+$0xFFFFFFF0 ss:$0x1], $0xffff  }
0x88: {  	[tilespmem:s20+$0x300 ss:$0x8] =	vst.msk $0xffff, v2;
	v2 =	vld.idx.msk [tilespmem:v0+s18+$0x0 ss:$0x1], $0xffff  }
0x89: {  	[tilespmem:s20+$0x380 ss:$0x8] =	vst.msk $0xffff, v3;
	v3 =	vld.idx.msk [tilespmem:v0+s18+$0x10 ss:$0x1], $0xffff  }
0x8a: {  	v58 =	vld.idx.msk [tilespmem:v0+s18+$0x200 ss:$0x1], $0xffff;
	[tilespmem:s20+$0x780 ss:$0x8] =	vst.msk $0xffff, v56  }
0x8b: {  	v59 =	vld.idx.msk [tilespmem:v0+s18+$0x210 ss:$0x1], $0xffff;
	[tilespmem:s20+$0x800 ss:$0x8] =	vst.msk $0xffff, v57  }
0x8c: {  	[tilespmem:s20+$0x580 ss:$0x8] =	vst.msk $0xffff, v1;
	v1 =	vld.idx.msk [tilespmem:v0+s18+$0x1D0 ss:$0x1], $0xffff  }
0x8d: {  	[tilespmem:s20+$0x600 ss:$0x8] =	vst.msk $0xffff, v2;
	v2 =	vld.idx.msk [tilespmem:v0+s18+$0x1E0 ss:$0x1], $0xffff  }
0x8e: {  	[tilespmem:s20+$0x680 ss:$0x8] =	vst.msk $0xffff, v3;
	v3 =	vld.idx.msk [tilespmem:v0+s18+$0x1F0 ss:$0x1], $0xffff  }
0x8f: {  	v60 =	vld.idx.msk [tilespmem:v0+s18+$0x220 ss:$0x1], $0xffff;
	[tilespmem:s20+$0xA00 ss:$0x8] =	vst.msk $0xffff, v58  }
0x90: {  	v61 =	vld.idx.msk [tilespmem:v0+s18+$0x3E0 ss:$0x1], $0xffff;
	[tilespmem:s20+$0xA80 ss:$0x8] =	vst.msk $0xffff, v59  }
0x91: {  	[tilespmem:s20+$0x880 ss:$0x8] =	vst.msk $0xffff, v1;
	v1 =	vld.idx.msk [tilespmem:v0+s18+$0x230 ss:$0x1], $0xffff  }
0x92: {  	[tilespmem:s20+$0x900 ss:$0x8] =	vst.msk $0xffff, v2;
	v2 =	vld.idx.msk [tilespmem:v0+s18+$0x3C0 ss:$0x1], $0xffff  }
0x93: {  	[tilespmem:s20+$0x980 ss:$0x8] =	vst.msk $0xffff, v3;
	v3 =	vld.idx.msk [tilespmem:v0+s18+$0x3D0 ss:$0x1], $0xffff  }
0x94: {  	v62 =	vld.idx.msk [tilespmem:v0+s18+$0x3F0 ss:$0x1], $0xffff;
	[tilespmem:s20+$0xB00 ss:$0x8] =	vst.msk $0xffff, v60  }
0x95: {  	v63 =	vld.idx.msk [tilespmem:v0+s18+$0x400 ss:$0x1], $0xffff;
	[tilespmem:s20+$0xD00 ss:$0x8] =	vst.msk $0xffff, v61  }
0x96: {  	[tilespmem:s20+$0xB80 ss:$0x8] =	vst.msk $0xffff, v1;
	v1 =	vld.idx.msk [tilespmem:v0+s18+$0x410 ss:$0x1], $0xffff  }
0x97: {  	[tilespmem:s20+$0xC00 ss:$0x8] =	vst.msk $0xffff, v2;
	v2 =	vld.idx.msk [tilespmem:v0+s18+$0x420 ss:$0x1], $0xffff  }
0x98: {  	[tilespmem:s20+$0xC80 ss:$0x8] =	vst.msk $0xffff, v3;
	v3 =	vld.idx.msk [tilespmem:v0+s18+$0xFFFFFDC0 ss:$0x1], $0xffff  }
.Ltmp4:
0x99: {  	[tilespmem:s20+$0xD80 ss:$0x8] =	vst.msk $0xffff, v62;
	(pc) =	sbr.rel @p1 .LBB1_3-.Ltmp4, $4  }
0x9a: {  	[tilespmem:s20+$0xE00 ss:$0x8] =	vst.msk $0xffff, v63  }
0x9b: {  	[tilespmem:s20+$0xE80 ss:$0x8] =	vst.msk $0xffff, v1  }
0x9c: {  	[tilespmem:s20+$0xF00 ss:$0x8] =	vst.msk $0xffff, v2  }
0x9d: {  	p2 =	por $0x0, $0x0;
	s18 =	simm.s32 $0x1;
	[tilespmem:s20+$0x0 ss:$0x8] =	vst.msk $0xffff, v3  }
0x9e: {  	s15 =	sshll.u32 s15, $0x4  }
.Ltmp5:
0x9f: {  	s13 =	sshll.u32 s13, $0x5;
	s15 =	sand.u32 $0x10, s15;
	(pc) =	sbr.rel .LBB1_7-.Ltmp5, $4  }
0xa0: {  	s17 =	sshrl.u32 s14, $0x3;
	s31 =	sand.u32 $0x7, s14;
	s15 =	sadd.s32 s5, s15  }
0xa1: {  	s17 =	sand.u32 $0xF, s17;
	s14 =	sshll.u32 s31, $0x12;
	s13 =	sadd.s32 s13, s15  }
0xa2: {  	s14 =	sor.u32 $0x4, s14;
	s13 =	sadd.s32 s17, s13  }
0xa3: {  	[hbm4b:s13+s14] =	stream.strided.scatter [tilespmem:s16], [sflag:$0x2], $0x1000, s8, s14, $0x38;
	[tilespmem:$0x4000] =	vst v63  }
.LBB1_8:
0xa4: {  	_ =	sfence.sel $0x180000  }
0xa5: {  	s2 =	simm.s32 $0x1;
	[bflag:$0x0] =	sbarrier.arrive $0xFFFF  }
0xa6: {  	s31 =	simm.s32 $0x2;
	[sflag:s2] =	ssyncpa.u1 $0x1  }
0xa7: {  	[sflag:s31] =	ssyncpa.u1 $0x1  }
0xa8: {  	p0 =	sne.s32 s0, $0x0;
	_ =	strace $0x90000047  }
0xa9: {  	s0 =	sadd.s32 @!p0 $0x100000, s1;
	[bflag:$0x2] =	sbarrier.arrive $0xFFFF  }
0xaa: {  	[sflag:s0] =	ssyncadd.tile.s32 @!p0 $0x1;
	_ =	shalt  }
.Lfunc_end1:
_tile_overlayer_lowered:
.L_overlay_start_2:
0xab: {  	(tag) =	ssettag $0x2  }
0xac: {  	s0 =	rddreg [dreg:$0x0];
	s2 =	stileid.u32  }
0xad: {  	s1 =	rddreg [dreg:$0x1];
	p0 =	sne.s32 s2, $0x0  }
0xae: {  	s3 =	rddreg [dreg:$0x2];
	[bflag:$0x3] =	sbarrier.arrive $0xFFFF;
	s2 =	simm.s32 @!p0 $0x1C01  }
0xaf: {  	[timem:s3], [sflag:s2] =	dma.local @!p0 [hbm:s0], s1  }
0xb0: {  	s0 =	simm.s32 @!p0 $0x1  }
0xb1: {  	_ =	swait.ge @!p0 [sflag:s0], s1  }
0xb2: {  	s1 =	ssub.s32 @!p0 $0x0, s1;
	[sflag:s0] =	ssyncset.done @!p0 $0x0  }
0xb3: {  	[sflag:s0] =	ssyncadd.s32 @!p0 s1  }
0xb4: {  	[bflag:$0x3] =	sbarrier.arrive $0xFFFF  }
0xb5: {  	_ =	shalt  }

</sc_bundles>
